<compile_context>
chip_gen: v7x
topology: tpu7x:2x2x1
jax: 0.10.2.dev20260603
libtpu: 0.0.44.dev20260713+nightly
codegen_flags: <defaults>
</compile_context>

<pallas_src>
import functools

import jax
import jax.numpy as jnp
from jax import lax
from jax.experimental import pallas as pl
from jax.experimental.pallas import tpu as pltpu
from jax.experimental.pallas import tpu_sc as plsc

_N = 10000
_H = 5000
_M = 320000
_DIM = 64
_C = 80
_NW = 32
_B = 125
_NBLK = 80
_GRP = 2
_NG = _NBLK // _GRP

_HPAD = 5120
_NPAD = 10240



def _prep_math(x, wk, wv, q):
    k = jnp.dot(x, wk, preferred_element_type=jnp.float32)
    v = jnp.dot(x, wv, preferred_element_type=jnp.float32)
    s = jnp.sum(k * q, axis=1, keepdims=True) * (1.0 / 8.0)
    w = jnp.exp(s - jnp.max(s))
    return jnp.concatenate(
        [v * w, jnp.broadcast_to(w, (x.shape[0], _C - _DIM))], axis=1)


def _post_math(p_ref, wo, t):
    p = p_ref[0, :t, :] + p_ref[1, :t, :]
    num = p[:, :_DIM]
    den = p[:, _DIM:_DIM + 1]
    return jnp.maximum(
        jnp.dot(num / (den + 1e-16), wo, preferred_element_type=jnp.float32),
        0.0)


def _prep_body(x_ref, wk_ref, wv_ref, q_ref, o_ref):
    o_ref[...] = _prep_math(x_ref[...], wk_ref[...], wv_ref[...], q_ref[...])


def _prep(x, wk, wv, q):
    n = x.shape[0]
    return pl.pallas_call(
        _prep_body,
        out_shape=jax.ShapeDtypeStruct((n, _C), jnp.float32),
    )(x, wk, wv, q.reshape(1, _DIM))


def _post_prep_body(p_ref, wo_ref, wk_ref, wv_ref, q_ref, o_ref):
    y = _post_math(p_ref, wo_ref[...], o_ref.shape[0])
    o_ref[...] = _prep_math(y, wk_ref[...], wv_ref[...], q_ref[...])


def _post_prep(partials, wo, wk, wv, q, t):
    return pl.pallas_call(
        _post_prep_body,
        out_shape=jax.ShapeDtypeStruct((t, _C), jnp.float32),
    )(partials, wo, wk, wv, q.reshape(1, _DIM))


def _post_cat_prep_body(p_ref, wo_ref, x_ref, wk_ref, wv_ref, q_ref,
                        tab_ref, x2_ref):
    y = _post_math(p_ref, wo_ref[...], x_ref.shape[0])
    x2 = jnp.concatenate([x_ref[...], y], axis=1)
    x2_ref[...] = x2
    tab_ref[...] = _prep_math(x2, wk_ref[...], wv_ref[...], q_ref[...])


def _post_cat_prep(partials, wo, x, wk, wv, q):
    n, d = x.shape
    return pl.pallas_call(
        _post_cat_prep_body,
        out_shape=[jax.ShapeDtypeStruct((n, _C), jnp.float32),
                   jax.ShapeDtypeStruct((n, d + _DIM), jnp.float32)],
    )(partials, wo, x, wk, wv, q.reshape(1, _DIM))


def _post_cat_head_body(p_ref, wo_ref, x_ref, w1_ref, b1_ref, w2_ref, b2_ref,
                        o_ref):
    y = _post_math(p_ref, wo_ref[...], x_ref.shape[0])
    x2 = jnp.concatenate([x_ref[...], y], axis=1)
    h = jnp.dot(x2, w1_ref[...], preferred_element_type=jnp.float32)
    h = jnp.maximum(h + b1_ref[...], 0.0)
    logits = jnp.dot(h, w2_ref[...], preferred_element_type=jnp.float32)
    logits = logits + b2_ref[...]
    m = jnp.max(logits, axis=1, keepdims=True)
    shifted = logits - m
    lse = jnp.log(jnp.sum(jnp.exp(shifted), axis=1, keepdims=True))
    o_ref[...] = shifted - lse


def _post_cat_head(partials, wo, x, w1, b1, w2, b2):
    n, nc = x.shape[0], w2.shape[1]
    return pl.pallas_call(
        _post_cat_head_body,
        out_shape=jax.ShapeDtypeStruct((n, nc), jnp.float32),
    )(partials, wo, x, w1, b1.reshape(1, -1), w2, b2.reshape(1, -1))



def _seg_sum_kernel(tpad):
    stripe = tpad // 16
    mesh = plsc.VectorSubcoreMesh(core_axis_name="c", subcore_axis_name="s")

    @functools.partial(
        pl.kernel,
        out_type=jax.ShapeDtypeStruct((2, tpad, _C), jnp.float32),
        mesh=mesh,
        scratch_types=[
            pltpu.VMEM((_NBLK, _B), jnp.int32),
            pltpu.VMEM((_NBLK, _B), jnp.int32),
            pltpu.VMEM((2, _GRP, _B, _C), jnp.float32),
            pltpu.VMEM_SHARED((tpad, _C), jnp.float32),
            pltpu.SemaphoreType.DMA,
            pltpu.SemaphoreType.DMA,
        ],
        compiler_params=pltpu.CompilerParams(use_tc_tiling_on_sc=False),
    )
    def k(table, map3, seg3, zeros, out, idx_v, seg_v, rows_v, acc,
          sem_g, sem_s):
        c = lax.axis_index("c")
        s = lax.axis_index("s")
        wid = s * 2 + c
        row0 = s * stripe
        d0 = pltpu.async_copy(zeros.at[pl.ds(row0, stripe)],
                              acc.at[pl.ds(row0, stripe)], sem_g)
        d1 = pltpu.async_copy(map3.at[wid], idx_v, sem_g)
        d2 = pltpu.async_copy(seg3.at[wid], seg_v, sem_g)
        d0.wait()
        d1.wait()
        d2.wait()
        plsc.subcore_barrier()

        def fire_gathers(g, bank):
            for i in range(_GRP):
                pltpu.async_copy(table.at[idx_v.at[g * _GRP + i]],
                                 rows_v.at[bank, i], sem_g)

        def drain_gathers(g, bank):
            for i in range(_GRP):
                pltpu.make_async_copy(table.at[idx_v.at[g * _GRP + i]],
                                      rows_v.at[bank, i], sem_g).wait()

        def fire_scatters(g, bank):
            for i in range(_GRP):
                pltpu.async_copy(rows_v.at[bank, i],
                                 acc.at[seg_v.at[g * _GRP + i]],
                                 sem_s, add=True)

        def drain_scatters(g, bank):
            for i in range(_GRP):
                pltpu.make_async_copy(rows_v.at[bank, i],
                                      acc.at[seg_v.at[g * _GRP + i]],
                                      sem_s).wait()

        fire_gathers(0, 0)

        def body(g, carry):
            bank = lax.rem(g, 2)
            drain_gathers(g, bank)
            pl.when(g > 0)(lambda: drain_scatters(g - 1, 1 - bank))
            pl.when(g + 1 < _NG)(lambda: fire_gathers(g + 1, 1 - bank))
            fire_scatters(g, bank)
            return carry

        lax.fori_loop(0, _NG, body, 0)
        drain_scatters(_NG - 1, (_NG - 1) % 2)
        plsc.subcore_barrier()
        pltpu.sync_copy(acc.at[pl.ds(row0, stripe)],
                        out.at[c, pl.ds(row0, stripe)])

    return k


def _seg_sum(table, map3, seg3, tpad):
    zeros = jnp.zeros((tpad, _C), jnp.float32)
    return _seg_sum_kernel(tpad)(table, map3, seg3, zeros)



def kernel(node_x, nodes_map, node2edge_seg, edges_map, edge2node_seg,
           n2e_Wk0, n2e_Wv0, n2e_q0, n2e_Wo0,
           e2n_Wk0, e2n_Wv0, e2n_q0, e2n_Wo0,
           n2e_Wk1, n2e_Wv1, n2e_q1, n2e_Wo1,
           e2n_Wk1, e2n_Wv1, e2n_q1, e2n_Wo1,
           out_W1, out_b1, out_W2, out_b2):
    nm3 = nodes_map.reshape(_NW, _NBLK, _B)
    ns3 = node2edge_seg.reshape(_NW, _NBLK, _B)
    em3 = edges_map.reshape(_NW, _NBLK, _B)
    es3 = edge2node_seg.reshape(_NW, _NBLK, _B)

    n2e = [(n2e_Wk0, n2e_Wv0, n2e_q0, n2e_Wo0),
           (n2e_Wk1, n2e_Wv1, n2e_q1, n2e_Wo1)]
    e2n = [(e2n_Wk0, e2n_Wv0, e2n_q0, e2n_Wo0),
           (e2n_Wk1, e2n_Wv1, e2n_q1, e2n_Wo1)]

    x = node_x
    table = _prep(x, *n2e[0][:3])
    for i in range(2):
        part = _seg_sum(table, nm3, ns3, _HPAD)
        table = _post_prep(part, n2e[i][3], *e2n[i][:3], _H)
        part = _seg_sum(table, em3, es3, _NPAD)
        if i == 0:
            table, x = _post_cat_prep(part, e2n[i][3], x, *n2e[i + 1][:3])
        else:
            return _post_cat_head(part, e2n[i][3], x,
                                  out_W1, out_b1, out_W2, out_b2)

# --- scband reference (transcript-rebuilt; emitter-appended) ---
"""Pipeline reference for scband-shgnn-88175678587255 (READ-ONLY COPY).

The authoritative reference and input builder live on the scoring server;
editing this copy changes nothing except your own understanding.
"""

import jax, jax.numpy as jnp
import numpy as np

N = 10000
H = 5000
M = 320000
DF = 128
DIM = 64
NC = 40
NUM_LAYERS = 2


def _glorot(k, shape):
    fan_in = shape[0]
    fan_out = shape[-1] if len(shape) > 1 else shape[0]
    s = (2.0 / (fan_in + fan_out)) ** 0.5
    return jax.random.normal(k, shape, dtype=jnp.float32) * s


def setup_inputs(seed: int = 0):
    key = jax.random.key(seed)
    ks = jax.random.split(key, 40)
    inp = {}
    inp['node_x'] = jax.random.normal(ks[0], (N, DF), dtype=jnp.float32)
    inp['nodes_map'] = jax.random.randint(ks[1], (M,), 0, N, dtype=jnp.int32)
    inp['node2edge_seg'] = jnp.sort(jax.random.randint(ks[2], (M,), 0, H, dtype=jnp.int32))
    inp['edges_map'] = jax.random.randint(ks[3], (M,), 0, H, dtype=jnp.int32)
    inp['edge2node_seg'] = jnp.sort(jax.random.randint(ks[4], (M,), 0, N, dtype=jnp.int32))
    in_dims = [DF, DF + DIM]
    idx = 5
    for i in range(NUM_LAYERS):
        d_in = in_dims[i]
        inp['n2e_Wk%d' % i] = _glorot(ks[idx], (d_in, DIM)); idx += 1
        inp['n2e_Wv%d' % i] = _glorot(ks[idx], (d_in, DIM)); idx += 1
        inp['n2e_q%d' % i] = _glorot(ks[idx], (DIM,)); idx += 1
        inp['n2e_Wo%d' % i] = _glorot(ks[idx], (DIM, DIM)); idx += 1
        inp['e2n_Wk%d' % i] = _glorot(ks[idx], (DIM, DIM)); idx += 1
        inp['e2n_Wv%d' % i] = _glorot(ks[idx], (DIM, DIM)); idx += 1
        inp['e2n_q%d' % i] = _glorot(ks[idx], (DIM,)); idx += 1
        inp['e2n_Wo%d' % i] = _glorot(ks[idx], (DIM, DIM)); idx += 1
    inp['out_W1'] = _glorot(ks[idx], (DF + NUM_LAYERS * DIM, 2 * DIM)); idx += 1
    inp['out_b1'] = jnp.zeros((2 * DIM,), dtype=jnp.float32)
    inp['out_W2'] = _glorot(ks[idx], (2 * DIM, NC)); idx += 1
    inp['out_b2'] = jnp.zeros((NC,), dtype=jnp.float32)
    return inp


def _pma(x, seg, num_seg, Wk, Wv, q, Wo):
    # Pooling by Multihead Attention (1 head): learnable seed query q attends
    # over the elements of each segment; output is attention-weighted sum of V.
    Kx = x @ Wk
    V = x @ Wv
    score = jnp.sum(Kx * q, axis=-1) / jnp.sqrt(jnp.float32(DIM))
    smax = jax.ops.segment_max(score, seg, num_segments=num_seg)
    smax = jax.lax.stop_gradient(jnp.where(jnp.isfinite(smax), smax, 0.0))
    ex = jnp.exp(score - smax[seg])
    denom = jax.ops.segment_sum(ex, seg, num_segments=num_seg)
    alpha = ex / (denom[seg] + 1e-16)
    out = jax.ops.segment_sum(alpha[:, None] * V, seg, num_segments=num_seg)
    return out @ Wo


def reference(node_x, nodes_map, node2edge_seg, edges_map, edge2node_seg,
              n2e_Wk0, n2e_Wv0, n2e_q0, n2e_Wo0, e2n_Wk0, e2n_Wv0, e2n_q0, e2n_Wo0,
              n2e_Wk1, n2e_Wv1, n2e_q1, n2e_Wo1, e2n_Wk1, e2n_Wv1, e2n_q1, e2n_Wo1,
              out_W1, out_b1, out_W2, out_b2):
    n2e = [(n2e_Wk0, n2e_Wv0, n2e_q0, n2e_Wo0), (n2e_Wk1, n2e_Wv1, n2e_q1, n2e_Wo1)]
    e2n = [(e2n_Wk0, e2n_Wv0, e2n_q0, e2n_Wo0), (e2n_Wk1, e2n_Wv1, e2n_q1, e2n_Wo1)]
    x = node_x  # dropout is identity in eval mode
    for i in range(NUM_LAYERS):
        xs = x
        # node -> hyperedge: gather node copies per incidence, PMA-pool into hyperedges
        copied_nodes = x[nodes_map]
        edge_x = jax.nn.relu(_pma(copied_nodes, node2edge_seg, H, *n2e[i]))
        # hyperedge -> node: gather hyperedge copies per incidence, PMA-pool into nodes
        copied_edges = edge_x[edges_map]
        nx = jax.nn.relu(_pma(copied_edges, edge2node_seg, N, *e2n[i]))
        x = jnp.concatenate([xs, nx], axis=1)  # skip-concat, as in torch forward
    h = jax.nn.relu(x @ out_W1 + out_b1)
    logits = h @ out_W2 + out_b2
    return jax.nn.log_softmax(logits, axis=-1)

if __name__ == "__main__":
    import jax
    _d = setup_inputs()
    print(jax.jit(kernel)(*tuple(_d.values())))

</pallas_src>

<mosaic_0001>
#map = affine_map<(d0, d1) -> (0, 0)>
#map1 = affine_map<(d0, d1) -> (0, 0, 0)>
module attributes {stable_mosaic.version = 14 : i64} {
  func.func @k(%arg0: i32, %arg1: i32, %arg2: memref<5000x80xf32, #tpu.memory_space<hbm>>, %arg3: memref<32x80x125xi32, #tpu.memory_space<hbm>>, %arg4: memref<32x80x125xi32, #tpu.memory_space<hbm>>, %arg5: memref<10240x80xf32, #tpu.memory_space<hbm>>, %arg6: memref<2x10240x80xf32, #tpu.memory_space<hbm>>, %arg7: memref<80x125xi32, #tpu.memory_space<vmem>>, %arg8: memref<80x125xi32, #tpu.memory_space<vmem>>, %arg9: memref<2x2x125x80xf32, #tpu.memory_space<vmem>>, %arg10: memref<10240x80xf32, #tpu.memory_space<vmem_shared>>, %arg11: memref<!tpu.dma_semaphore, #tpu.memory_space<semaphore_mem>>, %arg12: memref<!tpu.dma_semaphore, #tpu.memory_space<semaphore_mem>>) attributes {dimension_semantics = [#tpu.dimension_semantics<core_parallel>, #tpu.dimension_semantics<subcore_parallel>], iteration_bounds = array<i64: 2, 16>, scalar_prefetch = 0 : i64, scratch_operands = 6 : i64, tpu.core_type = #tpu.core_type<sc_vector_subcore>, window_params = [{transform_indices = #map}, {transform_indices = #map1}, {transform_indices = #map1}, {transform_indices = #map}, {transform_indices = #map1}]} {
    %mul3A = arith.constant 2 : i32
    %mul3A_0 = arith.muli %arg1, %mul3A : i32
    %add3A = arith.addi %mul3A_0, %arg0 : i32
    %mul3A_1 = arith.constant 640 : i32
    %mul3A_2 = arith.muli %arg1, %mul3A_1 : i32
    %dma_start3A = arith.constant 0 : i32
    %dma_start3A_3 = tpu.memref_slice %arg10[%mul3A_2, %dma_start3A] : memref<10240x80xf32, #tpu.memory_space<vmem_shared>> -> memref<640x80xf32, #tpu.memory_space<vmem_shared>>
    %dma_start3A_4 = arith.constant 0 : i32
    %dma_start3A_5 = tpu.memref_slice %arg5[%mul3A_2, %dma_start3A_4] : memref<10240x80xf32, #tpu.memory_space<hbm>> -> memref<640x80xf32, #tpu.memory_space<hbm>>
    tpu.enqueue_dma source(%dma_start3A_5 : memref<640x80xf32, #tpu.memory_space<hbm>>) target(%dma_start3A_3 : memref<640x80xf32, #tpu.memory_space<vmem_shared>>) target_semaphore(%arg11 : memref<!tpu.dma_semaphore, #tpu.memory_space<semaphore_mem>>)
    %dma_start3A_6 = arith.constant 0 : i32
    %dma_start3A_7 = arith.constant 0 : i32
    %dma_start3A_8 = tpu.memref_slice %arg3[%add3A, %dma_start3A_6, %dma_start3A_7] : memref<32x80x125xi32, #tpu.memory_space<hbm>> -> memref<1x80x125xi32, #tpu.memory_space<hbm>>
    %dma_start3A_9 = tpu.memref_squeeze %dma_start3A_8 : memref<1x80x125xi32, #tpu.memory_space<hbm>> -> memref<80x125xi32, #tpu.memory_space<hbm>>
    %dma_start3A_10 = arith.constant 0 : i32
    %dma_start3A_11 = arith.constant 0 : i32
    %dma_start3A_12 = tpu.memref_slice %arg3[%add3A, %dma_start3A_10, %dma_start3A_11] : memref<32x80x125xi32, #tpu.memory_space<hbm>> -> memref<1x80x125xi32, #tpu.memory_space<hbm>>
    %dma_start3A_13 = tpu.memref_squeeze %dma_start3A_12 : memref<1x80x125xi32, #tpu.memory_space<hbm>> -> memref<80x125xi32, #tpu.memory_space<hbm>>
    tpu.enqueue_dma source(%dma_start3A_13 : memref<80x125xi32, #tpu.memory_space<hbm>>) target(%arg7 : memref<80x125xi32, #tpu.memory_space<vmem>>) target_semaphore(%arg11 : memref<!tpu.dma_semaphore, #tpu.memory_space<semaphore_mem>>)
    %dma_start3A_14 = arith.constant 0 : i32
    %dma_start3A_15 = arith.constant 0 : i32
    %dma_start3A_16 = tpu.memref_slice %arg4[%add3A, %dma_start3A_14, %dma_start3A_15] : memref<32x80x125xi32, #tpu.memory_space<hbm>> -> memref<1x80x125xi32, #tpu.memory_space<hbm>>
    %dma_start3A_17 = tpu.memref_squeeze %dma_start3A_16 : memref<1x80x125xi32, #tpu.memory_space<hbm>> -> memref<80x125xi32, #tpu.memory_space<hbm>>
    %dma_start3A_18 = arith.constant 0 : i32
    %dma_start3A_19 = arith.constant 0 : i32
    %dma_start3A_20 = tpu.memref_slice %arg4[%add3A, %dma_start3A_18, %dma_start3A_19] : memref<32x80x125xi32, #tpu.memory_space<hbm>> -> memref<1x80x125xi32, #tpu.memory_space<hbm>>
    %dma_start3A_21 = tpu.memref_squeeze %dma_start3A_20 : memref<1x80x125xi32, #tpu.memory_space<hbm>> -> memref<80x125xi32, #tpu.memory_space<hbm>>
    tpu.enqueue_dma source(%dma_start3A_21 : memref<80x125xi32, #tpu.memory_space<hbm>>) target(%arg8 : memref<80x125xi32, #tpu.memory_space<vmem>>) target_semaphore(%arg11 : memref<!tpu.dma_semaphore, #tpu.memory_space<semaphore_mem>>)
    %dma_wait3A = arith.constant 0 : i32
    %dma_wait3A_22 = tpu.memref_slice %arg10[%mul3A_2, %dma_wait3A] : memref<10240x80xf32, #tpu.memory_space<vmem_shared>> -> memref<640x80xf32, #tpu.memory_space<vmem_shared>>
    %dma_wait3A_23 = arith.constant 0 : i32
    %dma_wait3A_24 = tpu.memref_slice %arg5[%mul3A_2, %dma_wait3A_23] : memref<10240x80xf32, #tpu.memory_space<hbm>> -> memref<640x80xf32, #tpu.memory_space<hbm>>
    tpu.wait_dma2 semaphore(%arg11 : memref<!tpu.dma_semaphore, #tpu.memory_space<semaphore_mem>>) src(%dma_wait3A_24 : memref<640x80xf32, #tpu.memory_space<hbm>>) dst(%dma_wait3A_22 : memref<640x80xf32, #tpu.memory_space<vmem_shared>>)
    %dma_wait3A_25 = arith.constant 0 : i32
    %dma_wait3A_26 = arith.constant 0 : i32
    %dma_wait3A_27 = tpu.memref_slice %arg3[%add3A, %dma_wait3A_25, %dma_wait3A_26] : memref<32x80x125xi32, #tpu.memory_space<hbm>> -> memref<1x80x125xi32, #tpu.memory_space<hbm>>
    %dma_wait3A_28 = tpu.memref_squeeze %dma_wait3A_27 : memref<1x80x125xi32, #tpu.memory_space<hbm>> -> memref<80x125xi32, #tpu.memory_space<hbm>>
    %dma_wait3A_29 = arith.constant 0 : i32
    %dma_wait3A_30 = arith.constant 0 : i32
    %dma_wait3A_31 = tpu.memref_slice %arg3[%add3A, %dma_wait3A_29, %dma_wait3A_30] : memref<32x80x125xi32, #tpu.memory_space<hbm>> -> memref<1x80x125xi32, #tpu.memory_space<hbm>>
    %dma_wait3A_32 = tpu.memref_squeeze %dma_wait3A_31 : memref<1x80x125xi32, #tpu.memory_space<hbm>> -> memref<80x125xi32, #tpu.memory_space<hbm>>
    tpu.wait_dma2 semaphore(%arg11 : memref<!tpu.dma_semaphore, #tpu.memory_space<semaphore_mem>>) src(%dma_wait3A_32 : memref<80x125xi32, #tpu.memory_space<hbm>>) dst(%arg7 : memref<80x125xi32, #tpu.memory_space<vmem>>)
    %dma_wait3A_33 = arith.constant 0 : i32
    %dma_wait3A_34 = arith.constant 0 : i32
    %dma_wait3A_35 = tpu.memref_slice %arg4[%add3A, %dma_wait3A_33, %dma_wait3A_34] : memref<32x80x125xi32, #tpu.memory_space<hbm>> -> memref<1x80x125xi32, #tpu.memory_space<hbm>>
    %dma_wait3A_36 = tpu.memref_squeeze %dma_wait3A_35 : memref<1x80x125xi32, #tpu.memory_space<hbm>> -> memref<80x125xi32, #tpu.memory_space<hbm>>
    %dma_wait3A_37 = arith.constant 0 : i32
    %dma_wait3A_38 = arith.constant 0 : i32
    %dma_wait3A_39 = tpu.memref_slice %arg4[%add3A, %dma_wait3A_37, %dma_wait3A_38] : memref<32x80x125xi32, #tpu.memory_space<hbm>> -> memref<1x80x125xi32, #tpu.memory_space<hbm>>
    %dma_wait3A_40 = tpu.memref_squeeze %dma_wait3A_39 : memref<1x80x125xi32, #tpu.memory_space<hbm>> -> memref<80x125xi32, #tpu.memory_space<hbm>>
    tpu.wait_dma2 semaphore(%arg11 : memref<!tpu.dma_semaphore, #tpu.memory_space<semaphore_mem>>) src(%dma_wait3A_40 : memref<80x125xi32, #tpu.memory_space<hbm>>) dst(%arg8 : memref<80x125xi32, #tpu.memory_space<vmem>>)
    %barrier3A = arith.constant 0 : index
    tpu.barrier barrier_id(%barrier3A)
    %dma_start3A_41 = arith.constant 0 : i32
    %dma_start3A_42 = arith.constant 0 : i32
    %dma_start3A_43 = arith.constant 0 : i32
    %dma_start3A_44 = arith.constant 0 : i32
    %dma_start3A_45 = arith.constant 0 : i32
    %dma_start3A_46 = tpu.memref_slice %arg9[%dma_start3A_42, %dma_start3A_43, %dma_start3A_44, %dma_start3A_45] : memref<2x2x125x80xf32, #tpu.memory_space<vmem>> -> memref<1x1x125x80xf32, #tpu.memory_space<vmem>>
    %dma_start3A_47 = tpu.memref_squeeze %dma_start3A_46 : memref<1x1x125x80xf32, #tpu.memory_space<vmem>> -> memref<125x80xf32, #tpu.memory_space<vmem>>
    %dma_start3A_48 = arith.constant 0 : i32
    %dma_start3A_49 = tpu.memref_slice %arg7[%dma_start3A_41, %dma_start3A_48] : memref<80x125xi32, #tpu.memory_space<vmem>> -> memref<1x125xi32, #tpu.memory_space<vmem>>
    %dma_start3A_50 = tpu.memref_squeeze %dma_start3A_49 : memref<1x125xi32, #tpu.memory_space<vmem>> -> memref<125xi32, #tpu.memory_space<vmem>>
    %dma_start3A_51 = arith.constant 0 : i32
    %dma_start3A_52 = arith.constant 0 : i32
    %dma_start3A_53 = tpu.memref_slice %arg2[%dma_start3A_51, %dma_start3A_52] : memref<5000x80xf32, #tpu.memory_space<hbm>> -> memref<5000x80xf32, #tpu.memory_space<hbm>>
    tpu.enqueue_indirect_dma source(%dma_start3A_53 : memref<5000x80xf32, #tpu.memory_space<hbm>>) target(%dma_start3A_47 : memref<125x80xf32, #tpu.memory_space<vmem>>) offsets(%dma_start3A_50 : memref<125xi32, #tpu.memory_space<vmem>>) semaphore(%arg11 : memref<!tpu.dma_semaphore, #tpu.memory_space<semaphore_mem>>)
    %dma_start3A_54 = arith.constant 1 : i32
    %dma_start3A_55 = arith.constant 0 : i32
    %dma_start3A_56 = arith.constant 1 : i32
    %dma_start3A_57 = arith.constant 0 : i32
    %dma_start3A_58 = arith.constant 0 : i32
    %dma_start3A_59 = tpu.memref_slice %arg9[%dma_start3A_55, %dma_start3A_56, %dma_start3A_57, %dma_start3A_58] : memref<2x2x125x80xf32, #tpu.memory_space<vmem>> -> memref<1x1x125x80xf32, #tpu.memory_space<vmem>>
    %dma_start3A_60 = tpu.memref_squeeze %dma_start3A_59 : memref<1x1x125x80xf32, #tpu.memory_space<vmem>> -> memref<125x80xf32, #tpu.memory_space<vmem>>
    %dma_start3A_61 = arith.constant 0 : i32
    %dma_start3A_62 = tpu.memref_slice %arg7[%dma_start3A_54, %dma_start3A_61] : memref<80x125xi32, #tpu.memory_space<vmem>> -> memref<1x125xi32, #tpu.memory_space<vmem>>
    %dma_start3A_63 = tpu.memref_squeeze %dma_start3A_62 : memref<1x125xi32, #tpu.memory_space<vmem>> -> memref<125xi32, #tpu.memory_space<vmem>>
    %dma_start3A_64 = arith.constant 0 : i32
    %dma_start3A_65 = arith.constant 0 : i32
    %dma_start3A_66 = tpu.memref_slice %arg2[%dma_start3A_64, %dma_start3A_65] : memref<5000x80xf32, #tpu.memory_space<hbm>> -> memref<5000x80xf32, #tpu.memory_space<hbm>>
    tpu.enqueue_indirect_dma source(%dma_start3A_66 : memref<5000x80xf32, #tpu.memory_space<hbm>>) target(%dma_start3A_60 : memref<125x80xf32, #tpu.memory_space<vmem>>) offsets(%dma_start3A_63 : memref<125xi32, #tpu.memory_space<vmem>>) semaphore(%arg11 : memref<!tpu.dma_semaphore, #tpu.memory_space<semaphore_mem>>)
    %scan3A = arith.constant 0 : i32
    %scan3A_67 = arith.constant 0 : i32
    %scan3A_68 = arith.constant 40 : i32
    %scan3A_69 = arith.addi %scan3A_67, %scan3A_68 : i32
    %scan3A_70 = arith.constant 1 : i32
    scf.for %scan3A_99 = %scan3A_67 to %scan3A_69 step %scan3A_70  : i32 {
      %rem3A = arith.constant 2 : i32
      %rem3A_100 = arith.remsi %scan3A_99, %rem3A : i32
      %mul3A_101 = arith.constant 2 : i32
      %mul3A_102 = arith.muli %scan3A_99, %mul3A_101 : i32
      %add3A_103 = arith.constant 0 : i32
      %add3A_104 = arith.addi %mul3A_102, %add3A_103 : i32
      %dma_wait3A_105 = arith.constant 0 : i32
      %dma_wait3A_106 = arith.constant 0 : i32
      %dma_wait3A_107 = arith.constant 0 : i32
      %dma_wait3A_108 = tpu.memref_slice %arg9[%rem3A_100, %dma_wait3A_105, %dma_wait3A_106, %dma_wait3A_107] : memref<2x2x125x80xf32, #tpu.memory_space<vmem>> -> memref<1x1x125x80xf32, #tpu.memory_space<vmem>>
      %dma_wait3A_109 = tpu.memref_squeeze %dma_wait3A_108 : memref<1x1x125x80xf32, #tpu.memory_space<vmem>> -> memref<125x80xf32, #tpu.memory_space<vmem>>
      %dma_wait3A_110 = arith.constant 0 : i32
      %dma_wait3A_111 = tpu.memref_slice %arg7[%add3A_104, %dma_wait3A_110] : memref<80x125xi32, #tpu.memory_space<vmem>> -> memref<1x125xi32, #tpu.memory_space<vmem>>
      %dma_wait3A_112 = tpu.memref_squeeze %dma_wait3A_111 : memref<1x125xi32, #tpu.memory_space<vmem>> -> memref<125xi32, #tpu.memory_space<vmem>>
      %dma_wait3A_113 = arith.constant 0 : i32
      %dma_wait3A_114 = arith.constant 0 : i32
      %dma_wait3A_115 = tpu.memref_slice %arg2[%dma_wait3A_113, %dma_wait3A_114] : memref<5000x80xf32, #tpu.memory_space<hbm>> -> memref<5000x80xf32, #tpu.memory_space<hbm>>
      tpu.wait_indirect_dma semaphore(%arg11 : memref<!tpu.dma_semaphore, #tpu.memory_space<semaphore_mem>>) src(%dma_wait3A_115 : memref<5000x80xf32, #tpu.memory_space<hbm>>) dst(%dma_wait3A_109 : memref<125x80xf32, #tpu.memory_space<vmem>>)
      %mul3A_116 = arith.constant 2 : i32
      %mul3A_117 = arith.muli %scan3A_99, %mul3A_116 : i32
      %add3A_118 = arith.constant 1 : i32
      %add3A_119 = arith.addi %mul3A_117, %add3A_118 : i32
      %dma_wait3A_120 = arith.constant 1 : i32
      %dma_wait3A_121 = arith.constant 0 : i32
      %dma_wait3A_122 = arith.constant 0 : i32
      %dma_wait3A_123 = tpu.memref_slice %arg9[%rem3A_100, %dma_wait3A_120, %dma_wait3A_121, %dma_wait3A_122] : memref<2x2x125x80xf32, #tpu.memory_space<vmem>> -> memref<1x1x125x80xf32, #tpu.memory_space<vmem>>
      %dma_wait3A_124 = tpu.memref_squeeze %dma_wait3A_123 : memref<1x1x125x80xf32, #tpu.memory_space<vmem>> -> memref<125x80xf32, #tpu.memory_space<vmem>>
      %dma_wait3A_125 = arith.constant 0 : i32
      %dma_wait3A_126 = tpu.memref_slice %arg7[%add3A_119, %dma_wait3A_125] : memref<80x125xi32, #tpu.memory_space<vmem>> -> memref<1x125xi32, #tpu.memory_space<vmem>>
      %dma_wait3A_127 = tpu.memref_squeeze %dma_wait3A_126 : memref<1x125xi32, #tpu.memory_space<vmem>> -> memref<125xi32, #tpu.memory_space<vmem>>
      %dma_wait3A_128 = arith.constant 0 : i32
      %dma_wait3A_129 = arith.constant 0 : i32
      %dma_wait3A_130 = tpu.memref_slice %arg2[%dma_wait3A_128, %dma_wait3A_129] : memref<5000x80xf32, #tpu.memory_space<hbm>> -> memref<5000x80xf32, #tpu.memory_space<hbm>>
      tpu.wait_indirect_dma semaphore(%arg11 : memref<!tpu.dma_semaphore, #tpu.memory_space<semaphore_mem>>) src(%dma_wait3A_130 : memref<5000x80xf32, #tpu.memory_space<hbm>>) dst(%dma_wait3A_124 : memref<125x80xf32, #tpu.memory_space<vmem>>)
      %gt3A = arith.constant 0 : i32
      %gt3A_131 = arith.cmpi sgt, %scan3A_99, %gt3A : i32
      %convert_element_type3A = arith.extui %gt3A_131 : i1 to i32
      %cond3A = arith.constant 0 : i32
      %cond3A_132 = arith.cmpi ne, %convert_element_type3A, %cond3A : i32
      scf.if %cond3A_132 {
        %sub3A = arith.constant 1 : i32
        %sub3A_169 = arith.subi %scan3A_99, %sub3A : i32
        %sub3A_170 = arith.constant 1 : i32
        %sub3A_171 = arith.subi %sub3A_170, %rem3A_100 : i32
        %mul3A_172 = arith.constant 2 : i32
        %mul3A_173 = arith.muli %sub3A_169, %mul3A_172 : i32
        %add3A_174 = arith.constant 0 : i32
        %add3A_175 = arith.addi %mul3A_173, %add3A_174 : i32
        %dma_wait3A_176 = arith.constant 0 : i32
        %dma_wait3A_177 = arith.constant 0 : i32
        %dma_wait3A_178 = arith.constant 0 : i32
        %dma_wait3A_179 = tpu.memref_slice %arg9[%sub3A_171, %dma_wait3A_176, %dma_wait3A_177, %dma_wait3A_178] : memref<2x2x125x80xf32, #tpu.memory_space<vmem>> -> memref<1x1x125x80xf32, #tpu.memory_space<vmem>>
        %dma_wait3A_180 = tpu.memref_squeeze %dma_wait3A_179 : memref<1x1x125x80xf32, #tpu.memory_space<vmem>> -> memref<125x80xf32, #tpu.memory_space<vmem>>
        %dma_wait3A_181 = arith.constant 0 : i32
        %dma_wait3A_182 = tpu.memref_slice %arg8[%add3A_175, %dma_wait3A_181] : memref<80x125xi32, #tpu.memory_space<vmem>> -> memref<1x125xi32, #tpu.memory_space<vmem>>
        %dma_wait3A_183 = tpu.memref_squeeze %dma_wait3A_182 : memref<1x125xi32, #tpu.memory_space<vmem>> -> memref<125xi32, #tpu.memory_space<vmem>>
        %dma_wait3A_184 = arith.constant 0 : i32
        %dma_wait3A_185 = arith.constant 0 : i32
        %dma_wait3A_186 = tpu.memref_slice %arg10[%dma_wait3A_184, %dma_wait3A_185] : memref<10240x80xf32, #tpu.memory_space<vmem_shared>> -> memref<10240x80xf32, #tpu.memory_space<vmem_shared>>
        tpu.wait_indirect_dma semaphore(%arg12 : memref<!tpu.dma_semaphore, #tpu.memory_space<semaphore_mem>>) src(%dma_wait3A_180 : memref<125x80xf32, #tpu.memory_space<vmem>>) dst(%dma_wait3A_186 : memref<10240x80xf32, #tpu.memory_space<vmem_shared>>)
        %mul3A_187 = arith.constant 2 : i32
        %mul3A_188 = arith.muli %sub3A_169, %mul3A_187 : i32
        %add3A_189 = arith.constant 1 : i32
        %add3A_190 = arith.addi %mul3A_188, %add3A_189 : i32
        %dma_wait3A_191 = arith.constant 1 : i32
        %dma_wait3A_192 = arith.constant 0 : i32
        %dma_wait3A_193 = arith.constant 0 : i32
        %dma_wait3A_194 = tpu.memref_slice %arg9[%sub3A_171, %dma_wait3A_191, %dma_wait3A_192, %dma_wait3A_193] : memref<2x2x125x80xf32, #tpu.memory_space<vmem>> -> memref<1x1x125x80xf32, #tpu.memory_space<vmem>>
        %dma_wait3A_195 = tpu.memref_squeeze %dma_wait3A_194 : memref<1x1x125x80xf32, #tpu.memory_space<vmem>> -> memref<125x80xf32, #tpu.memory_space<vmem>>
        %dma_wait3A_196 = arith.constant 0 : i32
        %dma_wait3A_197 = tpu.memref_slice %arg8[%add3A_190, %dma_wait3A_196] : memref<80x125xi32, #tpu.memory_space<vmem>> -> memref<1x125xi32, #tpu.memory_space<vmem>>
        %dma_wait3A_198 = tpu.memref_squeeze %dma_wait3A_197 : memref<1x125xi32, #tpu.memory_space<vmem>> -> memref<125xi32, #tpu.memory_space<vmem>>
        %dma_wait3A_199 = arith.constant 0 : i32
        %dma_wait3A_200 = arith.constant 0 : i32
        %dma_wait3A_201 = tpu.memref_slice %arg10[%dma_wait3A_199, %dma_wait3A_200] : memref<10240x80xf32, #tpu.memory_space<vmem_shared>> -> memref<10240x80xf32, #tpu.memory_space<vmem_shared>>
        tpu.wait_indirect_dma semaphore(%arg12 : memref<!tpu.dma_semaphore, #tpu.memory_space<semaphore_mem>>) src(%dma_wait3A_195 : memref<125x80xf32, #tpu.memory_space<vmem>>) dst(%dma_wait3A_201 : memref<10240x80xf32, #tpu.memory_space<vmem_shared>>)
      } else {
      }
      %add3A_133 = arith.constant 1 : i32
      %add3A_134 = arith.addi %scan3A_99, %add3A_133 : i32
      %lt3A = arith.constant 40 : i32
      %lt3A_135 = arith.cmpi slt, %add3A_134, %lt3A : i32
      %convert_element_type3A_136 = arith.extui %lt3A_135 : i1 to i32
      %cond3A_137 = arith.constant 0 : i32
      %cond3A_138 = arith.cmpi ne, %convert_element_type3A_136, %cond3A_137 : i32
      scf.if %cond3A_138 {
        %add3A_169 = arith.constant 1 : i32
        %add3A_170 = arith.addi %scan3A_99, %add3A_169 : i32
        %sub3A = arith.constant 1 : i32
        %sub3A_171 = arith.subi %sub3A, %rem3A_100 : i32
        %mul3A_172 = arith.constant 2 : i32
        %mul3A_173 = arith.muli %add3A_170, %mul3A_172 : i32
        %add3A_174 = arith.constant 0 : i32
        %add3A_175 = arith.addi %mul3A_173, %add3A_174 : i32
        %dma_start3A_176 = arith.constant 0 : i32
        %dma_start3A_177 = arith.constant 0 : i32
        %dma_start3A_178 = arith.constant 0 : i32
        %dma_start3A_179 = tpu.memref_slice %arg9[%sub3A_171, %dma_start3A_176, %dma_start3A_177, %dma_start3A_178] : memref<2x2x125x80xf32, #tpu.memory_space<vmem>> -> memref<1x1x125x80xf32, #tpu.memory_space<vmem>>
        %dma_start3A_180 = tpu.memref_squeeze %dma_start3A_179 : memref<1x1x125x80xf32, #tpu.memory_space<vmem>> -> memref<125x80xf32, #tpu.memory_space<vmem>>
        %dma_start3A_181 = arith.constant 0 : i32
        %dma_start3A_182 = tpu.memref_slice %arg7[%add3A_175, %dma_start3A_181] : memref<80x125xi32, #tpu.memory_space<vmem>> -> memref<1x125xi32, #tpu.memory_space<vmem>>
        %dma_start3A_183 = tpu.memref_squeeze %dma_start3A_182 : memref<1x125xi32, #tpu.memory_space<vmem>> -> memref<125xi32, #tpu.memory_space<vmem>>
        %dma_start3A_184 = arith.constant 0 : i32
        %dma_start3A_185 = arith.constant 0 : i32
        %dma_start3A_186 = tpu.memref_slice %arg2[%dma_start3A_184, %dma_start3A_185] : memref<5000x80xf32, #tpu.memory_space<hbm>> -> memref<5000x80xf32, #tpu.memory_space<hbm>>
        tpu.enqueue_indirect_dma source(%dma_start3A_186 : memref<5000x80xf32, #tpu.memory_space<hbm>>) target(%dma_start3A_180 : memref<125x80xf32, #tpu.memory_space<vmem>>) offsets(%dma_start3A_183 : memref<125xi32, #tpu.memory_space<vmem>>) semaphore(%arg11 : memref<!tpu.dma_semaphore, #tpu.memory_space<semaphore_mem>>)
        %mul3A_187 = arith.constant 2 : i32
        %mul3A_188 = arith.muli %add3A_170, %mul3A_187 : i32
        %add3A_189 = arith.constant 1 : i32
        %add3A_190 = arith.addi %mul3A_188, %add3A_189 : i32
        %dma_start3A_191 = arith.constant 1 : i32
        %dma_start3A_192 = arith.constant 0 : i32
        %dma_start3A_193 = arith.constant 0 : i32
        %dma_start3A_194 = tpu.memref_slice %arg9[%sub3A_171, %dma_start3A_191, %dma_start3A_192, %dma_start3A_193] : memref<2x2x125x80xf32, #tpu.memory_space<vmem>> -> memref<1x1x125x80xf32, #tpu.memory_space<vmem>>
        %dma_start3A_195 = tpu.memref_squeeze %dma_start3A_194 : memref<1x1x125x80xf32, #tpu.memory_space<vmem>> -> memref<125x80xf32, #tpu.memory_space<vmem>>
        %dma_start3A_196 = arith.constant 0 : i32
        %dma_start3A_197 = tpu.memref_slice %arg7[%add3A_190, %dma_start3A_196] : memref<80x125xi32, #tpu.memory_space<vmem>> -> memref<1x125xi32, #tpu.memory_space<vmem>>
        %dma_start3A_198 = tpu.memref_squeeze %dma_start3A_197 : memref<1x125xi32, #tpu.memory_space<vmem>> -> memref<125xi32, #tpu.memory_space<vmem>>
        %dma_start3A_199 = arith.constant 0 : i32
        %dma_start3A_200 = arith.constant 0 : i32
        %dma_start3A_201 = tpu.memref_slice %arg2[%dma_start3A_199, %dma_start3A_200] : memref<5000x80xf32, #tpu.memory_space<hbm>> -> memref<5000x80xf32, #tpu.memory_space<hbm>>
        tpu.enqueue_indirect_dma source(%dma_start3A_201 : memref<5000x80xf32, #tpu.memory_space<hbm>>) target(%dma_start3A_195 : memref<125x80xf32, #tpu.memory_space<vmem>>) offsets(%dma_start3A_198 : memref<125xi32, #tpu.memory_space<vmem>>) semaphore(%arg11 : memref<!tpu.dma_semaphore, #tpu.memory_space<semaphore_mem>>)
      } else {
      }
      %mul3A_139 = arith.constant 2 : i32
      %mul3A_140 = arith.muli %scan3A_99, %mul3A_139 : i32
      %add3A_141 = arith.constant 0 : i32
      %add3A_142 = arith.addi %mul3A_140, %add3A_141 : i32
      %dma_start3A_143 = arith.constant 0 : i32
      %dma_start3A_144 = arith.constant 0 : i32
      %dma_start3A_145 = arith.constant 0 : i32
      %dma_start3A_146 = tpu.memref_slice %arg9[%rem3A_100, %dma_start3A_143, %dma_start3A_144, %dma_start3A_145] : memref<2x2x125x80xf32, #tpu.memory_space<vmem>> -> memref<1x1x125x80xf32, #tpu.memory_space<vmem>>
      %dma_start3A_147 = tpu.memref_squeeze %dma_start3A_146 : memref<1x1x125x80xf32, #tpu.memory_space<vmem>> -> memref<125x80xf32, #tpu.memory_space<vmem>>
      %dma_start3A_148 = arith.constant 0 : i32
      %dma_start3A_149 = tpu.memref_slice %arg8[%add3A_142, %dma_start3A_148] : memref<80x125xi32, #tpu.memory_space<vmem>> -> memref<1x125xi32, #tpu.memory_space<vmem>>
      %dma_start3A_150 = tpu.memref_squeeze %dma_start3A_149 : memref<1x125xi32, #tpu.memory_space<vmem>> -> memref<125xi32, #tpu.memory_space<vmem>>
      %dma_start3A_151 = arith.constant 0 : i32
      %dma_start3A_152 = arith.constant 0 : i32
      %dma_start3A_153 = tpu.memref_slice %arg10[%dma_start3A_151, %dma_start3A_152] : memref<10240x80xf32, #tpu.memory_space<vmem_shared>> -> memref<10240x80xf32, #tpu.memory_space<vmem_shared>>
      tpu.enqueue_indirect_dma source(%dma_start3A_147 : memref<125x80xf32, #tpu.memory_space<vmem>>) target(%dma_start3A_153 : memref<10240x80xf32, #tpu.memory_space<vmem_shared>>) offsets(%dma_start3A_150 : memref<125xi32, #tpu.memory_space<vmem>>) semaphore(%arg12 : memref<!tpu.dma_semaphore, #tpu.memory_space<semaphore_mem>>) {add = true}
      %mul3A_154 = arith.constant 2 : i32
      %mul3A_155 = arith.muli %scan3A_99, %mul3A_154 : i32
      %add3A_156 = arith.constant 1 : i32
      %add3A_157 = arith.addi %mul3A_155, %add3A_156 : i32
      %dma_start3A_158 = arith.constant 1 : i32
      %dma_start3A_159 = arith.constant 0 : i32
      %dma_start3A_160 = arith.constant 0 : i32
      %dma_start3A_161 = tpu.memref_slice %arg9[%rem3A_100, %dma_start3A_158, %dma_start3A_159, %dma_start3A_160] : memref<2x2x125x80xf32, #tpu.memory_space<vmem>> -> memref<1x1x125x80xf32, #tpu.memory_space<vmem>>
      %dma_start3A_162 = tpu.memref_squeeze %dma_start3A_161 : memref<1x1x125x80xf32, #tpu.memory_space<vmem>> -> memref<125x80xf32, #tpu.memory_space<vmem>>
      %dma_start3A_163 = arith.constant 0 : i32
      %dma_start3A_164 = tpu.memref_slice %arg8[%add3A_157, %dma_start3A_163] : memref<80x125xi32, #tpu.memory_space<vmem>> -> memref<1x125xi32, #tpu.memory_space<vmem>>
      %dma_start3A_165 = tpu.memref_squeeze %dma_start3A_164 : memref<1x125xi32, #tpu.memory_space<vmem>> -> memref<125xi32, #tpu.memory_space<vmem>>
      %dma_start3A_166 = arith.constant 0 : i32
      %dma_start3A_167 = arith.constant 0 : i32
      %dma_start3A_168 = tpu.memref_slice %arg10[%dma_start3A_166, %dma_start3A_167] : memref<10240x80xf32, #tpu.memory_space<vmem_shared>> -> memref<10240x80xf32, #tpu.memory_space<vmem_shared>>
      tpu.enqueue_indirect_dma source(%dma_start3A_162 : memref<125x80xf32, #tpu.memory_space<vmem>>) target(%dma_start3A_168 : memref<10240x80xf32, #tpu.memory_space<vmem_shared>>) offsets(%dma_start3A_165 : memref<125xi32, #tpu.memory_space<vmem>>) semaphore(%arg12 : memref<!tpu.dma_semaphore, #tpu.memory_space<semaphore_mem>>) {add = true}
    }
    %scan3A_71 = arith.constant 40 : i32
    %dma_wait3A_72 = arith.constant 1 : i32
    %dma_wait3A_73 = arith.constant 0 : i32
    %dma_wait3A_74 = arith.constant 78 : i32
    %dma_wait3A_75 = arith.constant 0 : i32
    %dma_wait3A_76 = arith.constant 0 : i32
    %dma_wait3A_77 = tpu.memref_slice %arg9[%dma_wait3A_72, %dma_wait3A_73, %dma_wait3A_75, %dma_wait3A_76] : memref<2x2x125x80xf32, #tpu.memory_space<vmem>> -> memref<1x1x125x80xf32, #tpu.memory_space<vmem>>
    %dma_wait3A_78 = tpu.memref_squeeze %dma_wait3A_77 : memref<1x1x125x80xf32, #tpu.memory_space<vmem>> -> memref<125x80xf32, #tpu.memory_space<vmem>>
    %dma_wait3A_79 = arith.constant 0 : i32
    %dma_wait3A_80 = tpu.memref_slice %arg8[%dma_wait3A_74, %dma_wait3A_79] : memref<80x125xi32, #tpu.memory_space<vmem>> -> memref<1x125xi32, #tpu.memory_space<vmem>>
    %dma_wait3A_81 = tpu.memref_squeeze %dma_wait3A_80 : memref<1x125xi32, #tpu.memory_space<vmem>> -> memref<125xi32, #tpu.memory_space<vmem>>
    %dma_wait3A_82 = arith.constant 0 : i32
    %dma_wait3A_83 = arith.constant 0 : i32
    %dma_wait3A_84 = tpu.memref_slice %arg10[%dma_wait3A_82, %dma_wait3A_83] : memref<10240x80xf32, #tpu.memory_space<vmem_shared>> -> memref<10240x80xf32, #tpu.memory_space<vmem_shared>>
    tpu.wait_indirect_dma semaphore(%arg12 : memref<!tpu.dma_semaphore, #tpu.memory_space<semaphore_mem>>) src(%dma_wait3A_78 : memref<125x80xf32, #tpu.memory_space<vmem>>) dst(%dma_wait3A_84 : memref<10240x80xf32, #tpu.memory_space<vmem_shared>>)
    %dma_wait3A_85 = arith.constant 1 : i32
    %dma_wait3A_86 = arith.constant 1 : i32
    %dma_wait3A_87 = arith.constant 79 : i32
    %dma_wait3A_88 = arith.constant 0 : i32
    %dma_wait3A_89 = arith.constant 0 : i32
    %dma_wait3A_90 = tpu.memref_slice %arg9[%dma_wait3A_85, %dma_wait3A_86, %dma_wait3A_88, %dma_wait3A_89] : memref<2x2x125x80xf32, #tpu.memory_space<vmem>> -> memref<1x1x125x80xf32, #tpu.memory_space<vmem>>
    %dma_wait3A_91 = tpu.memref_squeeze %dma_wait3A_90 : memref<1x1x125x80xf32, #tpu.memory_space<vmem>> -> memref<125x80xf32, #tpu.memory_space<vmem>>
    %dma_wait3A_92 = arith.constant 0 : i32
    %dma_wait3A_93 = tpu.memref_slice %arg8[%dma_wait3A_87, %dma_wait3A_92] : memref<80x125xi32, #tpu.memory_space<vmem>> -> memref<1x125xi32, #tpu.memory_space<vmem>>
    %dma_wait3A_94 = tpu.memref_squeeze %dma_wait3A_93 : memref<1x125xi32, #tpu.memory_space<vmem>> -> memref<125xi32, #tpu.memory_space<vmem>>
    %dma_wait3A_95 = arith.constant 0 : i32
    %dma_wait3A_96 = arith.constant 0 : i32
    %dma_wait3A_97 = tpu.memref_slice %arg10[%dma_wait3A_95, %dma_wait3A_96] : memref<10240x80xf32, #tpu.memory_space<vmem_shared>> -> memref<10240x80xf32, #tpu.memory_space<vmem_shared>>
    tpu.wait_indirect_dma semaphore(%arg12 : memref<!tpu.dma_semaphore, #tpu.memory_space<semaphore_mem>>) src(%dma_wait3A_91 : memref<125x80xf32, #tpu.memory_space<vmem>>) dst(%dma_wait3A_97 : memref<10240x80xf32, #tpu.memory_space<vmem_shared>>)
    %barrier3A_98 = arith.constant 0 : index
    tpu.barrier barrier_id(%barrier3A_98)
    "tpu.region"() ({
      %run_scoped3A = tpu.sem_alloc : memref<!tpu.dma_semaphore, #tpu.memory_space<semaphore_mem>>
      %dma_start3A_99 = arith.constant 0 : i32
      %dma_start3A_100 = tpu.memref_slice %arg6[%arg0, %mul3A_2, %dma_start3A_99] : memref<2x10240x80xf32, #tpu.memory_space<hbm>> -> memref<1x640x80xf32, #tpu.memory_space<hbm>>
      %dma_start3A_101 = tpu.memref_squeeze %dma_start3A_100 : memref<1x640x80xf32, #tpu.memory_space<hbm>> -> memref<640x80xf32, #tpu.memory_space<hbm>>
      %dma_start3A_102 = arith.constant 0 : i32
      %dma_start3A_103 = tpu.memref_slice %arg10[%mul3A_2, %dma_start3A_102] : memref<10240x80xf32, #tpu.memory_space<vmem_shared>> -> memref<640x80xf32, #tpu.memory_space<vmem_shared>>
      tpu.enqueue_dma source(%dma_start3A_103 : memref<640x80xf32, #tpu.memory_space<vmem_shared>>) target(%dma_start3A_101 : memref<640x80xf32, #tpu.memory_space<hbm>>) target_semaphore(%run_scoped3A : memref<!tpu.dma_semaphore, #tpu.memory_space<semaphore_mem>>)
      %dma_wait3A_104 = arith.constant 0 : i32
      %dma_wait3A_105 = tpu.memref_slice %arg6[%arg0, %mul3A_2, %dma_wait3A_104] : memref<2x10240x80xf32, #tpu.memory_space<hbm>> -> memref<1x640x80xf32, #tpu.memory_space<hbm>>
      %dma_wait3A_106 = tpu.memref_squeeze %dma_wait3A_105 : memref<1x640x80xf32, #tpu.memory_space<hbm>> -> memref<640x80xf32, #tpu.memory_space<hbm>>
      %dma_wait3A_107 = arith.constant 0 : i32
      %dma_wait3A_108 = tpu.memref_slice %arg10[%mul3A_2, %dma_wait3A_107] : memref<10240x80xf32, #tpu.memory_space<vmem_shared>> -> memref<640x80xf32, #tpu.memory_space<vmem_shared>>
      tpu.wait_dma2 semaphore(%run_scoped3A : memref<!tpu.dma_semaphore, #tpu.memory_space<semaphore_mem>>) src(%dma_wait3A_108 : memref<640x80xf32, #tpu.memory_space<vmem_shared>>) dst(%dma_wait3A_106 : memref<640x80xf32, #tpu.memory_space<hbm>>)
      tpu.yield
    }) : () -> ()
    return
  }
}

#map = affine_map<(d0, d1) -> (0, 0)>
#map1 = affine_map<(d0, d1) -> (0, 0, 0)>
module attributes {stable_mosaic.version = 14 : i64} {
  func.func @k(%arg0: i32, %arg1: i32, %arg2: memref<10000x80xf32, #tpu.memory_space<hbm>>, %arg3: memref<32x80x125xi32, #tpu.memory_space<hbm>>, %arg4: memref<32x80x125xi32, #tpu.memory_space<hbm>>, %arg5: memref<5120x80xf32, #tpu.memory_space<hbm>>, %arg6: memref<2x5120x80xf32, #tpu.memory_space<hbm>>, %arg7: memref<80x125xi32, #tpu.memory_space<vmem>>, %arg8: memref<80x125xi32, #tpu.memory_space<vmem>>, %arg9: memref<2x2x125x80xf32, #tpu.memory_space<vmem>>, %arg10: memref<5120x80xf32, #tpu.memory_space<vmem_shared>>, %arg11: memref<!tpu.dma_semaphore, #tpu.memory_space<semaphore_mem>>, %arg12: memref<!tpu.dma_semaphore, #tpu.memory_space<semaphore_mem>>) attributes {dimension_semantics = [#tpu.dimension_semantics<core_parallel>, #tpu.dimension_semantics<subcore_parallel>], iteration_bounds = array<i64: 2, 16>, scalar_prefetch = 0 : i64, scratch_operands = 6 : i64, tpu.core_type = #tpu.core_type<sc_vector_subcore>, window_params = [{transform_indices = #map}, {transform_indices = #map1}, {transform_indices = #map1}, {transform_indices = #map}, {transform_indices = #map1}]} {
    %mul3A = arith.constant 2 : i32
    %mul3A_0 = arith.muli %arg1, %mul3A : i32
    %add3A = arith.addi %mul3A_0, %arg0 : i32
    %mul3A_1 = arith.constant 320 : i32
    %mul3A_2 = arith.muli %arg1, %mul3A_1 : i32
    %dma_start3A = arith.constant 0 : i32
    %dma_start3A_3 = tpu.memref_slice %arg10[%mul3A_2, %dma_start3A] : memref<5120x80xf32, #tpu.memory_space<vmem_shared>> -> memref<320x80xf32, #tpu.memory_space<vmem_shared>>
    %dma_start3A_4 = arith.constant 0 : i32
    %dma_start3A_5 = tpu.memref_slice %arg5[%mul3A_2, %dma_start3A_4] : memref<5120x80xf32, #tpu.memory_space<hbm>> -> memref<320x80xf32, #tpu.memory_space<hbm>>
    tpu.enqueue_dma source(%dma_start3A_5 : memref<320x80xf32, #tpu.memory_space<hbm>>) target(%dma_start3A_3 : memref<320x80xf32, #tpu.memory_space<vmem_shared>>) target_semaphore(%arg11 : memref<!tpu.dma_semaphore, #tpu.memory_space<semaphore_mem>>)
    %dma_start3A_6 = arith.constant 0 : i32
    %dma_start3A_7 = arith.constant 0 : i32
    %dma_start3A_8 = tpu.memref_slice %arg3[%add3A, %dma_start3A_6, %dma_start3A_7] : memref<32x80x125xi32, #tpu.memory_space<hbm>> -> memref<1x80x125xi32, #tpu.memory_space<hbm>>
    %dma_start3A_9 = tpu.memref_squeeze %dma_start3A_8 : memref<1x80x125xi32, #tpu.memory_space<hbm>> -> memref<80x125xi32, #tpu.memory_space<hbm>>
    %dma_start3A_10 = arith.constant 0 : i32
    %dma_start3A_11 = arith.constant 0 : i32
    %dma_start3A_12 = tpu.memref_slice %arg3[%add3A, %dma_start3A_10, %dma_start3A_11] : memref<32x80x125xi32, #tpu.memory_space<hbm>> -> memref<1x80x125xi32, #tpu.memory_space<hbm>>
    %dma_start3A_13 = tpu.memref_squeeze %dma_start3A_12 : memref<1x80x125xi32, #tpu.memory_space<hbm>> -> memref<80x125xi32, #tpu.memory_space<hbm>>
    tpu.enqueue_dma source(%dma_start3A_13 : memref<80x125xi32, #tpu.memory_space<hbm>>) target(%arg7 : memref<80x125xi32, #tpu.memory_space<vmem>>) target_semaphore(%arg11 : memref<!tpu.dma_semaphore, #tpu.memory_space<semaphore_mem>>)
    %dma_start3A_14 = arith.constant 0 : i32
    %dma_start3A_15 = arith.constant 0 : i32
    %dma_start3A_16 = tpu.memref_slice %arg4[%add3A, %dma_start3A_14, %dma_start3A_15] : memref<32x80x125xi32, #tpu.memory_space<hbm>> -> memref<1x80x125xi32, #tpu.memory_space<hbm>>
    %dma_start3A_17 = tpu.memref_squeeze %dma_start3A_16 : memref<1x80x125xi32, #tpu.memory_space<hbm>> -> memref<80x125xi32, #tpu.memory_space<hbm>>
    %dma_start3A_18 = arith.constant 0 : i32
    %dma_start3A_19 = arith.constant 0 : i32
    %dma_start3A_20 = tpu.memref_slice %arg4[%add3A, %dma_start3A_18, %dma_start3A_19] : memref<32x80x125xi32, #tpu.memory_space<hbm>> -> memref<1x80x125xi32, #tpu.memory_space<hbm>>
    %dma_start3A_21 = tpu.memref_squeeze %dma_start3A_20 : memref<1x80x125xi32, #tpu.memory_space<hbm>> -> memref<80x125xi32, #tpu.memory_space<hbm>>
    tpu.enqueue_dma source(%dma_start3A_21 : memref<80x125xi32, #tpu.memory_space<hbm>>) target(%arg8 : memref<80x125xi32, #tpu.memory_space<vmem>>) target_semaphore(%arg11 : memref<!tpu.dma_semaphore, #tpu.memory_space<semaphore_mem>>)
    %dma_wait3A = arith.constant 0 : i32
    %dma_wait3A_22 = tpu.memref_slice %arg10[%mul3A_2, %dma_wait3A] : memref<5120x80xf32, #tpu.memory_space<vmem_shared>> -> memref<320x80xf32, #tpu.memory_space<vmem_shared>>
    %dma_wait3A_23 = arith.constant 0 : i32
    %dma_wait3A_24 = tpu.memref_slice %arg5[%mul3A_2, %dma_wait3A_23] : memref<5120x80xf32, #tpu.memory_space<hbm>> -> memref<320x80xf32, #tpu.memory_space<hbm>>
    tpu.wait_dma2 semaphore(%arg11 : memref<!tpu.dma_semaphore, #tpu.memory_space<semaphore_mem>>) src(%dma_wait3A_24 : memref<320x80xf32, #tpu.memory_space<hbm>>) dst(%dma_wait3A_22 : memref<320x80xf32, #tpu.memory_space<vmem_shared>>)
    %dma_wait3A_25 = arith.constant 0 : i32
    %dma_wait3A_26 = arith.constant 0 : i32
    %dma_wait3A_27 = tpu.memref_slice %arg3[%add3A, %dma_wait3A_25, %dma_wait3A_26] : memref<32x80x125xi32, #tpu.memory_space<hbm>> -> memref<1x80x125xi32, #tpu.memory_space<hbm>>
    %dma_wait3A_28 = tpu.memref_squeeze %dma_wait3A_27 : memref<1x80x125xi32, #tpu.memory_space<hbm>> -> memref<80x125xi32, #tpu.memory_space<hbm>>
    %dma_wait3A_29 = arith.constant 0 : i32
    %dma_wait3A_30 = arith.constant 0 : i32
    %dma_wait3A_31 = tpu.memref_slice %arg3[%add3A, %dma_wait3A_29, %dma_wait3A_30] : memref<32x80x125xi32, #tpu.memory_space<hbm>> -> memref<1x80x125xi32, #tpu.memory_space<hbm>>
    %dma_wait3A_32 = tpu.memref_squeeze %dma_wait3A_31 : memref<1x80x125xi32, #tpu.memory_space<hbm>> -> memref<80x125xi32, #tpu.memory_space<hbm>>
    tpu.wait_dma2 semaphore(%arg11 : memref<!tpu.dma_semaphore, #tpu.memory_space<semaphore_mem>>) src(%dma_wait3A_32 : memref<80x125xi32, #tpu.memory_space<hbm>>) dst(%arg7 : memref<80x125xi32, #tpu.memory_space<vmem>>)
    %dma_wait3A_33 = arith.constant 0 : i32
    %dma_wait3A_34 = arith.constant 0 : i32
    %dma_wait3A_35 = tpu.memref_slice %arg4[%add3A, %dma_wait3A_33, %dma_wait3A_34] : memref<32x80x125xi32, #tpu.memory_space<hbm>> -> memref<1x80x125xi32, #tpu.memory_space<hbm>>
    %dma_wait3A_36 = tpu.memref_squeeze %dma_wait3A_35 : memref<1x80x125xi32, #tpu.memory_space<hbm>> -> memref<80x125xi32, #tpu.memory_space<hbm>>
    %dma_wait3A_37 = arith.constant 0 : i32
    %dma_wait3A_38 = arith.constant 0 : i32
    %dma_wait3A_39 = tpu.memref_slice %arg4[%add3A, %dma_wait3A_37, %dma_wait3A_38] : memref<32x80x125xi32, #tpu.memory_space<hbm>> -> memref<1x80x125xi32, #tpu.memory_space<hbm>>
    %dma_wait3A_40 = tpu.memref_squeeze %dma_wait3A_39 : memref<1x80x125xi32, #tpu.memory_space<hbm>> -> memref<80x125xi32, #tpu.memory_space<hbm>>
    tpu.wait_dma2 semaphore(%arg11 : memref<!tpu.dma_semaphore, #tpu.memory_space<semaphore_mem>>) src(%dma_wait3A_40 : memref<80x125xi32, #tpu.memory_space<hbm>>) dst(%arg8 : memref<80x125xi32, #tpu.memory_space<vmem>>)
    %barrier3A = arith.constant 0 : index
    tpu.barrier barrier_id(%barrier3A)
    %dma_start3A_41 = arith.constant 0 : i32
    %dma_start3A_42 = arith.constant 0 : i32
    %dma_start3A_43 = arith.constant 0 : i32
    %dma_start3A_44 = arith.constant 0 : i32
    %dma_start3A_45 = arith.constant 0 : i32
    %dma_start3A_46 = tpu.memref_slice %arg9[%dma_start3A_42, %dma_start3A_43, %dma_start3A_44, %dma_start3A_45] : memref<2x2x125x80xf32, #tpu.memory_space<vmem>> -> memref<1x1x125x80xf32, #tpu.memory_space<vmem>>
    %dma_start3A_47 = tpu.memref_squeeze %dma_start3A_46 : memref<1x1x125x80xf32, #tpu.memory_space<vmem>> -> memref<125x80xf32, #tpu.memory_space<vmem>>
    %dma_start3A_48 = arith.constant 0 : i32
    %dma_start3A_49 = tpu.memref_slice %arg7[%dma_start3A_41, %dma_start3A_48] : memref<80x125xi32, #tpu.memory_space<vmem>> -> memref<1x125xi32, #tpu.memory_space<vmem>>
    %dma_start3A_50 = tpu.memref_squeeze %dma_start3A_49 : memref<1x125xi32, #tpu.memory_space<vmem>> -> memref<125xi32, #tpu.memory_space<vmem>>
    %dma_start3A_51 = arith.constant 0 : i32
    %dma_start3A_52 = arith.constant 0 : i32
    %dma_start3A_53 = tpu.memref_slice %arg2[%dma_start3A_51, %dma_start3A_52] : memref<10000x80xf32, #tpu.memory_space<hbm>> -> memref<10000x80xf32, #tpu.memory_space<hbm>>
    tpu.enqueue_indirect_dma source(%dma_start3A_53 : memref<10000x80xf32, #tpu.memory_space<hbm>>) target(%dma_start3A_47 : memref<125x80xf32, #tpu.memory_space<vmem>>) offsets(%dma_start3A_50 : memref<125xi32, #tpu.memory_space<vmem>>) semaphore(%arg11 : memref<!tpu.dma_semaphore, #tpu.memory_space<semaphore_mem>>)
    %dma_start3A_54 = arith.constant 1 : i32
    %dma_start3A_55 = arith.constant 0 : i32
    %dma_start3A_56 = arith.constant 1 : i32
    %dma_start3A_57 = arith.constant 0 : i32
    %dma_start3A_58 = arith.constant 0 : i32
    %dma_start3A_59 = tpu.memref_slice %arg9[%dma_start3A_55, %dma_start3A_56, %dma_start3A_57, %dma_start3A_58] : memref<2x2x125x80xf32, #tpu.memory_space<vmem>> -> memref<1x1x125x80xf32, #tpu.memory_space<vmem>>
    %dma_start3A_60 = tpu.memref_squeeze %dma_start3A_59 : memref<1x1x125x80xf32, #tpu.memory_space<vmem>> -> memref<125x80xf32, #tpu.memory_space<vmem>>
    %dma_start3A_61 = arith.constant 0 : i32
    %dma_start3A_62 = tpu.memref_slice %arg7[%dma_start3A_54, %dma_start3A_61] : memref<80x125xi32, #tpu.memory_space<vmem>> -> memref<1x125xi32, #tpu.memory_space<vmem>>
    %dma_start3A_63 = tpu.memref_squeeze %dma_start3A_62 : memref<1x125xi32, #tpu.memory_space<vmem>> -> memref<125xi32, #tpu.memory_space<vmem>>
    %dma_start3A_64 = arith.constant 0 : i32
    %dma_start3A_65 = arith.constant 0 : i32
    %dma_start3A_66 = tpu.memref_slice %arg2[%dma_start3A_64, %dma_start3A_65] : memref<10000x80xf32, #tpu.memory_space<hbm>> -> memref<10000x80xf32, #tpu.memory_space<hbm>>
    tpu.enqueue_indirect_dma source(%dma_start3A_66 : memref<10000x80xf32, #tpu.memory_space<hbm>>) target(%dma_start3A_60 : memref<125x80xf32, #tpu.memory_space<vmem>>) offsets(%dma_start3A_63 : memref<125xi32, #tpu.memory_space<vmem>>) semaphore(%arg11 : memref<!tpu.dma_semaphore, #tpu.memory_space<semaphore_mem>>)
    %scan3A = arith.constant 0 : i32
    %scan3A_67 = arith.constant 0 : i32
    %scan3A_68 = arith.constant 40 : i32
    %scan3A_69 = arith.addi %scan3A_67, %scan3A_68 : i32
    %scan3A_70 = arith.constant 1 : i32
    scf.for %scan3A_99 = %scan3A_67 to %scan3A_69 step %scan3A_70  : i32 {
      %rem3A = arith.constant 2 : i32
      %rem3A_100 = arith.remsi %scan3A_99, %rem3A : i32
      %mul3A_101 = arith.constant 2 : i32
      %mul3A_102 = arith.muli %scan3A_99, %mul3A_101 : i32
      %add3A_103 = arith.constant 0 : i32
      %add3A_104 = arith.addi %mul3A_102, %add3A_103 : i32
      %dma_wait3A_105 = arith.constant 0 : i32
      %dma_wait3A_106 = arith.constant 0 : i32
      %dma_wait3A_107 = arith.constant 0 : i32
      %dma_wait3A_108 = tpu.memref_slice %arg9[%rem3A_100, %dma_wait3A_105, %dma_wait3A_106, %dma_wait3A_107] : memref<2x2x125x80xf32, #tpu.memory_space<vmem>> -> memref<1x1x125x80xf32, #tpu.memory_space<vmem>>
      %dma_wait3A_109 = tpu.memref_squeeze %dma_wait3A_108 : memref<1x1x125x80xf32, #tpu.memory_space<vmem>> -> memref<125x80xf32, #tpu.memory_space<vmem>>
      %dma_wait3A_110 = arith.constant 0 : i32
      %dma_wait3A_111 = tpu.memref_slice %arg7[%add3A_104, %dma_wait3A_110] : memref<80x125xi32, #tpu.memory_space<vmem>> -> memref<1x125xi32, #tpu.memory_space<vmem>>
      %dma_wait3A_112 = tpu.memref_squeeze %dma_wait3A_111 : memref<1x125xi32, #tpu.memory_space<vmem>> -> memref<125xi32, #tpu.memory_space<vmem>>
      %dma_wait3A_113 = arith.constant 0 : i32
      %dma_wait3A_114 = arith.constant 0 : i32
      %dma_wait3A_115 = tpu.memref_slice %arg2[%dma_wait3A_113, %dma_wait3A_114] : memref<10000x80xf32, #tpu.memory_space<hbm>> -> memref<10000x80xf32, #tpu.memory_space<hbm>>
      tpu.wait_indirect_dma semaphore(%arg11 : memref<!tpu.dma_semaphore, #tpu.memory_space<semaphore_mem>>) src(%dma_wait3A_115 : memref<10000x80xf32, #tpu.memory_space<hbm>>) dst(%dma_wait3A_109 : memref<125x80xf32, #tpu.memory_space<vmem>>)
      %mul3A_116 = arith.constant 2 : i32
      %mul3A_117 = arith.muli %scan3A_99, %mul3A_116 : i32
      %add3A_118 = arith.constant 1 : i32
      %add3A_119 = arith.addi %mul3A_117, %add3A_118 : i32
      %dma_wait3A_120 = arith.constant 1 : i32
      %dma_wait3A_121 = arith.constant 0 : i32
      %dma_wait3A_122 = arith.constant 0 : i32
      %dma_wait3A_123 = tpu.memref_slice %arg9[%rem3A_100, %dma_wait3A_120, %dma_wait3A_121, %dma_wait3A_122] : memref<2x2x125x80xf32, #tpu.memory_space<vmem>> -> memref<1x1x125x80xf32, #tpu.memory_space<vmem>>
      %dma_wait3A_124 = tpu.memref_squeeze %dma_wait3A_123 : memref<1x1x125x80xf32, #tpu.memory_space<vmem>> -> memref<125x80xf32, #tpu.memory_space<vmem>>
      %dma_wait3A_125 = arith.constant 0 : i32
      %dma_wait3A_126 = tpu.memref_slice %arg7[%add3A_119, %dma_wait3A_125] : memref<80x125xi32, #tpu.memory_space<vmem>> -> memref<1x125xi32, #tpu.memory_space<vmem>>
      %dma_wait3A_127 = tpu.memref_squeeze %dma_wait3A_126 : memref<1x125xi32, #tpu.memory_space<vmem>> -> memref<125xi32, #tpu.memory_space<vmem>>
      %dma_wait3A_128 = arith.constant 0 : i32
      %dma_wait3A_129 = arith.constant 0 : i32
      %dma_wait3A_130 = tpu.memref_slice %arg2[%dma_wait3A_128, %dma_wait3A_129] : memref<10000x80xf32, #tpu.memory_space<hbm>> -> memref<10000x80xf32, #tpu.memory_space<hbm>>
      tpu.wait_indirect_dma semaphore(%arg11 : memref<!tpu.dma_semaphore, #tpu.memory_space<semaphore_mem>>) src(%dma_wait3A_130 : memref<10000x80xf32, #tpu.memory_space<hbm>>) dst(%dma_wait3A_124 : memref<125x80xf32, #tpu.memory_space<vmem>>)
      %gt3A = arith.constant 0 : i32
      %gt3A_131 = arith.cmpi sgt, %scan3A_99, %gt3A : i32
      %convert_element_type3A = arith.extui %gt3A_131 : i1 to i32
      %cond3A = arith.constant 0 : i32
      %cond3A_132 = arith.cmpi ne, %convert_element_type3A, %cond3A : i32
      scf.if %cond3A_132 {
        %sub3A = arith.constant 1 : i32
        %sub3A_169 = arith.subi %scan3A_99, %sub3A : i32
        %sub3A_170 = arith.constant 1 : i32
        %sub3A_171 = arith.subi %sub3A_170, %rem3A_100 : i32
        %mul3A_172 = arith.constant 2 : i32
        %mul3A_173 = arith.muli %sub3A_169, %mul3A_172 : i32
        %add3A_174 = arith.constant 0 : i32
        %add3A_175 = arith.addi %mul3A_173, %add3A_174 : i32
        %dma_wait3A_176 = arith.constant 0 : i32
        %dma_wait3A_177 = arith.constant 0 : i32
        %dma_wait3A_178 = arith.constant 0 : i32
        %dma_wait3A_179 = tpu.memref_slice %arg9[%sub3A_171, %dma_wait3A_176, %dma_wait3A_177, %dma_wait3A_178] : memref<2x2x125x80xf32, #tpu.memory_space<vmem>> -> memref<1x1x125x80xf32, #tpu.memory_space<vmem>>
        %dma_wait3A_180 = tpu.memref_squeeze %dma_wait3A_179 : memref<1x1x125x80xf32, #tpu.memory_space<vmem>> -> memref<125x80xf32, #tpu.memory_space<vmem>>
        %dma_wait3A_181 = arith.constant 0 : i32
        %dma_wait3A_182 = tpu.memref_slice %arg8[%add3A_175, %dma_wait3A_181] : memref<80x125xi32, #tpu.memory_space<vmem>> -> memref<1x125xi32, #tpu.memory_space<vmem>>
        %dma_wait3A_183 = tpu.memref_squeeze %dma_wait3A_182 : memref<1x125xi32, #tpu.memory_space<vmem>> -> memref<125xi32, #tpu.memory_space<vmem>>
        %dma_wait3A_184 = arith.constant 0 : i32
        %dma_wait3A_185 = arith.constant 0 : i32
        %dma_wait3A_186 = tpu.memref_slice %arg10[%dma_wait3A_184, %dma_wait3A_185] : memref<5120x80xf32, #tpu.memory_space<vmem_shared>> -> memref<5120x80xf32, #tpu.memory_space<vmem_shared>>
        tpu.wait_indirect_dma semaphore(%arg12 : memref<!tpu.dma_semaphore, #tpu.memory_space<semaphore_mem>>) src(%dma_wait3A_180 : memref<125x80xf32, #tpu.memory_space<vmem>>) dst(%dma_wait3A_186 : memref<5120x80xf32, #tpu.memory_space<vmem_shared>>)
        %mul3A_187 = arith.constant 2 : i32
        %mul3A_188 = arith.muli %sub3A_169, %mul3A_187 : i32
        %add3A_189 = arith.constant 1 : i32
        %add3A_190 = arith.addi %mul3A_188, %add3A_189 : i32
        %dma_wait3A_191 = arith.constant 1 : i32
        %dma_wait3A_192 = arith.constant 0 : i32
        %dma_wait3A_193 = arith.constant 0 : i32
        %dma_wait3A_194 = tpu.memref_slice %arg9[%sub3A_171, %dma_wait3A_191, %dma_wait3A_192, %dma_wait3A_193] : memref<2x2x125x80xf32, #tpu.memory_space<vmem>> -> memref<1x1x125x80xf32, #tpu.memory_space<vmem>>
        %dma_wait3A_195 = tpu.memref_squeeze %dma_wait3A_194 : memref<1x1x125x80xf32, #tpu.memory_space<vmem>> -> memref<125x80xf32, #tpu.memory_space<vmem>>
        %dma_wait3A_196 = arith.constant 0 : i32
        %dma_wait3A_197 = tpu.memref_slice %arg8[%add3A_190, %dma_wait3A_196] : memref<80x125xi32, #tpu.memory_space<vmem>> -> memref<1x125xi32, #tpu.memory_space<vmem>>
        %dma_wait3A_198 = tpu.memref_squeeze %dma_wait3A_197 : memref<1x125xi32, #tpu.memory_space<vmem>> -> memref<125xi32, #tpu.memory_space<vmem>>
        %dma_wait3A_199 = arith.constant 0 : i32
        %dma_wait3A_200 = arith.constant 0 : i32
        %dma_wait3A_201 = tpu.memref_slice %arg10[%dma_wait3A_199, %dma_wait3A_200] : memref<5120x80xf32, #tpu.memory_space<vmem_shared>> -> memref<5120x80xf32, #tpu.memory_space<vmem_shared>>
        tpu.wait_indirect_dma semaphore(%arg12 : memref<!tpu.dma_semaphore, #tpu.memory_space<semaphore_mem>>) src(%dma_wait3A_195 : memref<125x80xf32, #tpu.memory_space<vmem>>) dst(%dma_wait3A_201 : memref<5120x80xf32, #tpu.memory_space<vmem_shared>>)
      } else {
      }
      %add3A_133 = arith.constant 1 : i32
      %add3A_134 = arith.addi %scan3A_99, %add3A_133 : i32
      %lt3A = arith.constant 40 : i32
      %lt3A_135 = arith.cmpi slt, %add3A_134, %lt3A : i32
      %convert_element_type3A_136 = arith.extui %lt3A_135 : i1 to i32
      %cond3A_137 = arith.constant 0 : i32
      %cond3A_138 = arith.cmpi ne, %convert_element_type3A_136, %cond3A_137 : i32
      scf.if %cond3A_138 {
        %add3A_169 = arith.constant 1 : i32
        %add3A_170 = arith.addi %scan3A_99, %add3A_169 : i32
        %sub3A = arith.constant 1 : i32
        %sub3A_171 = arith.subi %sub3A, %rem3A_100 : i32
        %mul3A_172 = arith.constant 2 : i32
        %mul3A_173 = arith.muli %add3A_170, %mul3A_172 : i32
        %add3A_174 = arith.constant 0 : i32
        %add3A_175 = arith.addi %mul3A_173, %add3A_174 : i32
        %dma_start3A_176 = arith.constant 0 : i32
        %dma_start3A_177 = arith.constant 0 : i32
        %dma_start3A_178 = arith.constant 0 : i32
        %dma_start3A_179 = tpu.memref_slice %arg9[%sub3A_171, %dma_start3A_176, %dma_start3A_177, %dma_start3A_178] : memref<2x2x125x80xf32, #tpu.memory_space<vmem>> -> memref<1x1x125x80xf32, #tpu.memory_space<vmem>>
        %dma_start3A_180 = tpu.memref_squeeze %dma_start3A_179 : memref<1x1x125x80xf32, #tpu.memory_space<vmem>> -> memref<125x80xf32, #tpu.memory_space<vmem>>
        %dma_start3A_181 = arith.constant 0 : i32
        %dma_start3A_182 = tpu.memref_slice %arg7[%add3A_175, %dma_start3A_181] : memref<80x125xi32, #tpu.memory_space<vmem>> -> memref<1x125xi32, #tpu.memory_space<vmem>>
        %dma_start3A_183 = tpu.memref_squeeze %dma_start3A_182 : memref<1x125xi32, #tpu.memory_space<vmem>> -> memref<125xi32, #tpu.memory_space<vmem>>
        %dma_start3A_184 = arith.constant 0 : i32
        %dma_start3A_185 = arith.constant 0 : i32
        %dma_start3A_186 = tpu.memref_slice %arg2[%dma_start3A_184, %dma_start3A_185] : memref<10000x80xf32, #tpu.memory_space<hbm>> -> memref<10000x80xf32, #tpu.memory_space<hbm>>
        tpu.enqueue_indirect_dma source(%dma_start3A_186 : memref<10000x80xf32, #tpu.memory_space<hbm>>) target(%dma_start3A_180 : memref<125x80xf32, #tpu.memory_space<vmem>>) offsets(%dma_start3A_183 : memref<125xi32, #tpu.memory_space<vmem>>) semaphore(%arg11 : memref<!tpu.dma_semaphore, #tpu.memory_space<semaphore_mem>>)
        %mul3A_187 = arith.constant 2 : i32
        %mul3A_188 = arith.muli %add3A_170, %mul3A_187 : i32
        %add3A_189 = arith.constant 1 : i32
        %add3A_190 = arith.addi %mul3A_188, %add3A_189 : i32
        %dma_start3A_191 = arith.constant 1 : i32
        %dma_start3A_192 = arith.constant 0 : i32
        %dma_start3A_193 = arith.constant 0 : i32
        %dma_start3A_194 = tpu.memref_slice %arg9[%sub3A_171, %dma_start3A_191, %dma_start3A_192, %dma_start3A_193] : memref<2x2x125x80xf32, #tpu.memory_space<vmem>> -> memref<1x1x125x80xf32, #tpu.memory_space<vmem>>
        %dma_start3A_195 = tpu.memref_squeeze %dma_start3A_194 : memref<1x1x125x80xf32, #tpu.memory_space<vmem>> -> memref<125x80xf32, #tpu.memory_space<vmem>>
        %dma_start3A_196 = arith.constant 0 : i32
        %dma_start3A_197 = tpu.memref_slice %arg7[%add3A_190, %dma_start3A_196] : memref<80x125xi32, #tpu.memory_space<vmem>> -> memref<1x125xi32, #tpu.memory_space<vmem>>
        %dma_start3A_198 = tpu.memref_squeeze %dma_start3A_197 : memref<1x125xi32, #tpu.memory_space<vmem>> -> memref<125xi32, #tpu.memory_space<vmem>>
        %dma_start3A_199 = arith.constant 0 : i32
        %dma_start3A_200 = arith.constant 0 : i32
        %dma_start3A_201 = tpu.memref_slice %arg2[%dma_start3A_199, %dma_start3A_200] : memref<10000x80xf32, #tpu.memory_space<hbm>> -> memref<10000x80xf32, #tpu.memory_space<hbm>>
        tpu.enqueue_indirect_dma source(%dma_start3A_201 : memref<10000x80xf32, #tpu.memory_space<hbm>>) target(%dma_start3A_195 : memref<125x80xf32, #tpu.memory_space<vmem>>) offsets(%dma_start3A_198 : memref<125xi32, #tpu.memory_space<vmem>>) semaphore(%arg11 : memref<!tpu.dma_semaphore, #tpu.memory_space<semaphore_mem>>)
      } else {
      }
      %mul3A_139 = arith.constant 2 : i32
      %mul3A_140 = arith.muli %scan3A_99, %mul3A_139 : i32
      %add3A_141 = arith.constant 0 : i32
      %add3A_142 = arith.addi %mul3A_140, %add3A_141 : i32
      %dma_start3A_143 = arith.constant 0 : i32
      %dma_start3A_144 = arith.constant 0 : i32
      %dma_start3A_145 = arith.constant 0 : i32
      %dma_start3A_146 = tpu.memref_slice %arg9[%rem3A_100, %dma_start3A_143, %dma_start3A_144, %dma_start3A_145] : memref<2x2x125x80xf32, #tpu.memory_space<vmem>> -> memref<1x1x125x80xf32, #tpu.memory_space<vmem>>
      %dma_start3A_147 = tpu.memref_squeeze %dma_start3A_146 : memref<1x1x125x80xf32, #tpu.memory_space<vmem>> -> memref<125x80xf32, #tpu.memory_space<vmem>>
      %dma_start3A_148 = arith.constant 0 : i32
      %dma_start3A_149 = tpu.memref_slice %arg8[%add3A_142, %dma_start3A_148] : memref<80x125xi32, #tpu.memory_space<vmem>> -> memref<1x125xi32, #tpu.memory_space<vmem>>
      %dma_start3A_150 = tpu.memref_squeeze %dma_start3A_149 : memref<1x125xi32, #tpu.memory_space<vmem>> -> memref<125xi32, #tpu.memory_space<vmem>>
      %dma_start3A_151 = arith.constant 0 : i32
      %dma_start3A_152 = arith.constant 0 : i32
      %dma_start3A_153 = tpu.memref_slice %arg10[%dma_start3A_151, %dma_start3A_152] : memref<5120x80xf32, #tpu.memory_space<vmem_shared>> -> memref<5120x80xf32, #tpu.memory_space<vmem_shared>>
      tpu.enqueue_indirect_dma source(%dma_start3A_147 : memref<125x80xf32, #tpu.memory_space<vmem>>) target(%dma_start3A_153 : memref<5120x80xf32, #tpu.memory_space<vmem_shared>>) offsets(%dma_start3A_150 : memref<125xi32, #tpu.memory_space<vmem>>) semaphore(%arg12 : memref<!tpu.dma_semaphore, #tpu.memory_space<semaphore_mem>>) {add = true}
      %mul3A_154 = arith.constant 2 : i32
      %mul3A_155 = arith.muli %scan3A_99, %mul3A_154 : i32
      %add3A_156 = arith.constant 1 : i32
      %add3A_157 = arith.addi %mul3A_155, %add3A_156 : i32
      %dma_start3A_158 = arith.constant 1 : i32
      %dma_start3A_159 = arith.constant 0 : i32
      %dma_start3A_160 = arith.constant 0 : i32
      %dma_start3A_161 = tpu.memref_slice %arg9[%rem3A_100, %dma_start3A_158, %dma_start3A_159, %dma_start3A_160] : memref<2x2x125x80xf32, #tpu.memory_space<vmem>> -> memref<1x1x125x80xf32, #tpu.memory_space<vmem>>
      %dma_start3A_162 = tpu.memref_squeeze %dma_start3A_161 : memref<1x1x125x80xf32, #tpu.memory_space<vmem>> -> memref<125x80xf32, #tpu.memory_space<vmem>>
      %dma_start3A_163 = arith.constant 0 : i32
      %dma_start3A_164 = tpu.memref_slice %arg8[%add3A_157, %dma_start3A_163] : memref<80x125xi32, #tpu.memory_space<vmem>> -> memref<1x125xi32, #tpu.memory_space<vmem>>
      %dma_start3A_165 = tpu.memref_squeeze %dma_start3A_164 : memref<1x125xi32, #tpu.memory_space<vmem>> -> memref<125xi32, #tpu.memory_space<vmem>>
      %dma_start3A_166 = arith.constant 0 : i32
      %dma_start3A_167 = arith.constant 0 : i32
      %dma_start3A_168 = tpu.memref_slice %arg10[%dma_start3A_166, %dma_start3A_167] : memref<5120x80xf32, #tpu.memory_space<vmem_shared>> -> memref<5120x80xf32, #tpu.memory_space<vmem_shared>>
      tpu.enqueue_indirect_dma source(%dma_start3A_162 : memref<125x80xf32, #tpu.memory_space<vmem>>) target(%dma_start3A_168 : memref<5120x80xf32, #tpu.memory_space<vmem_shared>>) offsets(%dma_start3A_165 : memref<125xi32, #tpu.memory_space<vmem>>) semaphore(%arg12 : memref<!tpu.dma_semaphore, #tpu.memory_space<semaphore_mem>>) {add = true}
    }
    %scan3A_71 = arith.constant 40 : i32
    %dma_wait3A_72 = arith.constant 1 : i32
    %dma_wait3A_73 = arith.constant 0 : i32
    %dma_wait3A_74 = arith.constant 78 : i32
    %dma_wait3A_75 = arith.constant 0 : i32
    %dma_wait3A_76 = arith.constant 0 : i32
    %dma_wait3A_77 = tpu.memref_slice %arg9[%dma_wait3A_72, %dma_wait3A_73, %dma_wait3A_75, %dma_wait3A_76] : memref<2x2x125x80xf32, #tpu.memory_space<vmem>> -> memref<1x1x125x80xf32, #tpu.memory_space<vmem>>
    %dma_wait3A_78 = tpu.memref_squeeze %dma_wait3A_77 : memref<1x1x125x80xf32, #tpu.memory_space<vmem>> -> memref<125x80xf32, #tpu.memory_space<vmem>>
    %dma_wait3A_79 = arith.constant 0 : i32
    %dma_wait3A_80 = tpu.memref_slice %arg8[%dma_wait3A_74, %dma_wait3A_79] : memref<80x125xi32, #tpu.memory_space<vmem>> -> memref<1x125xi32, #tpu.memory_space<vmem>>
    %dma_wait3A_81 = tpu.memref_squeeze %dma_wait3A_80 : memref<1x125xi32, #tpu.memory_space<vmem>> -> memref<125xi32, #tpu.memory_space<vmem>>
    %dma_wait3A_82 = arith.constant 0 : i32
    %dma_wait3A_83 = arith.constant 0 : i32
    %dma_wait3A_84 = tpu.memref_slice %arg10[%dma_wait3A_82, %dma_wait3A_83] : memref<5120x80xf32, #tpu.memory_space<vmem_shared>> -> memref<5120x80xf32, #tpu.memory_space<vmem_shared>>
    tpu.wait_indirect_dma semaphore(%arg12 : memref<!tpu.dma_semaphore, #tpu.memory_space<semaphore_mem>>) src(%dma_wait3A_78 : memref<125x80xf32, #tpu.memory_space<vmem>>) dst(%dma_wait3A_84 : memref<5120x80xf32, #tpu.memory_space<vmem_shared>>)
    %dma_wait3A_85 = arith.constant 1 : i32
    %dma_wait3A_86 = arith.constant 1 : i32
    %dma_wait3A_87 = arith.constant 79 : i32
    %dma_wait3A_88 = arith.constant 0 : i32
    %dma_wait3A_89 = arith.constant 0 : i32
    %dma_wait3A_90 = tpu.memref_slice %arg9[%dma_wait3A_85, %dma_wait3A_86, %dma_wait3A_88, %dma_wait3A_89] : memref<2x2x125x80xf32, #tpu.memory_space<vmem>> -> memref<1x1x125x80xf32, #tpu.memory_space<vmem>>
    %dma_wait3A_91 = tpu.memref_squeeze %dma_wait3A_90 : memref<1x1x125x80xf32, #tpu.memory_space<vmem>> -> memref<125x80xf32, #tpu.memory_space<vmem>>
    %dma_wait3A_92 = arith.constant 0 : i32
    %dma_wait3A_93 = tpu.memref_slice %arg8[%dma_wait3A_87, %dma_wait3A_92] : memref<80x125xi32, #tpu.memory_space<vmem>> -> memref<1x125xi32, #tpu.memory_space<vmem>>
    %dma_wait3A_94 = tpu.memref_squeeze %dma_wait3A_93 : memref<1x125xi32, #tpu.memory_space<vmem>> -> memref<125xi32, #tpu.memory_space<vmem>>
    %dma_wait3A_95 = arith.constant 0 : i32
    %dma_wait3A_96 = arith.constant 0 : i32
    %dma_wait3A_97 = tpu.memref_slice %arg10[%dma_wait3A_95, %dma_wait3A_96] : memref<5120x80xf32, #tpu.memory_space<vmem_shared>> -> memref<5120x80xf32, #tpu.memory_space<vmem_shared>>
    tpu.wait_indirect_dma semaphore(%arg12 : memref<!tpu.dma_semaphore, #tpu.memory_space<semaphore_mem>>) src(%dma_wait3A_91 : memref<125x80xf32, #tpu.memory_space<vmem>>) dst(%dma_wait3A_97 : memref<5120x80xf32, #tpu.memory_space<vmem_shared>>)
    %barrier3A_98 = arith.constant 0 : index
    tpu.barrier barrier_id(%barrier3A_98)
    "tpu.region"() ({
      %run_scoped3A = tpu.sem_alloc : memref<!tpu.dma_semaphore, #tpu.memory_space<semaphore_mem>>
      %dma_start3A_99 = arith.constant 0 : i32
      %dma_start3A_100 = tpu.memref_slice %arg6[%arg0, %mul3A_2, %dma_start3A_99] : memref<2x5120x80xf32, #tpu.memory_space<hbm>> -> memref<1x320x80xf32, #tpu.memory_space<hbm>>
      %dma_start3A_101 = tpu.memref_squeeze %dma_start3A_100 : memref<1x320x80xf32, #tpu.memory_space<hbm>> -> memref<320x80xf32, #tpu.memory_space<hbm>>
      %dma_start3A_102 = arith.constant 0 : i32
      %dma_start3A_103 = tpu.memref_slice %arg10[%mul3A_2, %dma_start3A_102] : memref<5120x80xf32, #tpu.memory_space<vmem_shared>> -> memref<320x80xf32, #tpu.memory_space<vmem_shared>>
      tpu.enqueue_dma source(%dma_start3A_103 : memref<320x80xf32, #tpu.memory_space<vmem_shared>>) target(%dma_start3A_101 : memref<320x80xf32, #tpu.memory_space<hbm>>) target_semaphore(%run_scoped3A : memref<!tpu.dma_semaphore, #tpu.memory_space<semaphore_mem>>)
      %dma_wait3A_104 = arith.constant 0 : i32
      %dma_wait3A_105 = tpu.memref_slice %arg6[%arg0, %mul3A_2, %dma_wait3A_104] : memref<2x5120x80xf32, #tpu.memory_space<hbm>> -> memref<1x320x80xf32, #tpu.memory_space<hbm>>
      %dma_wait3A_106 = tpu.memref_squeeze %dma_wait3A_105 : memref<1x320x80xf32, #tpu.memory_space<hbm>> -> memref<320x80xf32, #tpu.memory_space<hbm>>
      %dma_wait3A_107 = arith.constant 0 : i32
      %dma_wait3A_108 = tpu.memref_slice %arg10[%mul3A_2, %dma_wait3A_107] : memref<5120x80xf32, #tpu.memory_space<vmem_shared>> -> memref<320x80xf32, #tpu.memory_space<vmem_shared>>
      tpu.wait_dma2 semaphore(%run_scoped3A : memref<!tpu.dma_semaphore, #tpu.memory_space<semaphore_mem>>) src(%dma_wait3A_108 : memref<320x80xf32, #tpu.memory_space<vmem_shared>>) dst(%dma_wait3A_106 : memref<320x80xf32, #tpu.memory_space<hbm>>)
      tpu.yield
    }) : () -> ()
    return
  }
}

#map = affine_map<(d0, d1) -> (0, 0)>
#map1 = affine_map<(d0, d1) -> (0, 0, 0)>
module attributes {stable_mosaic.version = 14 : i64} {
  func.func @k(%arg0: i32, %arg1: i32, %arg2: memref<10000x80xf32, #tpu.memory_space<hbm>>, %arg3: memref<32x80x125xi32, #tpu.memory_space<hbm>>, %arg4: memref<32x80x125xi32, #tpu.memory_space<hbm>>, %arg5: memref<5120x80xf32, #tpu.memory_space<hbm>>, %arg6: memref<2x5120x80xf32, #tpu.memory_space<hbm>>, %arg7: memref<80x125xi32, #tpu.memory_space<vmem>>, %arg8: memref<80x125xi32, #tpu.memory_space<vmem>>, %arg9: memref<2x2x125x80xf32, #tpu.memory_space<vmem>>, %arg10: memref<5120x80xf32, #tpu.memory_space<vmem_shared>>, %arg11: memref<!tpu.dma_semaphore, #tpu.memory_space<semaphore_mem>>, %arg12: memref<!tpu.dma_semaphore, #tpu.memory_space<semaphore_mem>>) attributes {dimension_semantics = [#tpu.dimension_semantics<core_parallel>, #tpu.dimension_semantics<subcore_parallel>], iteration_bounds = array<i64: 2, 16>, scalar_prefetch = 0 : i64, scratch_operands = 6 : i64, tpu.core_type = #tpu.core_type<sc_vector_subcore>, window_params = [{transform_indices = #map}, {transform_indices = #map1}, {transform_indices = #map1}, {transform_indices = #map}, {transform_indices = #map1}]} {
    %mul3A = arith.constant 2 : i32
    %mul3A_0 = arith.muli %arg1, %mul3A : i32
    %add3A = arith.addi %mul3A_0, %arg0 : i32
    %mul3A_1 = arith.constant 320 : i32
    %mul3A_2 = arith.muli %arg1, %mul3A_1 : i32
    %dma_start3A = arith.constant 0 : i32
    %dma_start3A_3 = tpu.memref_slice %arg10[%mul3A_2, %dma_start3A] : memref<5120x80xf32, #tpu.memory_space<vmem_shared>> -> memref<320x80xf32, #tpu.memory_space<vmem_shared>>
    %dma_start3A_4 = arith.constant 0 : i32
    %dma_start3A_5 = tpu.memref_slice %arg5[%mul3A_2, %dma_start3A_4] : memref<5120x80xf32, #tpu.memory_space<hbm>> -> memref<320x80xf32, #tpu.memory_space<hbm>>
    tpu.enqueue_dma source(%dma_start3A_5 : memref<320x80xf32, #tpu.memory_space<hbm>>) target(%dma_start3A_3 : memref<320x80xf32, #tpu.memory_space<vmem_shared>>) target_semaphore(%arg11 : memref<!tpu.dma_semaphore, #tpu.memory_space<semaphore_mem>>)
    %dma_start3A_6 = arith.constant 0 : i32
    %dma_start3A_7 = arith.constant 0 : i32
    %dma_start3A_8 = tpu.memref_slice %arg3[%add3A, %dma_start3A_6, %dma_start3A_7] : memref<32x80x125xi32, #tpu.memory_space<hbm>> -> memref<1x80x125xi32, #tpu.memory_space<hbm>>
    %dma_start3A_9 = tpu.memref_squeeze %dma_start3A_8 : memref<1x80x125xi32, #tpu.memory_space<hbm>> -> memref<80x125xi32, #tpu.memory_space<hbm>>
    %dma_start3A_10 = arith.constant 0 : i32
    %dma_start3A_11 = arith.constant 0 : i32
    %dma_start3A_12 = tpu.memref_slice %arg3[%add3A, %dma_start3A_10, %dma_start3A_11] : memref<32x80x125xi32, #tpu.memory_space<hbm>> -> memref<1x80x125xi32, #tpu.memory_space<hbm>>
    %dma_start3A_13 = tpu.memref_squeeze %dma_start3A_12 : memref<1x80x125xi32, #tpu.memory_space<hbm>> -> memref<80x125xi32, #tpu.memory_space<hbm>>
    tpu.enqueue_dma source(%dma_start3A_13 : memref<80x125xi32, #tpu.memory_space<hbm>>) target(%arg7 : memref<80x125xi32, #tpu.memory_space<vmem>>) target_semaphore(%arg11 : memref<!tpu.dma_semaphore, #tpu.memory_space<semaphore_mem>>)
    %dma_start3A_14 = arith.constant 0 : i32
    %dma_start3A_15 = arith.constant 0 : i32
    %dma_start3A_16 = tpu.memref_slice %arg4[%add3A, %dma_start3A_14, %dma_start3A_15] : memref<32x80x125xi32, #tpu.memory_space<hbm>> -> memref<1x80x125xi32, #tpu.memory_space<hbm>>
    %dma_start3A_17 = tpu.memref_squeeze %dma_start3A_16 : memref<1x80x125xi32, #tpu.memory_space<hbm>> -> memref<80x125xi32, #tpu.memory_space<hbm>>
    %dma_start3A_18 = arith.constant 0 : i32
    %dma_start3A_19 = arith.constant 0 : i32
    %dma_start3A_20 = tpu.memref_slice %arg4[%add3A, %dma_start3A_18, %dma_start3A_19] : memref<32x80x125xi32, #tpu.memory_space<hbm>> -> memref<1x80x125xi32, #tpu.memory_space<hbm>>
    %dma_start3A_21 = tpu.memref_squeeze %dma_start3A_20 : memref<1x80x125xi32, #tpu.memory_space<hbm>> -> memref<80x125xi32, #tpu.memory_space<hbm>>
    tpu.enqueue_dma source(%dma_start3A_21 : memref<80x125xi32, #tpu.memory_space<hbm>>) target(%arg8 : memref<80x125xi32, #tpu.memory_space<vmem>>) target_semaphore(%arg11 : memref<!tpu.dma_semaphore, #tpu.memory_space<semaphore_mem>>)
    %dma_wait3A = arith.constant 0 : i32
    %dma_wait3A_22 = tpu.memref_slice %arg10[%mul3A_2, %dma_wait3A] : memref<5120x80xf32, #tpu.memory_space<vmem_shared>> -> memref<320x80xf32, #tpu.memory_space<vmem_shared>>
    %dma_wait3A_23 = arith.constant 0 : i32
    %dma_wait3A_24 = tpu.memref_slice %arg5[%mul3A_2, %dma_wait3A_23] : memref<5120x80xf32, #tpu.memory_space<hbm>> -> memref<320x80xf32, #tpu.memory_space<hbm>>
    tpu.wait_dma2 semaphore(%arg11 : memref<!tpu.dma_semaphore, #tpu.memory_space<semaphore_mem>>) src(%dma_wait3A_24 : memref<320x80xf32, #tpu.memory_space<hbm>>) dst(%dma_wait3A_22 : memref<320x80xf32, #tpu.memory_space<vmem_shared>>)
    %dma_wait3A_25 = arith.constant 0 : i32
    %dma_wait3A_26 = arith.constant 0 : i32
    %dma_wait3A_27 = tpu.memref_slice %arg3[%add3A, %dma_wait3A_25, %dma_wait3A_26] : memref<32x80x125xi32, #tpu.memory_space<hbm>> -> memref<1x80x125xi32, #tpu.memory_space<hbm>>
    %dma_wait3A_28 = tpu.memref_squeeze %dma_wait3A_27 : memref<1x80x125xi32, #tpu.memory_space<hbm>> -> memref<80x125xi32, #tpu.memory_space<hbm>>
    %dma_wait3A_29 = arith.constant 0 : i32
    %dma_wait3A_30 = arith.constant 0 : i32
    %dma_wait3A_31 = tpu.memref_slice %arg3[%add3A, %dma_wait3A_29, %dma_wait3A_30] : memref<32x80x125xi32, #tpu.memory_space<hbm>> -> memref<1x80x125xi32, #tpu.memory_space<hbm>>
    %dma_wait3A_32 = tpu.memref_squeeze %dma_wait3A_31 : memref<1x80x125xi32, #tpu.memory_space<hbm>> -> memref<80x125xi32, #tpu.memory_space<hbm>>
    tpu.wait_dma2 semaphore(%arg11 : memref<!tpu.dma_semaphore, #tpu.memory_space<semaphore_mem>>) src(%dma_wait3A_32 : memref<80x125xi32, #tpu.memory_space<hbm>>) dst(%arg7 : memref<80x125xi32, #tpu.memory_space<vmem>>)
    %dma_wait3A_33 = arith.constant 0 : i32
    %dma_wait3A_34 = arith.constant 0 : i32
    %dma_wait3A_35 = tpu.memref_slice %arg4[%add3A, %dma_wait3A_33, %dma_wait3A_34] : memref<32x80x125xi32, #tpu.memory_space<hbm>> -> memref<1x80x125xi32, #tpu.memory_space<hbm>>
    %dma_wait3A_36 = tpu.memref_squeeze %dma_wait3A_35 : memref<1x80x125xi32, #tpu.memory_space<hbm>> -> memref<80x125xi32, #tpu.memory_space<hbm>>
    %dma_wait3A_37 = arith.constant 0 : i32
    %dma_wait3A_38 = arith.constant 0 : i32
    %dma_wait3A_39 = tpu.memref_slice %arg4[%add3A, %dma_wait3A_37, %dma_wait3A_38] : memref<32x80x125xi32, #tpu.memory_space<hbm>> -> memref<1x80x125xi32, #tpu.memory_space<hbm>>
    %dma_wait3A_40 = tpu.memref_squeeze %dma_wait3A_39 : memref<1x80x125xi32, #tpu.memory_space<hbm>> -> memref<80x125xi32, #tpu.memory_space<hbm>>
    tpu.wait_dma2 semaphore(%arg11 : memref<!tpu.dma_semaphore, #tpu.memory_space<semaphore_mem>>) src(%dma_wait3A_40 : memref<80x125xi32, #tpu.memory_space<hbm>>) dst(%arg8 : memref<80x125xi32, #tpu.memory_space<vmem>>)
    %barrier3A = arith.constant 0 : index
    tpu.barrier barrier_id(%barrier3A)
    %dma_start3A_41 = arith.constant 0 : i32
    %dma_start3A_42 = arith.constant 0 : i32
    %dma_start3A_43 = arith.constant 0 : i32
    %dma_start3A_44 = arith.constant 0 : i32
    %dma_start3A_45 = arith.constant 0 : i32
    %dma_start3A_46 = tpu.memref_slice %arg9[%dma_start3A_42, %dma_start3A_43, %dma_start3A_44, %dma_start3A_45] : memref<2x2x125x80xf32, #tpu.memory_space<vmem>> -> memref<1x1x125x80xf32, #tpu.memory_space<vmem>>
    %dma_start3A_47 = tpu.memref_squeeze %dma_start3A_46 : memref<1x1x125x80xf32, #tpu.memory_space<vmem>> -> memref<125x80xf32, #tpu.memory_space<vmem>>
    %dma_start3A_48 = arith.constant 0 : i32
    %dma_start3A_49 = tpu.memref_slice %arg7[%dma_start3A_41, %dma_start3A_48] : memref<80x125xi32, #tpu.memory_space<vmem>> -> memref<1x125xi32, #tpu.memory_space<vmem>>
    %dma_start3A_50 = tpu.memref_squeeze %dma_start3A_49 : memref<1x125xi32, #tpu.memory_space<vmem>> -> memref<125xi32, #tpu.memory_space<vmem>>
    %dma_start3A_51 = arith.constant 0 : i32
    %dma_start3A_52 = arith.constant 0 : i32
    %dma_start3A_53 = tpu.memref_slice %arg2[%dma_start3A_51, %dma_start3A_52] : memref<10000x80xf32, #tpu.memory_space<hbm>> -> memref<10000x80xf32, #tpu.memory_space<hbm>>
    tpu.enqueue_indirect_dma source(%dma_start3A_53 : memref<10000x80xf32, #tpu.memory_space<hbm>>) target(%dma_start3A_47 : memref<125x80xf32, #tpu.memory_space<vmem>>) offsets(%dma_start3A_50 : memref<125xi32, #tpu.memory_space<vmem>>) semaphore(%arg11 : memref<!tpu.dma_semaphore, #tpu.memory_space<semaphore_mem>>)
    %dma_start3A_54 = arith.constant 1 : i32
    %dma_start3A_55 = arith.constant 0 : i32
    %dma_start3A_56 = arith.constant 1 : i32
    %dma_start3A_57 = arith.constant 0 : i32
    %dma_start3A_58 = arith.constant 0 : i32
    %dma_start3A_59 = tpu.memref_slice %arg9[%dma_start3A_55, %dma_start3A_56, %dma_start3A_57, %dma_start3A_58] : memref<2x2x125x80xf32, #tpu.memory_space<vmem>> -> memref<1x1x125x80xf32, #tpu.memory_space<vmem>>
    %dma_start3A_60 = tpu.memref_squeeze %dma_start3A_59 : memref<1x1x125x80xf32, #tpu.memory_space<vmem>> -> memref<125x80xf32, #tpu.memory_space<vmem>>
    %dma_start3A_61 = arith.constant 0 : i32
    %dma_start3A_62 = tpu.memref_slice %arg7[%dma_start3A_54, %dma_start3A_61] : memref<80x125xi32, #tpu.memory_space<vmem>> -> memref<1x125xi32, #tpu.memory_space<vmem>>
    %dma_start3A_63 = tpu.memref_squeeze %dma_start3A_62 : memref<1x125xi32, #tpu.memory_space<vmem>> -> memref<125xi32, #tpu.memory_space<vmem>>
    %dma_start3A_64 = arith.constant 0 : i32
    %dma_start3A_65 = arith.constant 0 : i32
    %dma_start3A_66 = tpu.memref_slice %arg2[%dma_start3A_64, %dma_start3A_65] : memref<10000x80xf32, #tpu.memory_space<hbm>> -> memref<10000x80xf32, #tpu.memory_space<hbm>>
    tpu.enqueue_indirect_dma source(%dma_start3A_66 : memref<10000x80xf32, #tpu.memory_space<hbm>>) target(%dma_start3A_60 : memref<125x80xf32, #tpu.memory_space<vmem>>) offsets(%dma_start3A_63 : memref<125xi32, #tpu.memory_space<vmem>>) semaphore(%arg11 : memref<!tpu.dma_semaphore, #tpu.memory_space<semaphore_mem>>)
    %scan3A = arith.constant 0 : i32
    %scan3A_67 = arith.constant 0 : i32
    %scan3A_68 = arith.constant 40 : i32
    %scan3A_69 = arith.addi %scan3A_67, %scan3A_68 : i32
    %scan3A_70 = arith.constant 1 : i32
    scf.for %scan3A_99 = %scan3A_67 to %scan3A_69 step %scan3A_70  : i32 {
      %rem3A = arith.constant 2 : i32
      %rem3A_100 = arith.remsi %scan3A_99, %rem3A : i32
      %mul3A_101 = arith.constant 2 : i32
      %mul3A_102 = arith.muli %scan3A_99, %mul3A_101 : i32
      %add3A_103 = arith.constant 0 : i32
      %add3A_104 = arith.addi %mul3A_102, %add3A_103 : i32
      %dma_wait3A_105 = arith.constant 0 : i32
      %dma_wait3A_106 = arith.constant 0 : i32
      %dma_wait3A_107 = arith.constant 0 : i32
      %dma_wait3A_108 = tpu.memref_slice %arg9[%rem3A_100, %dma_wait3A_105, %dma_wait3A_106, %dma_wait3A_107] : memref<2x2x125x80xf32, #tpu.memory_space<vmem>> -> memref<1x1x125x80xf32, #tpu.memory_space<vmem>>
      %dma_wait3A_109 = tpu.memref_squeeze %dma_wait3A_108 : memref<1x1x125x80xf32, #tpu.memory_space<vmem>> -> memref<125x80xf32, #tpu.memory_space<vmem>>
      %dma_wait3A_110 = arith.constant 0 : i32
      %dma_wait3A_111 = tpu.memref_slice %arg7[%add3A_104, %dma_wait3A_110] : memref<80x125xi32, #tpu.memory_space<vmem>> -> memref<1x125xi32, #tpu.memory_space<vmem>>
      %dma_wait3A_112 = tpu.memref_squeeze %dma_wait3A_111 : memref<1x125xi32, #tpu.memory_space<vmem>> -> memref<125xi32, #tpu.memory_space<vmem>>
      %dma_wait3A_113 = arith.constant 0 : i32
      %dma_wait3A_114 = arith.constant 0 : i32
      %dma_wait3A_115 = tpu.memref_slice %arg2[%dma_wait3A_113, %dma_wait3A_114] : memref<10000x80xf32, #tpu.memory_space<hbm>> -> memref<10000x80xf32, #tpu.memory_space<hbm>>
      tpu.wait_indirect_dma semaphore(%arg11 : memref<!tpu.dma_semaphore, #tpu.memory_space<semaphore_mem>>) src(%dma_wait3A_115 : memref<10000x80xf32, #tpu.memory_space<hbm>>) dst(%dma_wait3A_109 : memref<125x80xf32, #tpu.memory_space<vmem>>)
      %mul3A_116 = arith.constant 2 : i32
      %mul3A_117 = arith.muli %scan3A_99, %mul3A_116 : i32
      %add3A_118 = arith.constant 1 : i32
      %add3A_119 = arith.addi %mul3A_117, %add3A_118 : i32
      %dma_wait3A_120 = arith.constant 1 : i32
      %dma_wait3A_121 = arith.constant 0 : i32
      %dma_wait3A_122 = arith.constant 0 : i32
      %dma_wait3A_123 = tpu.memref_slice %arg9[%rem3A_100, %dma_wait3A_120, %dma_wait3A_121, %dma_wait3A_122] : memref<2x2x125x80xf32, #tpu.memory_space<vmem>> -> memref<1x1x125x80xf32, #tpu.memory_space<vmem>>
      %dma_wait3A_124 = tpu.memref_squeeze %dma_wait3A_123 : memref<1x1x125x80xf32, #tpu.memory_space<vmem>> -> memref<125x80xf32, #tpu.memory_space<vmem>>
      %dma_wait3A_125 = arith.constant 0 : i32
      %dma_wait3A_126 = tpu.memref_slice %arg7[%add3A_119, %dma_wait3A_125] : memref<80x125xi32, #tpu.memory_space<vmem>> -> memref<1x125xi32, #tpu.memory_space<vmem>>
      %dma_wait3A_127 = tpu.memref_squeeze %dma_wait3A_126 : memref<1x125xi32, #tpu.memory_space<vmem>> -> memref<125xi32, #tpu.memory_space<vmem>>
      %dma_wait3A_128 = arith.constant 0 : i32
      %dma_wait3A_129 = arith.constant 0 : i32
      %dma_wait3A_130 = tpu.memref_slice %arg2[%dma_wait3A_128, %dma_wait3A_129] : memref<10000x80xf32, #tpu.memory_space<hbm>> -> memref<10000x80xf32, #tpu.memory_space<hbm>>
      tpu.wait_indirect_dma semaphore(%arg11 : memref<!tpu.dma_semaphore, #tpu.memory_space<semaphore_mem>>) src(%dma_wait3A_130 : memref<10000x80xf32, #tpu.memory_space<hbm>>) dst(%dma_wait3A_124 : memref<125x80xf32, #tpu.memory_space<vmem>>)
      %gt3A = arith.constant 0 : i32
      %gt3A_131 = arith.cmpi sgt, %scan3A_99, %gt3A : i32
      %convert_element_type3A = arith.extui %gt3A_131 : i1 to i32
      %cond3A = arith.constant 0 : i32
      %cond3A_132 = arith.cmpi ne, %convert_element_type3A, %cond3A : i32
      scf.if %cond3A_132 {
        %sub3A = arith.constant 1 : i32
        %sub3A_169 = arith.subi %scan3A_99, %sub3A : i32
        %sub3A_170 = arith.constant 1 : i32
        %sub3A_171 = arith.subi %sub3A_170, %rem3A_100 : i32
        %mul3A_172 = arith.constant 2 : i32
        %mul3A_173 = arith.muli %sub3A_169, %mul3A_172 : i32
        %add3A_174 = arith.constant 0 : i32
        %add3A_175 = arith.addi %mul3A_173, %add3A_174 : i32
        %dma_wait3A_176 = arith.constant 0 : i32
        %dma_wait3A_177 = arith.constant 0 : i32
        %dma_wait3A_178 = arith.constant 0 : i32
        %dma_wait3A_179 = tpu.memref_slice %arg9[%sub3A_171, %dma_wait3A_176, %dma_wait3A_177, %dma_wait3A_178] : memref<2x2x125x80xf32, #tpu.memory_space<vmem>> -> memref<1x1x125x80xf32, #tpu.memory_space<vmem>>
        %dma_wait3A_180 = tpu.memref_squeeze %dma_wait3A_179 : memref<1x1x125x80xf32, #tpu.memory_space<vmem>> -> memref<125x80xf32, #tpu.memory_space<vmem>>
        %dma_wait3A_181 = arith.constant 0 : i32
        %dma_wait3A_182 = tpu.memref_slice %arg8[%add3A_175, %dma_wait3A_181] : memref<80x125xi32, #tpu.memory_space<vmem>> -> memref<1x125xi32, #tpu.memory_space<vmem>>
        %dma_wait3A_183 = tpu.memref_squeeze %dma_wait3A_182 : memref<1x125xi32, #tpu.memory_space<vmem>> -> memref<125xi32, #tpu.memory_space<vmem>>
        %dma_wait3A_184 = arith.constant 0 : i32
        %dma_wait3A_185 = arith.constant 0 : i32
        %dma_wait3A_186 = tpu.memref_slice %arg10[%dma_wait3A_184, %dma_wait3A_185] : memref<5120x80xf32, #tpu.memory_space<vmem_shared>> -> memref<5120x80xf32, #tpu.memory_space<vmem_shared>>
        tpu.wait_indirect_dma semaphore(%arg12 : memref<!tpu.dma_semaphore, #tpu.memory_space<semaphore_mem>>) src(%dma_wait3A_180 : memref<125x80xf32, #tpu.memory_space<vmem>>) dst(%dma_wait3A_186 : memref<5120x80xf32, #tpu.memory_space<vmem_shared>>)
        %mul3A_187 = arith.constant 2 : i32
        %mul3A_188 = arith.muli %sub3A_169, %mul3A_187 : i32
        %add3A_189 = arith.constant 1 : i32
        %add3A_190 = arith.addi %mul3A_188, %add3A_189 : i32
        %dma_wait3A_191 = arith.constant 1 : i32
        %dma_wait3A_192 = arith.constant 0 : i32
        %dma_wait3A_193 = arith.constant 0 : i32
        %dma_wait3A_194 = tpu.memref_slice %arg9[%sub3A_171, %dma_wait3A_191, %dma_wait3A_192, %dma_wait3A_193] : memref<2x2x125x80xf32, #tpu.memory_space<vmem>> -> memref<1x1x125x80xf32, #tpu.memory_space<vmem>>
        %dma_wait3A_195 = tpu.memref_squeeze %dma_wait3A_194 : memref<1x1x125x80xf32, #tpu.memory_space<vmem>> -> memref<125x80xf32, #tpu.memory_space<vmem>>
        %dma_wait3A_196 = arith.constant 0 : i32
        %dma_wait3A_197 = tpu.memref_slice %arg8[%add3A_190, %dma_wait3A_196] : memref<80x125xi32, #tpu.memory_space<vmem>> -> memref<1x125xi32, #tpu.memory_space<vmem>>
        %dma_wait3A_198 = tpu.memref_squeeze %dma_wait3A_197 : memref<1x125xi32, #tpu.memory_space<vmem>> -> memref<125xi32, #tpu.memory_space<vmem>>
        %dma_wait3A_199 = arith.constant 0 : i32
        %dma_wait3A_200 = arith.constant 0 : i32
        %dma_wait3A_201 = tpu.memref_slice %arg10[%dma_wait3A_199, %dma_wait3A_200] : memref<5120x80xf32, #tpu.memory_space<vmem_shared>> -> memref<5120x80xf32, #tpu.memory_space<vmem_shared>>
        tpu.wait_indirect_dma semaphore(%arg12 : memref<!tpu.dma_semaphore, #tpu.memory_space<semaphore_mem>>) src(%dma_wait3A_195 : memref<125x80xf32, #tpu.memory_space<vmem>>) dst(%dma_wait3A_201 : memref<5120x80xf32, #tpu.memory_space<vmem_shared>>)
      } else {
      }
      %add3A_133 = arith.constant 1 : i32
      %add3A_134 = arith.addi %scan3A_99, %add3A_133 : i32
      %lt3A = arith.constant 40 : i32
      %lt3A_135 = arith.cmpi slt, %add3A_134, %lt3A : i32
      %convert_element_type3A_136 = arith.extui %lt3A_135 : i1 to i32
      %cond3A_137 = arith.constant 0 : i32
      %cond3A_138 = arith.cmpi ne, %convert_element_type3A_136, %cond3A_137 : i32
      scf.if %cond3A_138 {
        %add3A_169 = arith.constant 1 : i32
        %add3A_170 = arith.addi %scan3A_99, %add3A_169 : i32
        %sub3A = arith.constant 1 : i32
        %sub3A_171 = arith.subi %sub3A, %rem3A_100 : i32
        %mul3A_172 = arith.constant 2 : i32
        %mul3A_173 = arith.muli %add3A_170, %mul3A_172 : i32
        %add3A_174 = arith.constant 0 : i32
        %add3A_175 = arith.addi %mul3A_173, %add3A_174 : i32
        %dma_start3A_176 = arith.constant 0 : i32
        %dma_start3A_177 = arith.constant 0 : i32
        %dma_start3A_178 = arith.constant 0 : i32
        %dma_start3A_179 = tpu.memref_slice %arg9[%sub3A_171, %dma_start3A_176, %dma_start3A_177, %dma_start3A_178] : memref<2x2x125x80xf32, #tpu.memory_space<vmem>> -> memref<1x1x125x80xf32, #tpu.memory_space<vmem>>
        %dma_start3A_180 = tpu.memref_squeeze %dma_start3A_179 : memref<1x1x125x80xf32, #tpu.memory_space<vmem>> -> memref<125x80xf32, #tpu.memory_space<vmem>>
        %dma_start3A_181 = arith.constant 0 : i32
        %dma_start3A_182 = tpu.memref_slice %arg7[%add3A_175, %dma_start3A_181] : memref<80x125xi32, #tpu.memory_space<vmem>> -> memref<1x125xi32, #tpu.memory_space<vmem>>
        %dma_start3A_183 = tpu.memref_squeeze %dma_start3A_182 : memref<1x125xi32, #tpu.memory_space<vmem>> -> memref<125xi32, #tpu.memory_space<vmem>>
        %dma_start3A_184 = arith.constant 0 : i32
        %dma_start3A_185 = arith.constant 0 : i32
        %dma_start3A_186 = tpu.memref_slice %arg2[%dma_start3A_184, %dma_start3A_185] : memref<10000x80xf32, #tpu.memory_space<hbm>> -> memref<10000x80xf32, #tpu.memory_space<hbm>>
        tpu.enqueue_indirect_dma source(%dma_start3A_186 : memref<10000x80xf32, #tpu.memory_space<hbm>>) target(%dma_start3A_180 : memref<125x80xf32, #tpu.memory_space<vmem>>) offsets(%dma_start3A_183 : memref<125xi32, #tpu.memory_space<vmem>>) semaphore(%arg11 : memref<!tpu.dma_semaphore, #tpu.memory_space<semaphore_mem>>)
        %mul3A_187 = arith.constant 2 : i32
        %mul3A_188 = arith.muli %add3A_170, %mul3A_187 : i32
        %add3A_189 = arith.constant 1 : i32
        %add3A_190 = arith.addi %mul3A_188, %add3A_189 : i32
        %dma_start3A_191 = arith.constant 1 : i32
        %dma_start3A_192 = arith.constant 0 : i32
        %dma_start3A_193 = arith.constant 0 : i32
        %dma_start3A_194 = tpu.memref_slice %arg9[%sub3A_171, %dma_start3A_191, %dma_start3A_192, %dma_start3A_193] : memref<2x2x125x80xf32, #tpu.memory_space<vmem>> -> memref<1x1x125x80xf32, #tpu.memory_space<vmem>>
        %dma_start3A_195 = tpu.memref_squeeze %dma_start3A_194 : memref<1x1x125x80xf32, #tpu.memory_space<vmem>> -> memref<125x80xf32, #tpu.memory_space<vmem>>
        %dma_start3A_196 = arith.constant 0 : i32
        %dma_start3A_197 = tpu.memref_slice %arg7[%add3A_190, %dma_start3A_196] : memref<80x125xi32, #tpu.memory_space<vmem>> -> memref<1x125xi32, #tpu.memory_space<vmem>>
        %dma_start3A_198 = tpu.memref_squeeze %dma_start3A_197 : memref<1x125xi32, #tpu.memory_space<vmem>> -> memref<125xi32, #tpu.memory_space<vmem>>
        %dma_start3A_199 = arith.constant 0 : i32
        %dma_start3A_200 = arith.constant 0 : i32
        %dma_start3A_201 = tpu.memref_slice %arg2[%dma_start3A_199, %dma_start3A_200] : memref<10000x80xf32, #tpu.memory_space<hbm>> -> memref<10000x80xf32, #tpu.memory_space<hbm>>
        tpu.enqueue_indirect_dma source(%dma_start3A_201 : memref<10000x80xf32, #tpu.memory_space<hbm>>) target(%dma_start3A_195 : memref<125x80xf32, #tpu.memory_space<vmem>>) offsets(%dma_start3A_198 : memref<125xi32, #tpu.memory_space<vmem>>) semaphore(%arg11 : memref<!tpu.dma_semaphore, #tpu.memory_space<semaphore_mem>>)
      } else {
      }
      %mul3A_139 = arith.constant 2 : i32
      %mul3A_140 = arith.muli %scan3A_99, %mul3A_139 : i32
      %add3A_141 = arith.constant 0 : i32
      %add3A_142 = arith.addi %mul3A_140, %add3A_141 : i32
      %dma_start3A_143 = arith.constant 0 : i32
      %dma_start3A_144 = arith.constant 0 : i32
      %dma_start3A_145 = arith.constant 0 : i32
      %dma_start3A_146 = tpu.memref_slice %arg9[%rem3A_100, %dma_start3A_143, %dma_start3A_144, %dma_start3A_145] : memref<2x2x125x80xf32, #tpu.memory_space<vmem>> -> memref<1x1x125x80xf32, #tpu.memory_space<vmem>>
      %dma_start3A_147 = tpu.memref_squeeze %dma_start3A_146 : memref<1x1x125x80xf32, #tpu.memory_space<vmem>> -> memref<125x80xf32, #tpu.memory_space<vmem>>
      %dma_start3A_148 = arith.constant 0 : i32
      %dma_start3A_149 = tpu.memref_slice %arg8[%add3A_142, %dma_start3A_148] : memref<80x125xi32, #tpu.memory_space<vmem>> -> memref<1x125xi32, #tpu.memory_space<vmem>>
      %dma_start3A_150 = tpu.memref_squeeze %dma_start3A_149 : memref<1x125xi32, #tpu.memory_space<vmem>> -> memref<125xi32, #tpu.memory_space<vmem>>
      %dma_start3A_151 = arith.constant 0 : i32
      %dma_start3A_152 = arith.constant 0 : i32
      %dma_start3A_153 = tpu.memref_slice %arg10[%dma_start3A_151, %dma_start3A_152] : memref<5120x80xf32, #tpu.memory_space<vmem_shared>> -> memref<5120x80xf32, #tpu.memory_space<vmem_shared>>
      tpu.enqueue_indirect_dma source(%dma_start3A_147 : memref<125x80xf32, #tpu.memory_space<vmem>>) target(%dma_start3A_153 : memref<5120x80xf32, #tpu.memory_space<vmem_shared>>) offsets(%dma_start3A_150 : memref<125xi32, #tpu.memory_space<vmem>>) semaphore(%arg12 : memref<!tpu.dma_semaphore, #tpu.memory_space<semaphore_mem>>) {add = true}
      %mul3A_154 = arith.constant 2 : i32
      %mul3A_155 = arith.muli %scan3A_99, %mul3A_154 : i32
      %add3A_156 = arith.constant 1 : i32
      %add3A_157 = arith.addi %mul3A_155, %add3A_156 : i32
      %dma_start3A_158 = arith.constant 1 : i32
      %dma_start3A_159 = arith.constant 0 : i32
      %dma_start3A_160 = arith.constant 0 : i32
      %dma_start3A_161 = tpu.memref_slice %arg9[%rem3A_100, %dma_start3A_158, %dma_start3A_159, %dma_start3A_160] : memref<2x2x125x80xf32, #tpu.memory_space<vmem>> -> memref<1x1x125x80xf32, #tpu.memory_space<vmem>>
      %dma_start3A_162 = tpu.memref_squeeze %dma_start3A_161 : memref<1x1x125x80xf32, #tpu.memory_space<vmem>> -> memref<125x80xf32, #tpu.memory_space<vmem>>
      %dma_start3A_163 = arith.constant 0 : i32
      %dma_start3A_164 = tpu.memref_slice %arg8[%add3A_157, %dma_start3A_163] : memref<80x125xi32, #tpu.memory_space<vmem>> -> memref<1x125xi32, #tpu.memory_space<vmem>>
      %dma_start3A_165 = tpu.memref_squeeze %dma_start3A_164 : memref<1x125xi32, #tpu.memory_space<vmem>> -> memref<125xi32, #tpu.memory_space<vmem>>
      %dma_start3A_166 = arith.constant 0 : i32
      %dma_start3A_167 = arith.constant 0 : i32
      %dma_start3A_168 = tpu.memref_slice %arg10[%dma_start3A_166, %dma_start3A_167] : memref<5120x80xf32, #tpu.memory_space<vmem_shared>> -> memref<5120x80xf32, #tpu.memory_space<vmem_shared>>
      tpu.enqueue_indirect_dma source(%dma_start3A_162 : memref<125x80xf32, #tpu.memory_space<vmem>>) target(%dma_start3A_168 : memref<5120x80xf32, #tpu.memory_space<vmem_shared>>) offsets(%dma_start3A_165 : memref<125xi32, #tpu.memory_space<vmem>>) semaphore(%arg12 : memref<!tpu.dma_semaphore, #tpu.memory_space<semaphore_mem>>) {add = true}
    }
    %scan3A_71 = arith.constant 40 : i32
    %dma_wait3A_72 = arith.constant 1 : i32
    %dma_wait3A_73 = arith.constant 0 : i32
    %dma_wait3A_74 = arith.constant 78 : i32
    %dma_wait3A_75 = arith.constant 0 : i32
    %dma_wait3A_76 = arith.constant 0 : i32
    %dma_wait3A_77 = tpu.memref_slice %arg9[%dma_wait3A_72, %dma_wait3A_73, %dma_wait3A_75, %dma_wait3A_76] : memref<2x2x125x80xf32, #tpu.memory_space<vmem>> -> memref<1x1x125x80xf32, #tpu.memory_space<vmem>>
    %dma_wait3A_78 = tpu.memref_squeeze %dma_wait3A_77 : memref<1x1x125x80xf32, #tpu.memory_space<vmem>> -> memref<125x80xf32, #tpu.memory_space<vmem>>
    %dma_wait3A_79 = arith.constant 0 : i32
    %dma_wait3A_80 = tpu.memref_slice %arg8[%dma_wait3A_74, %dma_wait3A_79] : memref<80x125xi32, #tpu.memory_space<vmem>> -> memref<1x125xi32, #tpu.memory_space<vmem>>
    %dma_wait3A_81 = tpu.memref_squeeze %dma_wait3A_80 : memref<1x125xi32, #tpu.memory_space<vmem>> -> memref<125xi32, #tpu.memory_space<vmem>>
    %dma_wait3A_82 = arith.constant 0 : i32
    %dma_wait3A_83 = arith.constant 0 : i32
    %dma_wait3A_84 = tpu.memref_slice %arg10[%dma_wait3A_82, %dma_wait3A_83] : memref<5120x80xf32, #tpu.memory_space<vmem_shared>> -> memref<5120x80xf32, #tpu.memory_space<vmem_shared>>
    tpu.wait_indirect_dma semaphore(%arg12 : memref<!tpu.dma_semaphore, #tpu.memory_space<semaphore_mem>>) src(%dma_wait3A_78 : memref<125x80xf32, #tpu.memory_space<vmem>>) dst(%dma_wait3A_84 : memref<5120x80xf32, #tpu.memory_space<vmem_shared>>)
    %dma_wait3A_85 = arith.constant 1 : i32
    %dma_wait3A_86 = arith.constant 1 : i32
    %dma_wait3A_87 = arith.constant 79 : i32
    %dma_wait3A_88 = arith.constant 0 : i32
    %dma_wait3A_89 = arith.constant 0 : i32
    %dma_wait3A_90 = tpu.memref_slice %arg9[%dma_wait3A_85, %dma_wait3A_86, %dma_wait3A_88, %dma_wait3A_89] : memref<2x2x125x80xf32, #tpu.memory_space<vmem>> -> memref<1x1x125x80xf32, #tpu.memory_space<vmem>>
    %dma_wait3A_91 = tpu.memref_squeeze %dma_wait3A_90 : memref<1x1x125x80xf32, #tpu.memory_space<vmem>> -> memref<125x80xf32, #tpu.memory_space<vmem>>
    %dma_wait3A_92 = arith.constant 0 : i32
    %dma_wait3A_93 = tpu.memref_slice %arg8[%dma_wait3A_87, %dma_wait3A_92] : memref<80x125xi32, #tpu.memory_space<vmem>> -> memref<1x125xi32, #tpu.memory_space<vmem>>
    %dma_wait3A_94 = tpu.memref_squeeze %dma_wait3A_93 : memref<1x125xi32, #tpu.memory_space<vmem>> -> memref<125xi32, #tpu.memory_space<vmem>>
    %dma_wait3A_95 = arith.constant 0 : i32
    %dma_wait3A_96 = arith.constant 0 : i32
    %dma_wait3A_97 = tpu.memref_slice %arg10[%dma_wait3A_95, %dma_wait3A_96] : memref<5120x80xf32, #tpu.memory_space<vmem_shared>> -> memref<5120x80xf32, #tpu.memory_space<vmem_shared>>
    tpu.wait_indirect_dma semaphore(%arg12 : memref<!tpu.dma_semaphore, #tpu.memory_space<semaphore_mem>>) src(%dma_wait3A_91 : memref<125x80xf32, #tpu.memory_space<vmem>>) dst(%dma_wait3A_97 : memref<5120x80xf32, #tpu.memory_space<vmem_shared>>)
    %barrier3A_98 = arith.constant 0 : index
    tpu.barrier barrier_id(%barrier3A_98)
    "tpu.region"() ({
      %run_scoped3A = tpu.sem_alloc : memref<!tpu.dma_semaphore, #tpu.memory_space<semaphore_mem>>
      %dma_start3A_99 = arith.constant 0 : i32
      %dma_start3A_100 = tpu.memref_slice %arg6[%arg0, %mul3A_2, %dma_start3A_99] : memref<2x5120x80xf32, #tpu.memory_space<hbm>> -> memref<1x320x80xf32, #tpu.memory_space<hbm>>
      %dma_start3A_101 = tpu.memref_squeeze %dma_start3A_100 : memref<1x320x80xf32, #tpu.memory_space<hbm>> -> memref<320x80xf32, #tpu.memory_space<hbm>>
      %dma_start3A_102 = arith.constant 0 : i32
      %dma_start3A_103 = tpu.memref_slice %arg10[%mul3A_2, %dma_start3A_102] : memref<5120x80xf32, #tpu.memory_space<vmem_shared>> -> memref<320x80xf32, #tpu.memory_space<vmem_shared>>
      tpu.enqueue_dma source(%dma_start3A_103 : memref<320x80xf32, #tpu.memory_space<vmem_shared>>) target(%dma_start3A_101 : memref<320x80xf32, #tpu.memory_space<hbm>>) target_semaphore(%run_scoped3A : memref<!tpu.dma_semaphore, #tpu.memory_space<semaphore_mem>>)
      %dma_wait3A_104 = arith.constant 0 : i32
      %dma_wait3A_105 = tpu.memref_slice %arg6[%arg0, %mul3A_2, %dma_wait3A_104] : memref<2x5120x80xf32, #tpu.memory_space<hbm>> -> memref<1x320x80xf32, #tpu.memory_space<hbm>>
      %dma_wait3A_106 = tpu.memref_squeeze %dma_wait3A_105 : memref<1x320x80xf32, #tpu.memory_space<hbm>> -> memref<320x80xf32, #tpu.memory_space<hbm>>
      %dma_wait3A_107 = arith.constant 0 : i32
      %dma_wait3A_108 = tpu.memref_slice %arg10[%mul3A_2, %dma_wait3A_107] : memref<5120x80xf32, #tpu.memory_space<vmem_shared>> -> memref<320x80xf32, #tpu.memory_space<vmem_shared>>
      tpu.wait_dma2 semaphore(%run_scoped3A : memref<!tpu.dma_semaphore, #tpu.memory_space<semaphore_mem>>) src(%dma_wait3A_108 : memref<320x80xf32, #tpu.memory_space<vmem_shared>>) dst(%dma_wait3A_106 : memref<320x80xf32, #tpu.memory_space<hbm>>)
      tpu.yield
    }) : () -> ()
    return
  }
}

#map = affine_map<(d0, d1) -> (0, 0)>
#map1 = affine_map<(d0, d1) -> (0, 0, 0)>
module attributes {stable_mosaic.version = 14 : i64} {
  func.func @k(%arg0: i32, %arg1: i32, %arg2: memref<5000x80xf32, #tpu.memory_space<hbm>>, %arg3: memref<32x80x125xi32, #tpu.memory_space<hbm>>, %arg4: memref<32x80x125xi32, #tpu.memory_space<hbm>>, %arg5: memref<10240x80xf32, #tpu.memory_space<hbm>>, %arg6: memref<2x10240x80xf32, #tpu.memory_space<hbm>>, %arg7: memref<80x125xi32, #tpu.memory_space<vmem>>, %arg8: memref<80x125xi32, #tpu.memory_space<vmem>>, %arg9: memref<2x2x125x80xf32, #tpu.memory_space<vmem>>, %arg10: memref<10240x80xf32, #tpu.memory_space<vmem_shared>>, %arg11: memref<!tpu.dma_semaphore, #tpu.memory_space<semaphore_mem>>, %arg12: memref<!tpu.dma_semaphore, #tpu.memory_space<semaphore_mem>>) attributes {dimension_semantics = [#tpu.dimension_semantics<core_parallel>, #tpu.dimension_semantics<subcore_parallel>], iteration_bounds = array<i64: 2, 16>, scalar_prefetch = 0 : i64, scratch_operands = 6 : i64, tpu.core_type = #tpu.core_type<sc_vector_subcore>, window_params = [{transform_indices = #map}, {transform_indices = #map1}, {transform_indices = #map1}, {transform_indices = #map}, {transform_indices = #map1}]} {
    %mul3A = arith.constant 2 : i32
    %mul3A_0 = arith.muli %arg1, %mul3A : i32
    %add3A = arith.addi %mul3A_0, %arg0 : i32
    %mul3A_1 = arith.constant 640 : i32
    %mul3A_2 = arith.muli %arg1, %mul3A_1 : i32
    %dma_start3A = arith.constant 0 : i32
    %dma_start3A_3 = tpu.memref_slice %arg10[%mul3A_2, %dma_start3A] : memref<10240x80xf32, #tpu.memory_space<vmem_shared>> -> memref<640x80xf32, #tpu.memory_space<vmem_shared>>
    %dma_start3A_4 = arith.constant 0 : i32
    %dma_start3A_5 = tpu.memref_slice %arg5[%mul3A_2, %dma_start3A_4] : memref<10240x80xf32, #tpu.memory_space<hbm>> -> memref<640x80xf32, #tpu.memory_space<hbm>>
    tpu.enqueue_dma source(%dma_start3A_5 : memref<640x80xf32, #tpu.memory_space<hbm>>) target(%dma_start3A_3 : memref<640x80xf32, #tpu.memory_space<vmem_shared>>) target_semaphore(%arg11 : memref<!tpu.dma_semaphore, #tpu.memory_space<semaphore_mem>>)
    %dma_start3A_6 = arith.constant 0 : i32
    %dma_start3A_7 = arith.constant 0 : i32
    %dma_start3A_8 = tpu.memref_slice %arg3[%add3A, %dma_start3A_6, %dma_start3A_7] : memref<32x80x125xi32, #tpu.memory_space<hbm>> -> memref<1x80x125xi32, #tpu.memory_space<hbm>>
    %dma_start3A_9 = tpu.memref_squeeze %dma_start3A_8 : memref<1x80x125xi32, #tpu.memory_space<hbm>> -> memref<80x125xi32, #tpu.memory_space<hbm>>
    %dma_start3A_10 = arith.constant 0 : i32
    %dma_start3A_11 = arith.constant 0 : i32
    %dma_start3A_12 = tpu.memref_slice %arg3[%add3A, %dma_start3A_10, %dma_start3A_11] : memref<32x80x125xi32, #tpu.memory_space<hbm>> -> memref<1x80x125xi32, #tpu.memory_space<hbm>>
    %dma_start3A_13 = tpu.memref_squeeze %dma_start3A_12 : memref<1x80x125xi32, #tpu.memory_space<hbm>> -> memref<80x125xi32, #tpu.memory_space<hbm>>
    tpu.enqueue_dma source(%dma_start3A_13 : memref<80x125xi32, #tpu.memory_space<hbm>>) target(%arg7 : memref<80x125xi32, #tpu.memory_space<vmem>>) target_semaphore(%arg11 : memref<!tpu.dma_semaphore, #tpu.memory_space<semaphore_mem>>)
    %dma_start3A_14 = arith.constant 0 : i32
    %dma_start3A_15 = arith.constant 0 : i32
    %dma_start3A_16 = tpu.memref_slice %arg4[%add3A, %dma_start3A_14, %dma_start3A_15] : memref<32x80x125xi32, #tpu.memory_space<hbm>> -> memref<1x80x125xi32, #tpu.memory_space<hbm>>
    %dma_start3A_17 = tpu.memref_squeeze %dma_start3A_16 : memref<1x80x125xi32, #tpu.memory_space<hbm>> -> memref<80x125xi32, #tpu.memory_space<hbm>>
    %dma_start3A_18 = arith.constant 0 : i32
    %dma_start3A_19 = arith.constant 0 : i32
    %dma_start3A_20 = tpu.memref_slice %arg4[%add3A, %dma_start3A_18, %dma_start3A_19] : memref<32x80x125xi32, #tpu.memory_space<hbm>> -> memref<1x80x125xi32, #tpu.memory_space<hbm>>
    %dma_start3A_21 = tpu.memref_squeeze %dma_start3A_20 : memref<1x80x125xi32, #tpu.memory_space<hbm>> -> memref<80x125xi32, #tpu.memory_space<hbm>>
    tpu.enqueue_dma source(%dma_start3A_21 : memref<80x125xi32, #tpu.memory_space<hbm>>) target(%arg8 : memref<80x125xi32, #tpu.memory_space<vmem>>) target_semaphore(%arg11 : memref<!tpu.dma_semaphore, #tpu.memory_space<semaphore_mem>>)
    %dma_wait3A = arith.constant 0 : i32
    %dma_wait3A_22 = tpu.memref_slice %arg10[%mul3A_2, %dma_wait3A] : memref<10240x80xf32, #tpu.memory_space<vmem_shared>> -> memref<640x80xf32, #tpu.memory_space<vmem_shared>>
    %dma_wait3A_23 = arith.constant 0 : i32
    %dma_wait3A_24 = tpu.memref_slice %arg5[%mul3A_2, %dma_wait3A_23] : memref<10240x80xf32, #tpu.memory_space<hbm>> -> memref<640x80xf32, #tpu.memory_space<hbm>>
    tpu.wait_dma2 semaphore(%arg11 : memref<!tpu.dma_semaphore, #tpu.memory_space<semaphore_mem>>) src(%dma_wait3A_24 : memref<640x80xf32, #tpu.memory_space<hbm>>) dst(%dma_wait3A_22 : memref<640x80xf32, #tpu.memory_space<vmem_shared>>)
    %dma_wait3A_25 = arith.constant 0 : i32
    %dma_wait3A_26 = arith.constant 0 : i32
    %dma_wait3A_27 = tpu.memref_slice %arg3[%add3A, %dma_wait3A_25, %dma_wait3A_26] : memref<32x80x125xi32, #tpu.memory_space<hbm>> -> memref<1x80x125xi32, #tpu.memory_space<hbm>>
    %dma_wait3A_28 = tpu.memref_squeeze %dma_wait3A_27 : memref<1x80x125xi32, #tpu.memory_space<hbm>> -> memref<80x125xi32, #tpu.memory_space<hbm>>
    %dma_wait3A_29 = arith.constant 0 : i32
    %dma_wait3A_30 = arith.constant 0 : i32
    %dma_wait3A_31 = tpu.memref_slice %arg3[%add3A, %dma_wait3A_29, %dma_wait3A_30] : memref<32x80x125xi32, #tpu.memory_space<hbm>> -> memref<1x80x125xi32, #tpu.memory_space<hbm>>
    %dma_wait3A_32 = tpu.memref_squeeze %dma_wait3A_31 : memref<1x80x125xi32, #tpu.memory_space<hbm>> -> memref<80x125xi32, #tpu.memory_space<hbm>>
    tpu.wait_dma2 semaphore(%arg11 : memref<!tpu.dma_semaphore, #tpu.memory_space<semaphore_mem>>) src(%dma_wait3A_32 : memref<80x125xi32, #tpu.memory_space<hbm>>) dst(%arg7 : memref<80x125xi32, #tpu.memory_space<vmem>>)
    %dma_wait3A_33 = arith.constant 0 : i32
    %dma_wait3A_34 = arith.constant 0 : i32
    %dma_wait3A_35 = tpu.memref_slice %arg4[%add3A, %dma_wait3A_33, %dma_wait3A_34] : memref<32x80x125xi32, #tpu.memory_space<hbm>> -> memref<1x80x125xi32, #tpu.memory_space<hbm>>
    %dma_wait3A_36 = tpu.memref_squeeze %dma_wait3A_35 : memref<1x80x125xi32, #tpu.memory_space<hbm>> -> memref<80x125xi32, #tpu.memory_space<hbm>>
    %dma_wait3A_37 = arith.constant 0 : i32
    %dma_wait3A_38 = arith.constant 0 : i32
    %dma_wait3A_39 = tpu.memref_slice %arg4[%add3A, %dma_wait3A_37, %dma_wait3A_38] : memref<32x80x125xi32, #tpu.memory_space<hbm>> -> memref<1x80x125xi32, #tpu.memory_space<hbm>>
    %dma_wait3A_40 = tpu.memref_squeeze %dma_wait3A_39 : memref<1x80x125xi32, #tpu.memory_space<hbm>> -> memref<80x125xi32, #tpu.memory_space<hbm>>
    tpu.wait_dma2 semaphore(%arg11 : memref<!tpu.dma_semaphore, #tpu.memory_space<semaphore_mem>>) src(%dma_wait3A_40 : memref<80x125xi32, #tpu.memory_space<hbm>>) dst(%arg8 : memref<80x125xi32, #tpu.memory_space<vmem>>)
    %barrier3A = arith.constant 0 : index
    tpu.barrier barrier_id(%barrier3A)
    %dma_start3A_41 = arith.constant 0 : i32
    %dma_start3A_42 = arith.constant 0 : i32
    %dma_start3A_43 = arith.constant 0 : i32
    %dma_start3A_44 = arith.constant 0 : i32
    %dma_start3A_45 = arith.constant 0 : i32
    %dma_start3A_46 = tpu.memref_slice %arg9[%dma_start3A_42, %dma_start3A_43, %dma_start3A_44, %dma_start3A_45] : memref<2x2x125x80xf32, #tpu.memory_space<vmem>> -> memref<1x1x125x80xf32, #tpu.memory_space<vmem>>
    %dma_start3A_47 = tpu.memref_squeeze %dma_start3A_46 : memref<1x1x125x80xf32, #tpu.memory_space<vmem>> -> memref<125x80xf32, #tpu.memory_space<vmem>>
    %dma_start3A_48 = arith.constant 0 : i32
    %dma_start3A_49 = tpu.memref_slice %arg7[%dma_start3A_41, %dma_start3A_48] : memref<80x125xi32, #tpu.memory_space<vmem>> -> memref<1x125xi32, #tpu.memory_space<vmem>>
    %dma_start3A_50 = tpu.memref_squeeze %dma_start3A_49 : memref<1x125xi32, #tpu.memory_space<vmem>> -> memref<125xi32, #tpu.memory_space<vmem>>
    %dma_start3A_51 = arith.constant 0 : i32
    %dma_start3A_52 = arith.constant 0 : i32
    %dma_start3A_53 = tpu.memref_slice %arg2[%dma_start3A_51, %dma_start3A_52] : memref<5000x80xf32, #tpu.memory_space<hbm>> -> memref<5000x80xf32, #tpu.memory_space<hbm>>
    tpu.enqueue_indirect_dma source(%dma_start3A_53 : memref<5000x80xf32, #tpu.memory_space<hbm>>) target(%dma_start3A_47 : memref<125x80xf32, #tpu.memory_space<vmem>>) offsets(%dma_start3A_50 : memref<125xi32, #tpu.memory_space<vmem>>) semaphore(%arg11 : memref<!tpu.dma_semaphore, #tpu.memory_space<semaphore_mem>>)
    %dma_start3A_54 = arith.constant 1 : i32
    %dma_start3A_55 = arith.constant 0 : i32
    %dma_start3A_56 = arith.constant 1 : i32
    %dma_start3A_57 = arith.constant 0 : i32
    %dma_start3A_58 = arith.constant 0 : i32
    %dma_start3A_59 = tpu.memref_slice %arg9[%dma_start3A_55, %dma_start3A_56, %dma_start3A_57, %dma_start3A_58] : memref<2x2x125x80xf32, #tpu.memory_space<vmem>> -> memref<1x1x125x80xf32, #tpu.memory_space<vmem>>
    %dma_start3A_60 = tpu.memref_squeeze %dma_start3A_59 : memref<1x1x125x80xf32, #tpu.memory_space<vmem>> -> memref<125x80xf32, #tpu.memory_space<vmem>>
    %dma_start3A_61 = arith.constant 0 : i32
    %dma_start3A_62 = tpu.memref_slice %arg7[%dma_start3A_54, %dma_start3A_61] : memref<80x125xi32, #tpu.memory_space<vmem>> -> memref<1x125xi32, #tpu.memory_space<vmem>>
    %dma_start3A_63 = tpu.memref_squeeze %dma_start3A_62 : memref<1x125xi32, #tpu.memory_space<vmem>> -> memref<125xi32, #tpu.memory_space<vmem>>
    %dma_start3A_64 = arith.constant 0 : i32
    %dma_start3A_65 = arith.constant 0 : i32
    %dma_start3A_66 = tpu.memref_slice %arg2[%dma_start3A_64, %dma_start3A_65] : memref<5000x80xf32, #tpu.memory_space<hbm>> -> memref<5000x80xf32, #tpu.memory_space<hbm>>
    tpu.enqueue_indirect_dma source(%dma_start3A_66 : memref<5000x80xf32, #tpu.memory_space<hbm>>) target(%dma_start3A_60 : memref<125x80xf32, #tpu.memory_space<vmem>>) offsets(%dma_start3A_63 : memref<125xi32, #tpu.memory_space<vmem>>) semaphore(%arg11 : memref<!tpu.dma_semaphore, #tpu.memory_space<semaphore_mem>>)
    %scan3A = arith.constant 0 : i32
    %scan3A_67 = arith.constant 0 : i32
    %scan3A_68 = arith.constant 40 : i32
    %scan3A_69 = arith.addi %scan3A_67, %scan3A_68 : i32
    %scan3A_70 = arith.constant 1 : i32
    scf.for %scan3A_99 = %scan3A_67 to %scan3A_69 step %scan3A_70  : i32 {
      %rem3A = arith.constant 2 : i32
      %rem3A_100 = arith.remsi %scan3A_99, %rem3A : i32
      %mul3A_101 = arith.constant 2 : i32
      %mul3A_102 = arith.muli %scan3A_99, %mul3A_101 : i32
      %add3A_103 = arith.constant 0 : i32
      %add3A_104 = arith.addi %mul3A_102, %add3A_103 : i32
      %dma_wait3A_105 = arith.constant 0 : i32
      %dma_wait3A_106 = arith.constant 0 : i32
      %dma_wait3A_107 = arith.constant 0 : i32
      %dma_wait3A_108 = tpu.memref_slice %arg9[%rem3A_100, %dma_wait3A_105, %dma_wait3A_106, %dma_wait3A_107] : memref<2x2x125x80xf32, #tpu.memory_space<vmem>> -> memref<1x1x125x80xf32, #tpu.memory_space<vmem>>
      %dma_wait3A_109 = tpu.memref_squeeze %dma_wait3A_108 : memref<1x1x125x80xf32, #tpu.memory_space<vmem>> -> memref<125x80xf32, #tpu.memory_space<vmem>>
      %dma_wait3A_110 = arith.constant 0 : i32
      %dma_wait3A_111 = tpu.memref_slice %arg7[%add3A_104, %dma_wait3A_110] : memref<80x125xi32, #tpu.memory_space<vmem>> -> memref<1x125xi32, #tpu.memory_space<vmem>>
      %dma_wait3A_112 = tpu.memref_squeeze %dma_wait3A_111 : memref<1x125xi32, #tpu.memory_space<vmem>> -> memref<125xi32, #tpu.memory_space<vmem>>
      %dma_wait3A_113 = arith.constant 0 : i32
      %dma_wait3A_114 = arith.constant 0 : i32
      %dma_wait3A_115 = tpu.memref_slice %arg2[%dma_wait3A_113, %dma_wait3A_114] : memref<5000x80xf32, #tpu.memory_space<hbm>> -> memref<5000x80xf32, #tpu.memory_space<hbm>>
      tpu.wait_indirect_dma semaphore(%arg11 : memref<!tpu.dma_semaphore, #tpu.memory_space<semaphore_mem>>) src(%dma_wait3A_115 : memref<5000x80xf32, #tpu.memory_space<hbm>>) dst(%dma_wait3A_109 : memref<125x80xf32, #tpu.memory_space<vmem>>)
      %mul3A_116 = arith.constant 2 : i32
      %mul3A_117 = arith.muli %scan3A_99, %mul3A_116 : i32
      %add3A_118 = arith.constant 1 : i32
      %add3A_119 = arith.addi %mul3A_117, %add3A_118 : i32
      %dma_wait3A_120 = arith.constant 1 : i32
      %dma_wait3A_121 = arith.constant 0 : i32
      %dma_wait3A_122 = arith.constant 0 : i32
      %dma_wait3A_123 = tpu.memref_slice %arg9[%rem3A_100, %dma_wait3A_120, %dma_wait3A_121, %dma_wait3A_122] : memref<2x2x125x80xf32, #tpu.memory_space<vmem>> -> memref<1x1x125x80xf32, #tpu.memory_space<vmem>>
      %dma_wait3A_124 = tpu.memref_squeeze %dma_wait3A_123 : memref<1x1x125x80xf32, #tpu.memory_space<vmem>> -> memref<125x80xf32, #tpu.memory_space<vmem>>
      %dma_wait3A_125 = arith.constant 0 : i32
      %dma_wait3A_126 = tpu.memref_slice %arg7[%add3A_119, %dma_wait3A_125] : memref<80x125xi32, #tpu.memory_space<vmem>> -> memref<1x125xi32, #tpu.memory_space<vmem>>
      %dma_wait3A_127 = tpu.memref_squeeze %dma_wait3A_126 : memref<1x125xi32, #tpu.memory_space<vmem>> -> memref<125xi32, #tpu.memory_space<vmem>>
      %dma_wait3A_128 = arith.constant 0 : i32
      %dma_wait3A_129 = arith.constant 0 : i32
      %dma_wait3A_130 = tpu.memref_slice %arg2[%dma_wait3A_128, %dma_wait3A_129] : memref<5000x80xf32, #tpu.memory_space<hbm>> -> memref<5000x80xf32, #tpu.memory_space<hbm>>
      tpu.wait_indirect_dma semaphore(%arg11 : memref<!tpu.dma_semaphore, #tpu.memory_space<semaphore_mem>>) src(%dma_wait3A_130 : memref<5000x80xf32, #tpu.memory_space<hbm>>) dst(%dma_wait3A_124 : memref<125x80xf32, #tpu.memory_space<vmem>>)
      %gt3A = arith.constant 0 : i32
      %gt3A_131 = arith.cmpi sgt, %scan3A_99, %gt3A : i32
      %convert_element_type3A = arith.extui %gt3A_131 : i1 to i32
      %cond3A = arith.constant 0 : i32
      %cond3A_132 = arith.cmpi ne, %convert_element_type3A, %cond3A : i32
      scf.if %cond3A_132 {
        %sub3A = arith.constant 1 : i32
        %sub3A_169 = arith.subi %scan3A_99, %sub3A : i32
        %sub3A_170 = arith.constant 1 : i32
        %sub3A_171 = arith.subi %sub3A_170, %rem3A_100 : i32
        %mul3A_172 = arith.constant 2 : i32
        %mul3A_173 = arith.muli %sub3A_169, %mul3A_172 : i32
        %add3A_174 = arith.constant 0 : i32
        %add3A_175 = arith.addi %mul3A_173, %add3A_174 : i32
        %dma_wait3A_176 = arith.constant 0 : i32
        %dma_wait3A_177 = arith.constant 0 : i32
        %dma_wait3A_178 = arith.constant 0 : i32
        %dma_wait3A_179 = tpu.memref_slice %arg9[%sub3A_171, %dma_wait3A_176, %dma_wait3A_177, %dma_wait3A_178] : memref<2x2x125x80xf32, #tpu.memory_space<vmem>> -> memref<1x1x125x80xf32, #tpu.memory_space<vmem>>
        %dma_wait3A_180 = tpu.memref_squeeze %dma_wait3A_179 : memref<1x1x125x80xf32, #tpu.memory_space<vmem>> -> memref<125x80xf32, #tpu.memory_space<vmem>>
        %dma_wait3A_181 = arith.constant 0 : i32
        %dma_wait3A_182 = tpu.memref_slice %arg8[%add3A_175, %dma_wait3A_181] : memref<80x125xi32, #tpu.memory_space<vmem>> -> memref<1x125xi32, #tpu.memory_space<vmem>>
        %dma_wait3A_183 = tpu.memref_squeeze %dma_wait3A_182 : memref<1x125xi32, #tpu.memory_space<vmem>> -> memref<125xi32, #tpu.memory_space<vmem>>
        %dma_wait3A_184 = arith.constant 0 : i32
        %dma_wait3A_185 = arith.constant 0 : i32
        %dma_wait3A_186 = tpu.memref_slice %arg10[%dma_wait3A_184, %dma_wait3A_185] : memref<10240x80xf32, #tpu.memory_space<vmem_shared>> -> memref<10240x80xf32, #tpu.memory_space<vmem_shared>>
        tpu.wait_indirect_dma semaphore(%arg12 : memref<!tpu.dma_semaphore, #tpu.memory_space<semaphore_mem>>) src(%dma_wait3A_180 : memref<125x80xf32, #tpu.memory_space<vmem>>) dst(%dma_wait3A_186 : memref<10240x80xf32, #tpu.memory_space<vmem_shared>>)
        %mul3A_187 = arith.constant 2 : i32
        %mul3A_188 = arith.muli %sub3A_169, %mul3A_187 : i32
        %add3A_189 = arith.constant 1 : i32
        %add3A_190 = arith.addi %mul3A_188, %add3A_189 : i32
        %dma_wait3A_191 = arith.constant 1 : i32
        %dma_wait3A_192 = arith.constant 0 : i32
        %dma_wait3A_193 = arith.constant 0 : i32
        %dma_wait3A_194 = tpu.memref_slice %arg9[%sub3A_171, %dma_wait3A_191, %dma_wait3A_192, %dma_wait3A_193] : memref<2x2x125x80xf32, #tpu.memory_space<vmem>> -> memref<1x1x125x80xf32, #tpu.memory_space<vmem>>
        %dma_wait3A_195 = tpu.memref_squeeze %dma_wait3A_194 : memref<1x1x125x80xf32, #tpu.memory_space<vmem>> -> memref<125x80xf32, #tpu.memory_space<vmem>>
        %dma_wait3A_196 = arith.constant 0 : i32
        %dma_wait3A_197 = tpu.memref_slice %arg8[%add3A_190, %dma_wait3A_196] : memref<80x125xi32, #tpu.memory_space<vmem>> -> memref<1x125xi32, #tpu.memory_space<vmem>>
        %dma_wait3A_198 = tpu.memref_squeeze %dma_wait3A_197 : memref<1x125xi32, #tpu.memory_space<vmem>> -> memref<125xi32, #tpu.memory_space<vmem>>
        %dma_wait3A_199 = arith.constant 0 : i32
        %dma_wait3A_200 = arith.constant 0 : i32
        %dma_wait3A_201 = tpu.memref_slice %arg10[%dma_wait3A_199, %dma_wait3A_200] : memref<10240x80xf32, #tpu.memory_space<vmem_shared>> -> memref<10240x80xf32, #tpu.memory_space<vmem_shared>>
        tpu.wait_indirect_dma semaphore(%arg12 : memref<!tpu.dma_semaphore, #tpu.memory_space<semaphore_mem>>) src(%dma_wait3A_195 : memref<125x80xf32, #tpu.memory_space<vmem>>) dst(%dma_wait3A_201 : memref<10240x80xf32, #tpu.memory_space<vmem_shared>>)
      } else {
      }
      %add3A_133 = arith.constant 1 : i32
      %add3A_134 = arith.addi %scan3A_99, %add3A_133 : i32
      %lt3A = arith.constant 40 : i32
      %lt3A_135 = arith.cmpi slt, %add3A_134, %lt3A : i32
      %convert_element_type3A_136 = arith.extui %lt3A_135 : i1 to i32
      %cond3A_137 = arith.constant 0 : i32
      %cond3A_138 = arith.cmpi ne, %convert_element_type3A_136, %cond3A_137 : i32
      scf.if %cond3A_138 {
        %add3A_169 = arith.constant 1 : i32
        %add3A_170 = arith.addi %scan3A_99, %add3A_169 : i32
        %sub3A = arith.constant 1 : i32
        %sub3A_171 = arith.subi %sub3A, %rem3A_100 : i32
        %mul3A_172 = arith.constant 2 : i32
        %mul3A_173 = arith.muli %add3A_170, %mul3A_172 : i32
        %add3A_174 = arith.constant 0 : i32
        %add3A_175 = arith.addi %mul3A_173, %add3A_174 : i32
        %dma_start3A_176 = arith.constant 0 : i32
        %dma_start3A_177 = arith.constant 0 : i32
        %dma_start3A_178 = arith.constant 0 : i32
        %dma_start3A_179 = tpu.memref_slice %arg9[%sub3A_171, %dma_start3A_176, %dma_start3A_177, %dma_start3A_178] : memref<2x2x125x80xf32, #tpu.memory_space<vmem>> -> memref<1x1x125x80xf32, #tpu.memory_space<vmem>>
        %dma_start3A_180 = tpu.memref_squeeze %dma_start3A_179 : memref<1x1x125x80xf32, #tpu.memory_space<vmem>> -> memref<125x80xf32, #tpu.memory_space<vmem>>
        %dma_start3A_181 = arith.constant 0 : i32
        %dma_start3A_182 = tpu.memref_slice %arg7[%add3A_175, %dma_start3A_181] : memref<80x125xi32, #tpu.memory_space<vmem>> -> memref<1x125xi32, #tpu.memory_space<vmem>>
        %dma_start3A_183 = tpu.memref_squeeze %dma_start3A_182 : memref<1x125xi32, #tpu.memory_space<vmem>> -> memref<125xi32, #tpu.memory_space<vmem>>
        %dma_start3A_184 = arith.constant 0 : i32
        %dma_start3A_185 = arith.constant 0 : i32
        %dma_start3A_186 = tpu.memref_slice %arg2[%dma_start3A_184, %dma_start3A_185] : memref<5000x80xf32, #tpu.memory_space<hbm>> -> memref<5000x80xf32, #tpu.memory_space<hbm>>
        tpu.enqueue_indirect_dma source(%dma_start3A_186 : memref<5000x80xf32, #tpu.memory_space<hbm>>) target(%dma_start3A_180 : memref<125x80xf32, #tpu.memory_space<vmem>>) offsets(%dma_start3A_183 : memref<125xi32, #tpu.memory_space<vmem>>) semaphore(%arg11 : memref<!tpu.dma_semaphore, #tpu.memory_space<semaphore_mem>>)
        %mul3A_187 = arith.constant 2 : i32
        %mul3A_188 = arith.muli %add3A_170, %mul3A_187 : i32
        %add3A_189 = arith.constant 1 : i32
        %add3A_190 = arith.addi %mul3A_188, %add3A_189 : i32
        %dma_start3A_191 = arith.constant 1 : i32
        %dma_start3A_192 = arith.constant 0 : i32
        %dma_start3A_193 = arith.constant 0 : i32
        %dma_start3A_194 = tpu.memref_slice %arg9[%sub3A_171, %dma_start3A_191, %dma_start3A_192, %dma_start3A_193] : memref<2x2x125x80xf32, #tpu.memory_space<vmem>> -> memref<1x1x125x80xf32, #tpu.memory_space<vmem>>
        %dma_start3A_195 = tpu.memref_squeeze %dma_start3A_194 : memref<1x1x125x80xf32, #tpu.memory_space<vmem>> -> memref<125x80xf32, #tpu.memory_space<vmem>>
        %dma_start3A_196 = arith.constant 0 : i32
        %dma_start3A_197 = tpu.memref_slice %arg7[%add3A_190, %dma_start3A_196] : memref<80x125xi32, #tpu.memory_space<vmem>> -> memref<1x125xi32, #tpu.memory_space<vmem>>
        %dma_start3A_198 = tpu.memref_squeeze %dma_start3A_197 : memref<1x125xi32, #tpu.memory_space<vmem>> -> memref<125xi32, #tpu.memory_space<vmem>>
        %dma_start3A_199 = arith.constant 0 : i32
        %dma_start3A_200 = arith.constant 0 : i32
        %dma_start3A_201 = tpu.memref_slice %arg2[%dma_start3A_199, %dma_start3A_200] : memref<5000x80xf32, #tpu.memory_space<hbm>> -> memref<5000x80xf32, #tpu.memory_space<hbm>>
        tpu.enqueue_indirect_dma source(%dma_start3A_201 : memref<5000x80xf32, #tpu.memory_space<hbm>>) target(%dma_start3A_195 : memref<125x80xf32, #tpu.memory_space<vmem>>) offsets(%dma_start3A_198 : memref<125xi32, #tpu.memory_space<vmem>>) semaphore(%arg11 : memref<!tpu.dma_semaphore, #tpu.memory_space<semaphore_mem>>)
      } else {
      }
      %mul3A_139 = arith.constant 2 : i32
      %mul3A_140 = arith.muli %scan3A_99, %mul3A_139 : i32
      %add3A_141 = arith.constant 0 : i32
      %add3A_142 = arith.addi %mul3A_140, %add3A_141 : i32
      %dma_start3A_143 = arith.constant 0 : i32
      %dma_start3A_144 = arith.constant 0 : i32
      %dma_start3A_145 = arith.constant 0 : i32
      %dma_start3A_146 = tpu.memref_slice %arg9[%rem3A_100, %dma_start3A_143, %dma_start3A_144, %dma_start3A_145] : memref<2x2x125x80xf32, #tpu.memory_space<vmem>> -> memref<1x1x125x80xf32, #tpu.memory_space<vmem>>
      %dma_start3A_147 = tpu.memref_squeeze %dma_start3A_146 : memref<1x1x125x80xf32, #tpu.memory_space<vmem>> -> memref<125x80xf32, #tpu.memory_space<vmem>>
      %dma_start3A_148 = arith.constant 0 : i32
      %dma_start3A_149 = tpu.memref_slice %arg8[%add3A_142, %dma_start3A_148] : memref<80x125xi32, #tpu.memory_space<vmem>> -> memref<1x125xi32, #tpu.memory_space<vmem>>
      %dma_start3A_150 = tpu.memref_squeeze %dma_start3A_149 : memref<1x125xi32, #tpu.memory_space<vmem>> -> memref<125xi32, #tpu.memory_space<vmem>>
      %dma_start3A_151 = arith.constant 0 : i32
      %dma_start3A_152 = arith.constant 0 : i32
      %dma_start3A_153 = tpu.memref_slice %arg10[%dma_start3A_151, %dma_start3A_152] : memref<10240x80xf32, #tpu.memory_space<vmem_shared>> -> memref<10240x80xf32, #tpu.memory_space<vmem_shared>>
      tpu.enqueue_indirect_dma source(%dma_start3A_147 : memref<125x80xf32, #tpu.memory_space<vmem>>) target(%dma_start3A_153 : memref<10240x80xf32, #tpu.memory_space<vmem_shared>>) offsets(%dma_start3A_150 : memref<125xi32, #tpu.memory_space<vmem>>) semaphore(%arg12 : memref<!tpu.dma_semaphore, #tpu.memory_space<semaphore_mem>>) {add = true}
      %mul3A_154 = arith.constant 2 : i32
      %mul3A_155 = arith.muli %scan3A_99, %mul3A_154 : i32
      %add3A_156 = arith.constant 1 : i32
      %add3A_157 = arith.addi %mul3A_155, %add3A_156 : i32
      %dma_start3A_158 = arith.constant 1 : i32
      %dma_start3A_159 = arith.constant 0 : i32
      %dma_start3A_160 = arith.constant 0 : i32
      %dma_start3A_161 = tpu.memref_slice %arg9[%rem3A_100, %dma_start3A_158, %dma_start3A_159, %dma_start3A_160] : memref<2x2x125x80xf32, #tpu.memory_space<vmem>> -> memref<1x1x125x80xf32, #tpu.memory_space<vmem>>
      %dma_start3A_162 = tpu.memref_squeeze %dma_start3A_161 : memref<1x1x125x80xf32, #tpu.memory_space<vmem>> -> memref<125x80xf32, #tpu.memory_space<vmem>>
      %dma_start3A_163 = arith.constant 0 : i32
      %dma_start3A_164 = tpu.memref_slice %arg8[%add3A_157, %dma_start3A_163] : memref<80x125xi32, #tpu.memory_space<vmem>> -> memref<1x125xi32, #tpu.memory_space<vmem>>
      %dma_start3A_165 = tpu.memref_squeeze %dma_start3A_164 : memref<1x125xi32, #tpu.memory_space<vmem>> -> memref<125xi32, #tpu.memory_space<vmem>>
      %dma_start3A_166 = arith.constant 0 : i32
      %dma_start3A_167 = arith.constant 0 : i32
      %dma_start3A_168 = tpu.memref_slice %arg10[%dma_start3A_166, %dma_start3A_167] : memref<10240x80xf32, #tpu.memory_space<vmem_shared>> -> memref<10240x80xf32, #tpu.memory_space<vmem_shared>>
      tpu.enqueue_indirect_dma source(%dma_start3A_162 : memref<125x80xf32, #tpu.memory_space<vmem>>) target(%dma_start3A_168 : memref<10240x80xf32, #tpu.memory_space<vmem_shared>>) offsets(%dma_start3A_165 : memref<125xi32, #tpu.memory_space<vmem>>) semaphore(%arg12 : memref<!tpu.dma_semaphore, #tpu.memory_space<semaphore_mem>>) {add = true}
    }
    %scan3A_71 = arith.constant 40 : i32
    %dma_wait3A_72 = arith.constant 1 : i32
    %dma_wait3A_73 = arith.constant 0 : i32
    %dma_wait3A_74 = arith.constant 78 : i32
    %dma_wait3A_75 = arith.constant 0 : i32
    %dma_wait3A_76 = arith.constant 0 : i32
    %dma_wait3A_77 = tpu.memref_slice %arg9[%dma_wait3A_72, %dma_wait3A_73, %dma_wait3A_75, %dma_wait3A_76] : memref<2x2x125x80xf32, #tpu.memory_space<vmem>> -> memref<1x1x125x80xf32, #tpu.memory_space<vmem>>
    %dma_wait3A_78 = tpu.memref_squeeze %dma_wait3A_77 : memref<1x1x125x80xf32, #tpu.memory_space<vmem>> -> memref<125x80xf32, #tpu.memory_space<vmem>>
    %dma_wait3A_79 = arith.constant 0 : i32
    %dma_wait3A_80 = tpu.memref_slice %arg8[%dma_wait3A_74, %dma_wait3A_79] : memref<80x125xi32, #tpu.memory_space<vmem>> -> memref<1x125xi32, #tpu.memory_space<vmem>>
    %dma_wait3A_81 = tpu.memref_squeeze %dma_wait3A_80 : memref<1x125xi32, #tpu.memory_space<vmem>> -> memref<125xi32, #tpu.memory_space<vmem>>
    %dma_wait3A_82 = arith.constant 0 : i32
    %dma_wait3A_83 = arith.constant 0 : i32
    %dma_wait3A_84 = tpu.memref_slice %arg10[%dma_wait3A_82, %dma_wait3A_83] : memref<10240x80xf32, #tpu.memory_space<vmem_shared>> -> memref<10240x80xf32, #tpu.memory_space<vmem_shared>>
    tpu.wait_indirect_dma semaphore(%arg12 : memref<!tpu.dma_semaphore, #tpu.memory_space<semaphore_mem>>) src(%dma_wait3A_78 : memref<125x80xf32, #tpu.memory_space<vmem>>) dst(%dma_wait3A_84 : memref<10240x80xf32, #tpu.memory_space<vmem_shared>>)
    %dma_wait3A_85 = arith.constant 1 : i32
    %dma_wait3A_86 = arith.constant 1 : i32
    %dma_wait3A_87 = arith.constant 79 : i32
    %dma_wait3A_88 = arith.constant 0 : i32
    %dma_wait3A_89 = arith.constant 0 : i32
    %dma_wait3A_90 = tpu.memref_slice %arg9[%dma_wait3A_85, %dma_wait3A_86, %dma_wait3A_88, %dma_wait3A_89] : memref<2x2x125x80xf32, #tpu.memory_space<vmem>> -> memref<1x1x125x80xf32, #tpu.memory_space<vmem>>
    %dma_wait3A_91 = tpu.memref_squeeze %dma_wait3A_90 : memref<1x1x125x80xf32, #tpu.memory_space<vmem>> -> memref<125x80xf32, #tpu.memory_space<vmem>>
    %dma_wait3A_92 = arith.constant 0 : i32
    %dma_wait3A_93 = tpu.memref_slice %arg8[%dma_wait3A_87, %dma_wait3A_92] : memref<80x125xi32, #tpu.memory_space<vmem>> -> memref<1x125xi32, #tpu.memory_space<vmem>>
    %dma_wait3A_94 = tpu.memref_squeeze %dma_wait3A_93 : memref<1x125xi32, #tpu.memory_space<vmem>> -> memref<125xi32, #tpu.memory_space<vmem>>
    %dma_wait3A_95 = arith.constant 0 : i32
    %dma_wait3A_96 = arith.constant 0 : i32
    %dma_wait3A_97 = tpu.memref_slice %arg10[%dma_wait3A_95, %dma_wait3A_96] : memref<10240x80xf32, #tpu.memory_space<vmem_shared>> -> memref<10240x80xf32, #tpu.memory_space<vmem_shared>>
    tpu.wait_indirect_dma semaphore(%arg12 : memref<!tpu.dma_semaphore, #tpu.memory_space<semaphore_mem>>) src(%dma_wait3A_91 : memref<125x80xf32, #tpu.memory_space<vmem>>) dst(%dma_wait3A_97 : memref<10240x80xf32, #tpu.memory_space<vmem_shared>>)
    %barrier3A_98 = arith.constant 0 : index
    tpu.barrier barrier_id(%barrier3A_98)
    "tpu.region"() ({
      %run_scoped3A = tpu.sem_alloc : memref<!tpu.dma_semaphore, #tpu.memory_space<semaphore_mem>>
      %dma_start3A_99 = arith.constant 0 : i32
      %dma_start3A_100 = tpu.memref_slice %arg6[%arg0, %mul3A_2, %dma_start3A_99] : memref<2x10240x80xf32, #tpu.memory_space<hbm>> -> memref<1x640x80xf32, #tpu.memory_space<hbm>>
      %dma_start3A_101 = tpu.memref_squeeze %dma_start3A_100 : memref<1x640x80xf32, #tpu.memory_space<hbm>> -> memref<640x80xf32, #tpu.memory_space<hbm>>
      %dma_start3A_102 = arith.constant 0 : i32
      %dma_start3A_103 = tpu.memref_slice %arg10[%mul3A_2, %dma_start3A_102] : memref<10240x80xf32, #tpu.memory_space<vmem_shared>> -> memref<640x80xf32, #tpu.memory_space<vmem_shared>>
      tpu.enqueue_dma source(%dma_start3A_103 : memref<640x80xf32, #tpu.memory_space<vmem_shared>>) target(%dma_start3A_101 : memref<640x80xf32, #tpu.memory_space<hbm>>) target_semaphore(%run_scoped3A : memref<!tpu.dma_semaphore, #tpu.memory_space<semaphore_mem>>)
      %dma_wait3A_104 = arith.constant 0 : i32
      %dma_wait3A_105 = tpu.memref_slice %arg6[%arg0, %mul3A_2, %dma_wait3A_104] : memref<2x10240x80xf32, #tpu.memory_space<hbm>> -> memref<1x640x80xf32, #tpu.memory_space<hbm>>
      %dma_wait3A_106 = tpu.memref_squeeze %dma_wait3A_105 : memref<1x640x80xf32, #tpu.memory_space<hbm>> -> memref<640x80xf32, #tpu.memory_space<hbm>>
      %dma_wait3A_107 = arith.constant 0 : i32
      %dma_wait3A_108 = tpu.memref_slice %arg10[%mul3A_2, %dma_wait3A_107] : memref<10240x80xf32, #tpu.memory_space<vmem_shared>> -> memref<640x80xf32, #tpu.memory_space<vmem_shared>>
      tpu.wait_dma2 semaphore(%run_scoped3A : memref<!tpu.dma_semaphore, #tpu.memory_space<semaphore_mem>>) src(%dma_wait3A_108 : memref<640x80xf32, #tpu.memory_space<vmem_shared>>) dst(%dma_wait3A_106 : memref<640x80xf32, #tpu.memory_space<hbm>>)
      tpu.yield
    }) : () -> ()
    return
  }
}

module attributes {stable_mosaic.version = 14 : i64} {
  func.func @_prep_body(%arg0: memref<10000x128xf32, #tpu.memory_space<vmem>>, %arg1: memref<128x64xf32, #tpu.memory_space<vmem>>, %arg2: memref<128x64xf32, #tpu.memory_space<vmem>>, %arg3: memref<1x64xf32, #tpu.memory_space<vmem>>, %arg4: memref<10000x80xf32, #tpu.memory_space<vmem>>) attributes {dimension_semantics = [], scalar_prefetch = 0 : i64, scratch_operands = 0 : i64, tpu.core_type = #tpu.core_type<tc>} {
    %get3A = arith.constant 0 : index
    %get3A_0 = arith.constant 0 : index
    %get3A_1 = vector.load %arg0[%get3A, %get3A_0] : memref<10000x128xf32, #tpu.memory_space<vmem>>, vector<10000x128xf32>
    %get3A_2 = arith.constant 0 : index
    %get3A_3 = arith.constant 0 : index
    %get3A_4 = vector.load %arg1[%get3A_2, %get3A_3] : memref<128x64xf32, #tpu.memory_space<vmem>>, vector<128x64xf32>
    %get3A_5 = arith.constant 0 : index
    %get3A_6 = arith.constant 0 : index
    %get3A_7 = vector.load %arg2[%get3A_5, %get3A_6] : memref<128x64xf32, #tpu.memory_space<vmem>>, vector<128x64xf32>
    %get3A_8 = arith.constant 0 : index
    %get3A_9 = arith.constant 0 : index
    %get3A_10 = vector.load %arg3[%get3A_8, %get3A_9] : memref<1x64xf32, #tpu.memory_space<vmem>>, vector<1x64xf32>
    %dot_general3A = arith.constant dense<0.000000e+00> : vector<10000x64xf32>
    %dot_general3A_11 = tpu.matmul %get3A_1, %get3A_4, %dot_general3A {dimension_numbers = #tpu.dot_dimension_numbers<[1], [0], [0], [1], [0, 0, 1, 1], [], []>, transpose_lhs_hint = false} : vector<10000x128xf32>, vector<128x64xf32>, vector<10000x64xf32> -> vector<10000x64xf32>
    %dot_general3A_12 = arith.constant dense<0.000000e+00> : vector<10000x64xf32>
    %dot_general3A_13 = tpu.matmul %get3A_1, %get3A_7, %dot_general3A_12 {dimension_numbers = #tpu.dot_dimension_numbers<[1], [0], [0], [1], [0, 0, 1, 1], [], []>, transpose_lhs_hint = false} : vector<10000x128xf32>, vector<128x64xf32>, vector<10000x64xf32> -> vector<10000x64xf32>
    %mul3A = vector.broadcast %get3A_10 : vector<1x64xf32> to vector<10000x64xf32>
    %mul3A_14 = arith.mulf %dot_general3A_11, %mul3A : vector<10000x64xf32>
    %reduce_sum3A = arith.constant dense<0.000000e+00> : vector<10000xf32>
    %reduce_sum3A_15 = vector.multi_reduction <add>, %mul3A_14, %reduce_sum3A [1] : vector<10000x64xf32> to vector<10000xf32>
    %broadcast_in_dim3A = vector.shape_cast %reduce_sum3A_15 : vector<10000xf32> to vector<10000x1xf32>
    %mul3A_16 = arith.constant 1.250000e-01 : f32
    %mul3A_17 = vector.broadcast %mul3A_16 : f32 to vector<10000x1xf32>
    %mul3A_18 = arith.mulf %broadcast_in_dim3A, %mul3A_17 : vector<10000x1xf32>
    %reduce_max3A = vector.shape_cast %mul3A_18 : vector<10000x1xf32> to vector<1x10000x1xf32>
    %reduce_max3A_19 = arith.constant dense<0xFF800000> : vector<1xf32>
    %reduce_max3A_20 = vector.multi_reduction <maximumf>, %reduce_max3A, %reduce_max3A_19 [1, 2] : vector<1x10000x1xf32> to vector<1xf32>
    %reduce_max3A_21 = vector.shape_cast %reduce_max3A_20 : vector<1xf32> to vector<1x1x1xf32>
    %reduce_max3A_22 = vector.extract %reduce_max3A_21[0, 0, 0] : f32 from vector<1x1x1xf32>
    %sub3A = vector.broadcast %reduce_max3A_22 : f32 to vector<10000x1xf32>
    %sub3A_23 = arith.subf %mul3A_18, %sub3A : vector<10000x1xf32>
    %exp3A = math.exp %sub3A_23 : vector<10000x1xf32>
    %mul3A_24 = vector.broadcast %exp3A : vector<10000x1xf32> to vector<10000x64xf32>
    %mul3A_25 = arith.mulf %dot_general3A_13, %mul3A_24 : vector<10000x64xf32>
    %broadcast_in_dim3A_26 = vector.shape_cast %exp3A : vector<10000x1xf32> to vector<10000x1xf32>
    %broadcast_in_dim3A_27 = vector.broadcast %broadcast_in_dim3A_26 : vector<10000x1xf32> to vector<10000x16xf32>
    %concatenate3A = tpu.concatenate %mul3A_25, %broadcast_in_dim3A_27 in 1 : vector<10000x64xf32>, vector<10000x16xf32> -> vector<10000x80xf32>
    %swap3A = arith.constant 0 : index
    %swap3A_28 = arith.constant 0 : index
    %swap3A_29 = vector.load %arg4[%swap3A, %swap3A_28] : memref<10000x80xf32, #tpu.memory_space<vmem>>, vector<10000x80xf32>
    tpu.vector_store %arg4[%swap3A, %swap3A_28], %concatenate3A {strides = array<i32>} : memref<10000x80xf32, #tpu.memory_space<vmem>>, vector<10000x80xf32>,
    return
  }
}

module attributes {stable_mosaic.version = 14 : i64} {
  func.func @_post_prep_body(%arg0: memref<2x5120x80xf32, #tpu.memory_space<vmem>>, %arg1: memref<64x64xf32, #tpu.memory_space<vmem>>, %arg2: memref<64x64xf32, #tpu.memory_space<vmem>>, %arg3: memref<64x64xf32, #tpu.memory_space<vmem>>, %arg4: memref<1x64xf32, #tpu.memory_space<vmem>>, %arg5: memref<5000x80xf32, #tpu.memory_space<vmem>>) attributes {dimension_semantics = [], scalar_prefetch = 0 : i64, scratch_operands = 0 : i64, tpu.core_type = #tpu.core_type<tc>} {
    %get3A = arith.constant 0 : index
    %get3A_0 = arith.constant 0 : index
    %get3A_1 = vector.load %arg1[%get3A, %get3A_0] : memref<64x64xf32, #tpu.memory_space<vmem>>, vector<64x64xf32>
    %get3A_2 = arith.constant 0 : index
    %get3A_3 = arith.constant 0 : index
    %get3A_4 = arith.constant 0 : index
    %get3A_5 = vector.load %arg0[%get3A_2, %get3A_3, %get3A_4] : memref<2x5120x80xf32, #tpu.memory_space<vmem>>, vector<1x5000x80xf32>
    %get3A_6 = vector.shape_cast %get3A_5 : vector<1x5000x80xf32> to vector<5000x80xf32>
    %get3A_7 = arith.constant 1 : index
    %get3A_8 = arith.constant 0 : index
    %get3A_9 = arith.constant 0 : index
    %get3A_10 = vector.load %arg0[%get3A_7, %get3A_8, %get3A_9] : memref<2x5120x80xf32, #tpu.memory_space<vmem>>, vector<1x5000x80xf32>
    %get3A_11 = vector.shape_cast %get3A_10 : vector<1x5000x80xf32> to vector<5000x80xf32>
    %add3A = arith.addf %get3A_6, %get3A_11 : vector<5000x80xf32>
    %slice3A = vector.extract_strided_slice %add3A {offsets = [0, 0], sizes = [5000, 64], strides = [1, 1]} : vector<5000x80xf32> to vector<5000x64xf32>
    %slice3A_12 = vector.extract_strided_slice %add3A {offsets = [0, 64], sizes = [5000, 1], strides = [1, 1]} : vector<5000x80xf32> to vector<5000x1xf32>
    %add3A_13 = arith.constant 1.000000e-16 : f32
    %add3A_14 = vector.broadcast %add3A_13 : f32 to vector<5000x1xf32>
    %add3A_15 = arith.addf %slice3A_12, %add3A_14 : vector<5000x1xf32>
    %div3A = vector.broadcast %add3A_15 : vector<5000x1xf32> to vector<5000x64xf32>
    %div3A_16 = arith.divf %slice3A, %div3A : vector<5000x64xf32>
    %dot_general3A = arith.constant dense<0.000000e+00> : vector<5000x64xf32>
    %dot_general3A_17 = tpu.matmul %div3A_16, %get3A_1, %dot_general3A {dimension_numbers = #tpu.dot_dimension_numbers<[1], [0], [0], [1], [0, 0, 1, 1], [], []>, transpose_lhs_hint = false} : vector<5000x64xf32>, vector<64x64xf32>, vector<5000x64xf32> -> vector<5000x64xf32>
    %max3A = arith.constant 0.000000e+00 : f32
    %max3A_18 = vector.broadcast %max3A : f32 to vector<5000x64xf32>
    %max3A_19 = arith.maximumf %dot_general3A_17, %max3A_18 : vector<5000x64xf32>
    %get3A_20 = arith.constant 0 : index
    %get3A_21 = arith.constant 0 : index
    %get3A_22 = vector.load %arg2[%get3A_20, %get3A_21] : memref<64x64xf32, #tpu.memory_space<vmem>>, vector<64x64xf32>
    %get3A_23 = arith.constant 0 : index
    %get3A_24 = arith.constant 0 : index
    %get3A_25 = vector.load %arg3[%get3A_23, %get3A_24] : memref<64x64xf32, #tpu.memory_space<vmem>>, vector<64x64xf32>
    %get3A_26 = arith.constant 0 : index
    %get3A_27 = arith.constant 0 : index
    %get3A_28 = vector.load %arg4[%get3A_26, %get3A_27] : memref<1x64xf32, #tpu.memory_space<vmem>>, vector<1x64xf32>
    %dot_general3A_29 = arith.constant dense<0.000000e+00> : vector<5000x64xf32>
    %dot_general3A_30 = tpu.matmul %max3A_19, %get3A_22, %dot_general3A_29 {dimension_numbers = #tpu.dot_dimension_numbers<[1], [0], [0], [1], [0, 0, 1, 1], [], []>, transpose_lhs_hint = false} : vector<5000x64xf32>, vector<64x64xf32>, vector<5000x64xf32> -> vector<5000x64xf32>
    %dot_general3A_31 = arith.constant dense<0.000000e+00> : vector<5000x64xf32>
    %dot_general3A_32 = tpu.matmul %max3A_19, %get3A_25, %dot_general3A_31 {dimension_numbers = #tpu.dot_dimension_numbers<[1], [0], [0], [1], [0, 0, 1, 1], [], []>, transpose_lhs_hint = false} : vector<5000x64xf32>, vector<64x64xf32>, vector<5000x64xf32> -> vector<5000x64xf32>
    %mul3A = vector.broadcast %get3A_28 : vector<1x64xf32> to vector<5000x64xf32>
    %mul3A_33 = arith.mulf %dot_general3A_30, %mul3A : vector<5000x64xf32>
    %reduce_sum3A = arith.constant dense<0.000000e+00> : vector<5000xf32>
    %reduce_sum3A_34 = vector.multi_reduction <add>, %mul3A_33, %reduce_sum3A [1] : vector<5000x64xf32> to vector<5000xf32>
    %broadcast_in_dim3A = vector.shape_cast %reduce_sum3A_34 : vector<5000xf32> to vector<5000x1xf32>
    %mul3A_35 = arith.constant 1.250000e-01 : f32
    %mul3A_36 = vector.broadcast %mul3A_35 : f32 to vector<5000x1xf32>
    %mul3A_37 = arith.mulf %broadcast_in_dim3A, %mul3A_36 : vector<5000x1xf32>
    %reduce_max3A = vector.shape_cast %mul3A_37 : vector<5000x1xf32> to vector<1x5000x1xf32>
    %reduce_max3A_38 = arith.constant dense<0xFF800000> : vector<1xf32>
    %reduce_max3A_39 = vector.multi_reduction <maximumf>, %reduce_max3A, %reduce_max3A_38 [1, 2] : vector<1x5000x1xf32> to vector<1xf32>
    %reduce_max3A_40 = vector.shape_cast %reduce_max3A_39 : vector<1xf32> to vector<1x1x1xf32>
    %reduce_max3A_41 = vector.extract %reduce_max3A_40[0, 0, 0] : f32 from vector<1x1x1xf32>
    %sub3A = vector.broadcast %reduce_max3A_41 : f32 to vector<5000x1xf32>
    %sub3A_42 = arith.subf %mul3A_37, %sub3A : vector<5000x1xf32>
    %exp3A = math.exp %sub3A_42 : vector<5000x1xf32>
    %mul3A_43 = vector.broadcast %exp3A : vector<5000x1xf32> to vector<5000x64xf32>
    %mul3A_44 = arith.mulf %dot_general3A_32, %mul3A_43 : vector<5000x64xf32>
    %broadcast_in_dim3A_45 = vector.shape_cast %exp3A : vector<5000x1xf32> to vector<5000x1xf32>
    %broadcast_in_dim3A_46 = vector.broadcast %broadcast_in_dim3A_45 : vector<5000x1xf32> to vector<5000x16xf32>
    %concatenate3A = tpu.concatenate %mul3A_44, %broadcast_in_dim3A_46 in 1 : vector<5000x64xf32>, vector<5000x16xf32> -> vector<5000x80xf32>
    %swap3A = arith.constant 0 : index
    %swap3A_47 = arith.constant 0 : index
    %swap3A_48 = vector.load %arg5[%swap3A, %swap3A_47] : memref<5000x80xf32, #tpu.memory_space<vmem>>, vector<5000x80xf32>
    tpu.vector_store %arg5[%swap3A, %swap3A_47], %concatenate3A {strides = array<i32>} : memref<5000x80xf32, #tpu.memory_space<vmem>>, vector<5000x80xf32>,
    return
  }
}

module attributes {stable_mosaic.version = 14 : i64} {
  func.func @_post_cat_prep_body(%arg0: memref<2x10240x80xf32, #tpu.memory_space<vmem>>, %arg1: memref<64x64xf32, #tpu.memory_space<vmem>>, %arg2: memref<10000x128xf32, #tpu.memory_space<vmem>>, %arg3: memref<192x64xf32, #tpu.memory_space<vmem>>, %arg4: memref<192x64xf32, #tpu.memory_space<vmem>>, %arg5: memref<1x64xf32, #tpu.memory_space<vmem>>, %arg6: memref<10000x80xf32, #tpu.memory_space<vmem>>, %arg7: memref<10000x192xf32, #tpu.memory_space<vmem>>) attributes {dimension_semantics = [], scalar_prefetch = 0 : i64, scratch_operands = 0 : i64, tpu.core_type = #tpu.core_type<tc>} {
    %get3A = arith.constant 0 : index
    %get3A_0 = arith.constant 0 : index
    %get3A_1 = vector.load %arg1[%get3A, %get3A_0] : memref<64x64xf32, #tpu.memory_space<vmem>>, vector<64x64xf32>
    %get3A_2 = arith.constant 0 : index
    %get3A_3 = arith.constant 0 : index
    %get3A_4 = arith.constant 0 : index
    %get3A_5 = vector.load %arg0[%get3A_2, %get3A_3, %get3A_4] : memref<2x10240x80xf32, #tpu.memory_space<vmem>>, vector<1x10000x80xf32>
    %get3A_6 = vector.shape_cast %get3A_5 : vector<1x10000x80xf32> to vector<10000x80xf32>
    %get3A_7 = arith.constant 1 : index
    %get3A_8 = arith.constant 0 : index
    %get3A_9 = arith.constant 0 : index
    %get3A_10 = vector.load %arg0[%get3A_7, %get3A_8, %get3A_9] : memref<2x10240x80xf32, #tpu.memory_space<vmem>>, vector<1x10000x80xf32>
    %get3A_11 = vector.shape_cast %get3A_10 : vector<1x10000x80xf32> to vector<10000x80xf32>
    %add3A = arith.addf %get3A_6, %get3A_11 : vector<10000x80xf32>
    %slice3A = vector.extract_strided_slice %add3A {offsets = [0, 0], sizes = [10000, 64], strides = [1, 1]} : vector<10000x80xf32> to vector<10000x64xf32>
    %slice3A_12 = vector.extract_strided_slice %add3A {offsets = [0, 64], sizes = [10000, 1], strides = [1, 1]} : vector<10000x80xf32> to vector<10000x1xf32>
    %add3A_13 = arith.constant 1.000000e-16 : f32
    %add3A_14 = vector.broadcast %add3A_13 : f32 to vector<10000x1xf32>
    %add3A_15 = arith.addf %slice3A_12, %add3A_14 : vector<10000x1xf32>
    %div3A = vector.broadcast %add3A_15 : vector<10000x1xf32> to vector<10000x64xf32>
    %div3A_16 = arith.divf %slice3A, %div3A : vector<10000x64xf32>
    %dot_general3A = arith.constant dense<0.000000e+00> : vector<10000x64xf32>
    %dot_general3A_17 = tpu.matmul %div3A_16, %get3A_1, %dot_general3A {dimension_numbers = #tpu.dot_dimension_numbers<[1], [0], [0], [1], [0, 0, 1, 1], [], []>, transpose_lhs_hint = false} : vector<10000x64xf32>, vector<64x64xf32>, vector<10000x64xf32> -> vector<10000x64xf32>
    %max3A = arith.constant 0.000000e+00 : f32
    %max3A_18 = vector.broadcast %max3A : f32 to vector<10000x64xf32>
    %max3A_19 = arith.maximumf %dot_general3A_17, %max3A_18 : vector<10000x64xf32>
    %get3A_20 = arith.constant 0 : index
    %get3A_21 = arith.constant 0 : index
    %get3A_22 = vector.load %arg2[%get3A_20, %get3A_21] : memref<10000x128xf32, #tpu.memory_space<vmem>>, vector<10000x128xf32>
    %concatenate3A = tpu.concatenate %get3A_22, %max3A_19 in 1 : vector<10000x128xf32>, vector<10000x64xf32> -> vector<10000x192xf32>
    %swap3A = arith.constant 0 : index
    %swap3A_23 = arith.constant 0 : index
    %swap3A_24 = vector.load %arg7[%swap3A, %swap3A_23] : memref<10000x192xf32, #tpu.memory_space<vmem>>, vector<10000x192xf32>
    tpu.vector_store %arg7[%swap3A, %swap3A_23], %concatenate3A {strides = array<i32>} : memref<10000x192xf32, #tpu.memory_space<vmem>>, vector<10000x192xf32>,
    %get3A_25 = arith.constant 0 : index
    %get3A_26 = arith.constant 0 : index
    %get3A_27 = vector.load %arg3[%get3A_25, %get3A_26] : memref<192x64xf32, #tpu.memory_space<vmem>>, vector<192x64xf32>
    %get3A_28 = arith.constant 0 : index
    %get3A_29 = arith.constant 0 : index
    %get3A_30 = vector.load %arg4[%get3A_28, %get3A_29] : memref<192x64xf32, #tpu.memory_space<vmem>>, vector<192x64xf32>
    %get3A_31 = arith.constant 0 : index
    %get3A_32 = arith.constant 0 : index
    %get3A_33 = vector.load %arg5[%get3A_31, %get3A_32] : memref<1x64xf32, #tpu.memory_space<vmem>>, vector<1x64xf32>
    %dot_general3A_34 = arith.constant dense<0.000000e+00> : vector<10000x64xf32>
    %dot_general3A_35 = tpu.matmul %concatenate3A, %get3A_27, %dot_general3A_34 {dimension_numbers = #tpu.dot_dimension_numbers<[1], [0], [0], [1], [0, 0, 1, 1], [], []>, transpose_lhs_hint = false} : vector<10000x192xf32>, vector<192x64xf32>, vector<10000x64xf32> -> vector<10000x64xf32>
    %dot_general3A_36 = arith.constant dense<0.000000e+00> : vector<10000x64xf32>
    %dot_general3A_37 = tpu.matmul %concatenate3A, %get3A_30, %dot_general3A_36 {dimension_numbers = #tpu.dot_dimension_numbers<[1], [0], [0], [1], [0, 0, 1, 1], [], []>, transpose_lhs_hint = false} : vector<10000x192xf32>, vector<192x64xf32>, vector<10000x64xf32> -> vector<10000x64xf32>
    %mul3A = vector.broadcast %get3A_33 : vector<1x64xf32> to vector<10000x64xf32>
    %mul3A_38 = arith.mulf %dot_general3A_35, %mul3A : vector<10000x64xf32>
    %reduce_sum3A = arith.constant dense<0.000000e+00> : vector<10000xf32>
    %reduce_sum3A_39 = vector.multi_reduction <add>, %mul3A_38, %reduce_sum3A [1] : vector<10000x64xf32> to vector<10000xf32>
    %broadcast_in_dim3A = vector.shape_cast %reduce_sum3A_39 : vector<10000xf32> to vector<10000x1xf32>
    %mul3A_40 = arith.constant 1.250000e-01 : f32
    %mul3A_41 = vector.broadcast %mul3A_40 : f32 to vector<10000x1xf32>
    %mul3A_42 = arith.mulf %broadcast_in_dim3A, %mul3A_41 : vector<10000x1xf32>
    %reduce_max3A = vector.shape_cast %mul3A_42 : vector<10000x1xf32> to vector<1x10000x1xf32>
    %reduce_max3A_43 = arith.constant dense<0xFF800000> : vector<1xf32>
    %reduce_max3A_44 = vector.multi_reduction <maximumf>, %reduce_max3A, %reduce_max3A_43 [1, 2] : vector<1x10000x1xf32> to vector<1xf32>
    %reduce_max3A_45 = vector.shape_cast %reduce_max3A_44 : vector<1xf32> to vector<1x1x1xf32>
    %reduce_max3A_46 = vector.extract %reduce_max3A_45[0, 0, 0] : f32 from vector<1x1x1xf32>
    %sub3A = vector.broadcast %reduce_max3A_46 : f32 to vector<10000x1xf32>
    %sub3A_47 = arith.subf %mul3A_42, %sub3A : vector<10000x1xf32>
    %exp3A = math.exp %sub3A_47 : vector<10000x1xf32>
    %mul3A_48 = vector.broadcast %exp3A : vector<10000x1xf32> to vector<10000x64xf32>
    %mul3A_49 = arith.mulf %dot_general3A_37, %mul3A_48 : vector<10000x64xf32>
    %broadcast_in_dim3A_50 = vector.shape_cast %exp3A : vector<10000x1xf32> to vector<10000x1xf32>
    %broadcast_in_dim3A_51 = vector.broadcast %broadcast_in_dim3A_50 : vector<10000x1xf32> to vector<10000x16xf32>
    %concatenate3A_52 = tpu.concatenate %mul3A_49, %broadcast_in_dim3A_51 in 1 : vector<10000x64xf32>, vector<10000x16xf32> -> vector<10000x80xf32>
    %swap3A_53 = arith.constant 0 : index
    %swap3A_54 = arith.constant 0 : index
    %swap3A_55 = vector.load %arg6[%swap3A_53, %swap3A_54] : memref<10000x80xf32, #tpu.memory_space<vmem>>, vector<10000x80xf32>
    tpu.vector_store %arg6[%swap3A_53, %swap3A_54], %concatenate3A_52 {strides = array<i32>} : memref<10000x80xf32, #tpu.memory_space<vmem>>, vector<10000x80xf32>,
    return
  }
}

module attributes {stable_mosaic.version = 14 : i64} {
  func.func @_post_cat_head_body(%arg0: memref<2x10240x80xf32, #tpu.memory_space<vmem>>, %arg1: memref<64x64xf32, #tpu.memory_space<vmem>>, %arg2: memref<10000x192xf32, #tpu.memory_space<vmem>>, %arg3: memref<256x128xf32, #tpu.memory_space<vmem>>, %arg4: memref<1x128xf32, #tpu.memory_space<vmem>>, %arg5: memref<128x40xf32, #tpu.memory_space<vmem>>, %arg6: memref<1x40xf32, #tpu.memory_space<vmem>>, %arg7: memref<10000x40xf32, #tpu.memory_space<vmem>>) attributes {dimension_semantics = [], scalar_prefetch = 0 : i64, scratch_operands = 0 : i64, tpu.core_type = #tpu.core_type<tc>} {
    %get3A = arith.constant 0 : index
    %get3A_0 = arith.constant 0 : index
    %get3A_1 = vector.load %arg1[%get3A, %get3A_0] : memref<64x64xf32, #tpu.memory_space<vmem>>, vector<64x64xf32>
    %get3A_2 = arith.constant 0 : index
    %get3A_3 = arith.constant 0 : index
    %get3A_4 = arith.constant 0 : index
    %get3A_5 = vector.load %arg0[%get3A_2, %get3A_3, %get3A_4] : memref<2x10240x80xf32, #tpu.memory_space<vmem>>, vector<1x10000x80xf32>
    %get3A_6 = vector.shape_cast %get3A_5 : vector<1x10000x80xf32> to vector<10000x80xf32>
    %get3A_7 = arith.constant 1 : index
    %get3A_8 = arith.constant 0 : index
    %get3A_9 = arith.constant 0 : index
    %get3A_10 = vector.load %arg0[%get3A_7, %get3A_8, %get3A_9] : memref<2x10240x80xf32, #tpu.memory_space<vmem>>, vector<1x10000x80xf32>
    %get3A_11 = vector.shape_cast %get3A_10 : vector<1x10000x80xf32> to vector<10000x80xf32>
    %add3A = arith.addf %get3A_6, %get3A_11 : vector<10000x80xf32>
    %slice3A = vector.extract_strided_slice %add3A {offsets = [0, 0], sizes = [10000, 64], strides = [1, 1]} : vector<10000x80xf32> to vector<10000x64xf32>
    %slice3A_12 = vector.extract_strided_slice %add3A {offsets = [0, 64], sizes = [10000, 1], strides = [1, 1]} : vector<10000x80xf32> to vector<10000x1xf32>
    %add3A_13 = arith.constant 1.000000e-16 : f32
    %add3A_14 = vector.broadcast %add3A_13 : f32 to vector<10000x1xf32>
    %add3A_15 = arith.addf %slice3A_12, %add3A_14 : vector<10000x1xf32>
    %div3A = vector.broadcast %add3A_15 : vector<10000x1xf32> to vector<10000x64xf32>
    %div3A_16 = arith.divf %slice3A, %div3A : vector<10000x64xf32>
    %dot_general3A = arith.constant dense<0.000000e+00> : vector<10000x64xf32>
    %dot_general3A_17 = tpu.matmul %div3A_16, %get3A_1, %dot_general3A {dimension_numbers = #tpu.dot_dimension_numbers<[1], [0], [0], [1], [0, 0, 1, 1], [], []>, transpose_lhs_hint = false} : vector<10000x64xf32>, vector<64x64xf32>, vector<10000x64xf32> -> vector<10000x64xf32>
    %max3A = arith.constant 0.000000e+00 : f32
    %max3A_18 = vector.broadcast %max3A : f32 to vector<10000x64xf32>
    %max3A_19 = arith.maximumf %dot_general3A_17, %max3A_18 : vector<10000x64xf32>
    %get3A_20 = arith.constant 0 : index
    %get3A_21 = arith.constant 0 : index
    %get3A_22 = vector.load %arg2[%get3A_20, %get3A_21] : memref<10000x192xf32, #tpu.memory_space<vmem>>, vector<10000x192xf32>
    %concatenate3A = tpu.concatenate %get3A_22, %max3A_19 in 1 : vector<10000x192xf32>, vector<10000x64xf32> -> vector<10000x256xf32>
    %get3A_23 = arith.constant 0 : index
    %get3A_24 = arith.constant 0 : index
    %get3A_25 = vector.load %arg3[%get3A_23, %get3A_24] : memref<256x128xf32, #tpu.memory_space<vmem>>, vector<256x128xf32>
    %dot_general3A_26 = arith.constant dense<0.000000e+00> : vector<10000x128xf32>
    %dot_general3A_27 = tpu.matmul %concatenate3A, %get3A_25, %dot_general3A_26 {dimension_numbers = #tpu.dot_dimension_numbers<[1], [0], [0], [1], [0, 0, 1, 1], [], []>, transpose_lhs_hint = false} : vector<10000x256xf32>, vector<256x128xf32>, vector<10000x128xf32> -> vector<10000x128xf32>
    %get3A_28 = arith.constant 0 : index
    %get3A_29 = arith.constant 0 : index
    %get3A_30 = vector.load %arg4[%get3A_28, %get3A_29] : memref<1x128xf32, #tpu.memory_space<vmem>>, vector<1x128xf32>
    %add3A_31 = vector.broadcast %get3A_30 : vector<1x128xf32> to vector<10000x128xf32>
    %add3A_32 = arith.addf %dot_general3A_27, %add3A_31 : vector<10000x128xf32>
    %max3A_33 = arith.constant 0.000000e+00 : f32
    %max3A_34 = vector.broadcast %max3A_33 : f32 to vector<10000x128xf32>
    %max3A_35 = arith.maximumf %add3A_32, %max3A_34 : vector<10000x128xf32>
    %get3A_36 = arith.constant 0 : index
    %get3A_37 = arith.constant 0 : index
    %get3A_38 = vector.load %arg5[%get3A_36, %get3A_37] : memref<128x40xf32, #tpu.memory_space<vmem>>, vector<128x40xf32>
    %dot_general3A_39 = arith.constant dense<0.000000e+00> : vector<10000x40xf32>
    %dot_general3A_40 = tpu.matmul %max3A_35, %get3A_38, %dot_general3A_39 {dimension_numbers = #tpu.dot_dimension_numbers<[1], [0], [0], [1], [0, 0, 1, 1], [], []>, transpose_lhs_hint = false} : vector<10000x128xf32>, vector<128x40xf32>, vector<10000x40xf32> -> vector<10000x40xf32>
    %get3A_41 = arith.constant 0 : index
    %get3A_42 = arith.constant 0 : index
    %get3A_43 = vector.load %arg6[%get3A_41, %get3A_42] : memref<1x40xf32, #tpu.memory_space<vmem>>, vector<1x40xf32>
    %add3A_44 = vector.broadcast %get3A_43 : vector<1x40xf32> to vector<10000x40xf32>
    %add3A_45 = arith.addf %dot_general3A_40, %add3A_44 : vector<10000x40xf32>
    %reduce_max3A = arith.constant dense<0xFF800000> : vector<10000xf32>
    %reduce_max3A_46 = vector.multi_reduction <maximumf>, %add3A_45, %reduce_max3A [1] : vector<10000x40xf32> to vector<10000xf32>
    %broadcast_in_dim3A = vector.shape_cast %reduce_max3A_46 : vector<10000xf32> to vector<10000x1xf32>
    %sub3A = vector.broadcast %broadcast_in_dim3A : vector<10000x1xf32> to vector<10000x40xf32>
    %sub3A_47 = arith.subf %add3A_45, %sub3A : vector<10000x40xf32>
    %exp3A = math.exp %sub3A_47 : vector<10000x40xf32>
    %reduce_sum3A = arith.constant dense<0.000000e+00> : vector<10000xf32>
    %reduce_sum3A_48 = vector.multi_reduction <add>, %exp3A, %reduce_sum3A [1] : vector<10000x40xf32> to vector<10000xf32>
    %broadcast_in_dim3A_49 = vector.shape_cast %reduce_sum3A_48 : vector<10000xf32> to vector<10000x1xf32>
    %log3A = math.log %broadcast_in_dim3A_49 : vector<10000x1xf32>
    %sub3A_50 = vector.broadcast %log3A : vector<10000x1xf32> to vector<10000x40xf32>
    %sub3A_51 = arith.subf %sub3A_47, %sub3A_50 : vector<10000x40xf32>
    %swap3A = arith.constant 0 : index
    %swap3A_52 = arith.constant 0 : index
    %swap3A_53 = vector.load %arg7[%swap3A, %swap3A_52] : memref<10000x40xf32, #tpu.memory_space<vmem>>, vector<10000x40xf32>
    tpu.vector_store %arg7[%swap3A, %swap3A_52], %sub3A_51 {strides = array<i32>} : memref<10000x40xf32, #tpu.memory_space<vmem>>, vector<10000x40xf32>,
    return
  }
}

</mosaic_0001>

<sc_bundles>
// kernel: kernel.11.cloned.1.call-start
scs
__scs_entry_jumppad:
0x0: {  	(pc) =	sbr.rel $0x88, $3  }
0x1: {  	(tag) =	ssettag $0x0;
	lr =	simm.s32 $0x1  }
0x2: {  	[smem:$0x3F88] =	sst lr;
	_ =	strace $0xD0000000  }
0x3: {  	_ = 	snop  }
0x4: {  	_ = 	snop  }
0x5: {  	_ = 	snop  }
0x6: {  	_ = 	snop  }
0x7: {  	_ = 	snop  }
__scs_overlays_trampoline_lowered:
0x8: {  	[smem:$0x3F97] =	sst s0  }
0x9: {  	[smem:$0x3F98] =	sst s1  }
0xa: {  	[smem:$0x3F99] =	sst s2  }
0xb: {  	[smem:$0x3F9A] =	sst s3  }
0xc: {  	[smem:$0x3F9B] =	sst s4  }
0xd: {  	[smem:$0x3F9C] =	sst s5  }
0xe: {  	[smem:$0x3F9D] =	sst s6  }
0xf: {  	[smem:$0x3F9E] =	sst s7  }
0x10: {  	[smem:$0x3F9F] =	sst s8  }
0x11: {  	[smem:$0x3FA0] =	sst s9;
	s0 =	simm.s32 @!p0 $0x0  }
0x12: {  	s1 =	sld [smem:$0x3F86];
	s0 =	simm.s32 @p0 $0x1  }
0x13: {  	[smem:$0x3FA1] =	sst s0;
	s0 =	simm.s32 @!p1 $0x0  }
0x14: {  	s2 =	sld [smem:$0x3F85];
	s0 =	simm.s32 @p1 $0x1  }
0x15: {  	[smem:$0x3FA2] =	sst s0;
	s0 =	simm.s32 @!p2 $0x0  }
0x16: {  	s3 =	sld [smem:$0x3FDB];
	s0 =	simm.s32 @p2 $0x1  }
0x17: {  	s4 =	simm.s32 $0x1BF5;
	[smem:$0x3FA4] =	sst s0  }
0x18: {  	s0 =	sld [smem:$0x3F87];
	_ =	swait.ge [sflag:s4], $0x0  }
0x19: {  	s7 =	sld [smem:$0x3F88]  }
0x1a: {  	s8 =	sadd.s32 $0xFFFFE003, lr  }
0x1b: {  	s9 =	sadd.s32 $0xFFFFFEF7, lr;
	s5 =	simm.s32 $0xFFFFFFFF;
	p2 =	slt.u32 s8, $0xFFFFF086  }
0x1c: {  	p1 =	slt.u32 s9, $0xF7A;
	s5 =	simm.s32 @!p2 $0x0  }
0x1d: {  	s5 =	simm.s32 @p1 $0x1;
	p0 =	seq.s32 s7, s2  }
0x1e: {  	s7 =	smul.u32 @!p0 $0xF7A, s2;
	p2 =	seq.s32 @!p0 s5, $0x0  }
0x1f: {  	s9 =	smul.u32 $0xF7A, s1;
	s8 =	simm.s32 @!p0 $0x1BF5;
	p2 =	por !p2, p0  }
0x20: {  	[sflag:s8] =	ssyncset.s32 @!p0 $0xFFFFF086;
	s6 =	sadd.s32 @!p0 s3, s7;
	s7 =	simm.s32 @!p0 $0x108  }
0x21: {  	s3 =	sadd.s32 s3, s9;
	s6 =	sadd.s32 @!p0 $0x88, s6;
	s7 =	simm.s32 @p2 $0x1082  }
0x22: {  	[simem:s7], [sflag:s8] =	dma.local @!p0 [hbm:s6], $0xF7A  }
0x23: {  	s9 =	sor.u32 $0xD0000000, s2;
	s6 =	simm.s32 $0x108;
	_ =	swait.ge @!p0 [sflag:s8], $0x0  }
0x24: {  	s3 =	sadd.s32 $0x88, s3;
	s6 =	simm.s32 @!p1 $0x1082;
	[sflag:s4] =	ssyncset.s32 $0xFFFFF086  }
0x25: {  	[simem:s6], [sflag:s4] =	dma.local [hbm:s3], $0xF7A  }
0x26: {  	[smem:$0x3F88] =	sst s1;
	(tag) =	ssettag s2;
	_ =	strace s9  }
0x27: {  	s1 =	sld [smem:$0x3F98]  }
0x28: {  	s2 =	sld [smem:$0x3F99]  }
0x29: {  	s4 =	sld [smem:$0x3F9B]  }
0x2a: {  	p0 =	seq.s32 s5, $0x0;
	s5 =	sld [smem:$0x3F9C]  }
0x2b: {  	s6 =	sld [smem:$0x3F9D]  }
0x2c: {  	s7 =	sld [smem:$0x3F9E]  }
0x2d: {  	s3 =	simm.s32 $0x108;
	s8 =	sld [smem:$0x3F9F]  }
0x2e: {  	s3 =	simm.s32 @!p0 $0x1082;
	s9 =	sld [smem:$0x3FA0]  }
0x2f: {  	lr =	sadd.s32 s0, s3;
	s0 =	sld [smem:$0x3F97]  }
0x30: {  	s3 =	sld [smem:$0x3F9A]  }
0x31: {  	[smem:$0x3FA3] =	sst s10  }
0x32: {  	s10 =	sld [smem:$0x3FA1];
	_ =	sdelay $0x3  }
0x33: {  	p0 =	seq.s32 s10, $0x1;
	s10 =	sld [smem:$0x3FA3];
	_ =	sdelay $0x3  }
0x34: {  	[smem:$0x3FA3] =	sst s10  }
0x35: {  	s10 =	sld [smem:$0x3FA2];
	_ =	sdelay $0x3  }
0x36: {  	p1 =	seq.s32 s10, $0x1;
	s10 =	sld [smem:$0x3FA3];
	_ =	sdelay $0x3  }
0x37: {  	[smem:$0x3FA3] =	sst s10  }
0x38: {  	s10 =	sld [smem:$0x3FA4]  }
0x39: {  	_ = 	snop;
	(pc) =	sbr.ind lr, $3  }
0x3a: {  	_ = 	snop  }
0x3b: {  	_ = 	snop  }
0x3c: {  	p2 =	seq.s32 s10, $0x1;
	s10 =	sld [smem:$0x3FA3]  }
0x3d: {  	_ =	shalt  }
0x3e: {  	_ =	shalt  }
0x3f: {  	_ =	shalt  }
0x40: {  	_ =	shalt  }
0x41: {  	_ =	shalt  }
0x42: {  	_ =	shalt  }
0x43: {  	_ =	shalt  }
0x44: {  	_ =	shalt  }
0x45: {  	_ =	shalt  }
0x46: {  	_ =	shalt  }
0x47: {  	_ =	shalt  }
0x48: {  	_ =	shalt  }
0x49: {  	_ =	shalt  }
0x4a: {  	_ =	shalt  }
0x4b: {  	_ =	shalt  }
0x4c: {  	_ =	shalt  }
0x4d: {  	_ =	shalt  }
0x4e: {  	_ =	shalt  }
0x4f: {  	_ =	shalt  }
0x50: {  	_ =	shalt  }
0x51: {  	_ =	shalt  }
0x52: {  	_ =	shalt  }
0x53: {  	_ =	shalt  }
0x54: {  	_ =	shalt  }
0x55: {  	_ =	shalt  }
0x56: {  	_ =	shalt  }
0x57: {  	_ =	shalt  }
0x58: {  	_ =	shalt  }
0x59: {  	_ =	shalt  }
0x5a: {  	_ =	shalt  }
0x5b: {  	_ =	shalt  }
0x5c: {  	_ =	shalt  }
0x5d: {  	_ =	shalt  }
0x5e: {  	_ =	shalt  }
0x5f: {  	_ =	shalt  }
0x60: {  	_ =	shalt  }
0x61: {  	_ =	shalt  }
0x62: {  	_ =	shalt  }
0x63: {  	_ =	shalt  }
0x64: {  	_ =	shalt  }
0x65: {  	_ =	shalt  }
0x66: {  	_ =	shalt  }
0x67: {  	_ =	shalt  }
0x68: {  	_ =	shalt  }
0x69: {  	_ =	shalt  }
0x6a: {  	_ =	shalt  }
0x6b: {  	_ =	shalt  }
0x6c: {  	_ =	shalt  }
0x6d: {  	_ =	shalt  }
0x6e: {  	_ =	shalt  }
0x6f: {  	_ =	shalt  }
0x70: {  	_ =	shalt  }
0x71: {  	_ =	shalt  }
0x72: {  	_ =	shalt  }
0x73: {  	_ =	shalt  }
0x74: {  	_ =	shalt  }
0x75: {  	_ =	shalt  }
0x76: {  	_ =	shalt  }
0x77: {  	_ =	shalt  }
0x78: {  	_ =	shalt  }
0x79: {  	_ =	shalt  }
0x7a: {  	_ =	shalt  }
0x7b: {  	_ =	shalt  }
0x7c: {  	_ =	shalt  }
0x7d: {  	_ =	shalt  }
0x7e: {  	_ =	shalt  }
0x7f: {  	_ =	shalt  }
0x80: {  	_ =	shalt  }
0x81: {  	_ =	shalt  }
0x82: {  	_ =	shalt  }
0x83: {  	_ =	shalt  }
0x84: {  	_ =	shalt  }
0x85: {  	_ =	shalt  }
0x86: {  	_ =	shalt  }
0x87: {  	_ =	shalt  }
.Lfunc_end0:
.L_simem_size_0:
called_computation_lowered:
.L_overlay_start_0:
0x88: {  	s2 =	sld [smem:$0x3FD9]  }
0x89: {  	s3 =	sld [smem:$0x3FFE];
	_ =	sdelay $0x1  }
0x8a: {  	s1 =	srdreg.scid  }
0x8b: {  	s0 =	sand.u32 $0x1, s1  }
0x8c: {  	s16 =	sshll.u32 s0, $0xA;
	s2 =	sadd.s32 s3, s2  }
0x8d: {  	s2 =	sadd.s32 s2, s16  }
0x8e: {  	[smem:$0x3FAF] =	sst s2  }
0x8f: {  	_ = 	snop  }
0x90: {  	(tm) =	ssettm $0x1  }
0x91: {  	s17 =	sld [smem:$0x3FFB];
	_ =	sdelay $0x3  }
0x92: {  	_ =	strace s17  }
0x93: {  	s2 =	sld [smem:$0x3FFC];
	_ =	sdelay $0x3  }
0x94: {  	_ =	strace s2  }
0x95: {  	s2 =	sld [smem:$0x3FFD];
	_ =	sdelay $0x3  }
0x96: {  	_ =	strace s2  }
0x97: {  	_ =	strace $0x8FFFFFFF  }
0x98: {  	s18 =	sld [smem:$0x3FDB];
	_ =	sdelay $0x1  }
0x99: {  	s19 =	simm.s32 $_scs_section_size  }
0x9a: {  	s4 =	simm.s32 $_size__tile_overlayer_lowered;
	s5 =	simm.s32 $_tile_overlayer_lowered  }
0x9b: {  	s22 =	simm.s32 $0x1BFF;
	s21 =	sshll.u32 s5, $0x1;
	s2 =	sadd.s32 s19, s18  }
0x9c: {  	s6 =	simm.s32 $0x0;
	s20 =	sshll.u32 s4, $0x1;
	s4 =	sadd.s32 s21, s2  }
0x9d: {  	[timem:s6], [sflag:s22] =	dma.local [hbm:s4], s20  }
0x9e: {  	_ =	swait.ge [sflag:s22], s20  }
0x9f: {  	s3 =	ssub.s32 $0x0, s20;
	[sflag:s22] =	ssyncset.done $0x0  }
0xa0: {  	[sflag:s22] =	ssyncadd.s32 s3;
	_ =	sdelay $0x1  }
0xa1: {  	s23 =	simm.s32 $0x1B8B  }
0xa2: {  	_ =	swait.ge [sflag:s23], $0x1  }
0xa3: {  	[sflag:s23] =	ssyncset.done $0x0  }
0xa4: {  	s25 =	simm.s32 $0x1B8E;
	s24 =	sld [smem:$0x3FFE];
	[sflag:s23] =	ssyncadd.s32 $0xFFFFFFFF  }
0xa5: {  	s26 =	simm.s32 $execute0_lowered;
	[smem:$0x3FD2] =	sst s25  }
0xa6: {  	s4 =	sshll.u32 s26, $0x1;
	_ =	strace $0x80000046;
	[dreg:$0x1] =	wrdreg $0xFFFFFFFF  }
0xa7: {  	s28 =	simm.s32 $_size_execute0_lowered;
	s2 =	sadd.s32 s2, s4;
	[dreg:$0x0] =	wrdreg $0x0  }
0xa8: {  	s4 =	sshll.u32 s28, $0x1;
	[dreg:$0x2] =	wrdreg s2  }
0xa9: {  	[dreg:$0x3] =	wrdreg s4  }
0xaa: {  	[dreg:$0x4] =	wrdreg $0xC0  }
0xab: {  	_ =	task [dreg:s6], $0x5FFFF  }
0xac: {  	[dreg:$0x1] =	wrdreg $0xFFFFFFFF  }
0xad: {  	[dreg:$0x0] =	wrdreg $0x60  }
0xae: {  	[dreg:$0x2] =	wrdreg s24  }
0xaf: {  	[dreg:$0x3] =	wrdreg $0xEC400  }
0xb0: {  	[dreg:$0x4] =	wrdreg $0x9  }
0xb1: {  	_ =	task.clear_ibuf [dreg:s6], $0x5FFFF;
	_ =	strace $0x90000046  }
0xb2: {  	s29 =	simm.s32 $0x9;
	_ =	strace $0x80000048  }
0xb3: {  	_ =	swait.ge [sflag:s29], $0x1  }
0xb4: {  	[sflag:s29] =	ssyncadd.s32 $0xFFFFFFFF  }
0xb5: {  	_ =	strace $0x90000048  }
0xb6: {  	_ =	sfence  }
0xb7: {  	s30 =	sld [smem:$0x0];
	_ =	sdelay $0x2  }
0xb8: {  	s31 =	sshll.u32 s1, $0xD;
	s1 =	sshrl.u32 s1, $0x2  }
0xb9: {  	s3 =	sand.u32 $0x4000, s31;
	s1 =	sadd.s32 s1, s30  }
0xba: {  	s0 =	sor.u32 s3, s0;
	s1 =	sshll.u32 s1, $0x11  }
0xbb: {  	s0 =	sor.u32 s1, s0  }
0xbc: {  	s0 =	sadd.s32 $0x8F2B, s0  }
0xbd: {  	[sflag:s0] =	ssyncadd.remote.s32 $0x1  }
0xbe: {  	_ =	sfence.sel $0xFFFF  }
0xbf: {  	[dreg:$0x0] =	wrdreg $0xFFFFFFFF;
	(pc) =	sbr.abs _section_cstart, $3  }
0xc0: {  	[dreg:$0x1] =	wrdreg $0xFFFFFFFF  }
0xc1: {  	_ =	task.clear_ibuf [dreg:s6], $0x2FFFF;
	_ =	strace $0x9FFFFFFF  }
0xc2: {  	(tm) =	ssettm $0x7FFFFFFF  }
0xc3: {  	_ =	shalt  }
tec
execute0_lowered:
.L_overlay_start_1:
0x0: {  	(tag) =	ssettag $0x1  }
0x1: {  	s1 =	srdreg.scid  }
0x2: {  	s0 =	stileid.u32;
	s6 =	rddreg [dreg:$0x0]  }
0x3: {  	s2 =	rddreg [dreg:$0x1];
	s3 =	simm.s32 $0x0;
	s14 =	simm.s32 $0x7D  }
0x4: {  	s15 =	simm.s32 $0x5000;
	s16 =	simm.s32 $0x80;
	s17 =	simm.s32 $0x7710  }
0x5: {  	s18 =	simm.s32 $0x4F00;
	s19 =	simm.s32 $0x4F80;
	s20 =	simm.s32 $0x2  }
0x6: {  	s22 =	simm.s32 $0x3;
	s23 =	simm.s32 $0x0;
	s5 =	sand.u32 $0x1, s1  }
0x7: {  	s29 =	sshll.u32 s0, $0x1;
	s8 =	smul.u32 $0x6400, s0;
	[smem:$0x7FF] =	sst s3  }
0x8: {  	s4 =	sadd.s32 $0x19000, s6;
	s21 =	sshll.u32 s0, $0x6;
	s1 =	sor.u32 s5, s29  }
0x9: {  	s9 =	smul.u32 $0x64000, s5;
	_ =	strace $0x80000047;
	s5 =	ssub.s32 $0x2, s5  }
0xa: {  	s7 =	smul.u32 $0x500, s1;
	s31 =	sshrl.u32 s8, $0x3;
	s11 =	sshrl.u32 s5, $0x1  }
0xb: {  	s13 =	sadd.s32 s8, s2;
	s30 =	sadd.s32 s8, s9;
	s9 =	sadd.s32 s31, s6  }
.Ltmp0:
0xc: {  	s10 =	sadd.s32 s7, s6;
	s7 =	sshrl.u32 s30, $0x3;
	(pc) =	sbr.rel .LBB2_1-.Ltmp0, $4  }
0xd: {  	s11 =	ssub.s32 s5, s11;
	s5 =	sadd.s32 $0x31800, s9;
	s12 =	sadd.s32 s7, s6  }
0xe: {  	s6 =	sor.u32 $0x1C01, s21;
	s7 =	sadd.s32 $0xF000, s10;
	s8 =	sadd.s32 $0x5000, s10  }
0xf: {  	s10 =	smax.u32 s11, $0x1;
	s11 =	sshrl.u32 s13, $0x3;
	s13 =	simm.s32 $0x1  }
0x10: {  	s21 =	sor.u32 $0x1C03, s21;
	s9 =	sadd.s32 $0x3E000, s12;
	s12 =	simm.s32 $0x2800  }
.LBB2_4:
0x11: {  	[spmem:s2] =	stream.indirect.scatter.add.f32 [tilespmem:s29], [sflag:$0x2], $0x50, s18, s14, $0xb8;
	[tilespmem:$0x15040] =	vst v63  }
0x12: {  	_ = 	snop  }
0x13: {  	[spmem:s2] =	stream.indirect.scatter.add.f32 [tilespmem:s28], [sflag:$0x2], $0x50, s19, s14, $0xb8;
	[tilespmem:$0x15040] =	vst v63  }
0x14: {  	_ =	swait.ge [sflag:s20], $0x2710  }
0x15: {  	[sflag:s20] =	ssyncset.done $0x0  }
0x16: {  	[sflag:s20] =	ssyncadd.s32 $0xFFFFD8F0  }
0x17: {  	_ =	swait.ge [sflag:s20], $0x2710  }
0x18: {  	s23 =	sadd.s32 $0x1, s23;
	[sflag:s20] =	ssyncset.done $0x0  }
0x19: {  	p0 =	sne.s32 s23, s10;
	[sflag:s20] =	ssyncadd.s32 $0xFFFFD8F0  }
.Ltmp1:
0x1a: {  	[bflag:$0x0] =	sbarrier.arrive $0xFFFF;
	(pc) =	sbr.rel @!p0 .LBB2_5-.Ltmp1, $4  }
0x1b: {  	[hbm:s9], [sflag:s21] =	dma.local [spmem:s11], $0xC80  }
0x1c: {  	_ =	swait.ge [sflag:s22], $0xC80  }
0x1d: {  	[sflag:s22] =	ssyncset.done $0x0  }
0x1e: {  	[sflag:s22] =	ssyncadd.s32 $0xFFFFF380  }
.LBB2_1:
0x1f: {  	[spmem:s11], [sflag:s6] =	dma.local [hbm:s5], $0xC80  }
0x20: {  	[tilespmem:s3], [sflag:$0x1] =	stream.linear.gather [hbm4b:s7+s3], $0x2800, $0x38;
	[tilespmem:$0x15040] =	vst v63  }
0x21: {  	_ = 	snop  }
0x22: {  	[tilespmem:s12], [sflag:$0x1] =	stream.linear.gather [hbm4b:s8+s3], $0x2800, $0x38;
	[tilespmem:$0x15040] =	vst v63  }
0x23: {  	_ =	swait.ge [sflag:s13], $0xC80  }
0x24: {  	[sflag:s13] =	ssyncset.done $0x0  }
0x25: {  	[sflag:s13] =	ssyncadd.s32 $0xFFFFF380  }
0x26: {  	_ =	swait.ge [sflag:s13], $0x2800  }
0x27: {  	[sflag:s13] =	ssyncset.done $0x0  }
0x28: {  	[sflag:s13] =	ssyncadd.s32 $0xFFFFD800  }
0x29: {  	_ =	swait.ge [sflag:s13], $0x2800  }
0x2a: {  	[sflag:s13] =	ssyncset.done $0x0  }
0x2b: {  	[sflag:s13] =	ssyncadd.s32 $0xFFFFD800  }
0x2c: {  	[bflag:$0x0] =	sbarrier.arrive $0xFFFF  }
0x2d: {  	[tilespmem:s15], [sflag:$0x1] =	stream.indirect.gather [hbm4b:s4+s14], $0x50, s3, s14, $0xb8;
	[tilespmem:$0x15040] =	vst v63  }
0x2e: {  	s24 =	simm.s32 $0x180;
	s25 =	simm.s32 $0x2880;
	s26 =	simm.s32 $0x0  }
0x2f: {  	[tilespmem:s17], [sflag:$0x1] =	stream.indirect.gather [hbm4b:s4+s14], $0x50, s16, s14, $0xb8;
	[tilespmem:$0x15040] =	vst v63  }
.LBB2_2:
0x30: {  	_ =	swait.ge [sflag:s13], $0x2710  }
0x31: {  	[sflag:s13] =	ssyncset.done $0x0  }
0x32: {  	[sflag:s13] =	ssyncadd.s32 $0xFFFFD8F0  }
0x33: {  	_ =	swait.ge [sflag:s13], $0x2710  }
0x34: {  	p0 =	seq.s32 s26, $0x0;
	[sflag:s13] =	ssyncset.done $0x0  }
0x35: {  	s31 =	simm.s32 @!p0 $0x2;
	p1 =	seq.s32 @!p0 s26, $0x27;
	[sflag:s13] =	ssyncadd.s32 $0xFFFFD8F0  }
0x36: {  	p1 =	por p0, !p1;
	_ =	swait.ge @!p0 [sflag:s31], $0x2710  }
.Ltmp2:
0x37: {  	s30 =	sand.u32 $0x1, s26;
	[sflag:s31] =	ssyncset.done @!p0 $0x0;
	(pc) =	sbr.rel @!p1 .LBB2_4-.Ltmp2, $4  }
0x38: {  	s28 =	smul.u32 $0x13880, s30;
	[sflag:s31] =	ssyncadd.s32 @!p0 $0xFFFFD8F0  }
0x39: {  	_ =	swait.ge @!p0 [sflag:s31], $0x2710  }
0x3a: {  	s28 =	sshrl.u32 s28, $0x2;
	[sflag:s31] =	ssyncset.done @!p0 $0x0  }
0x3b: {  	s29 =	sadd.s32 $0x5000, s28;
	s28 =	sadd.s32 $0x7710, s28;
	[sflag:s31] =	ssyncadd.s32 @!p0 $0xFFFFD8F0  }
0x3c: {  	s30 =	sxor.u32 $0x1, s30  }
0x3d: {  	s30 =	smul.u32 $0x13880, s30;
	_ =	sdelay $0x1  }
0x3e: {  	s30 =	sshrl.u32 s30, $0x2  }
0x3f: {  	s1 =	sadd.s32 $0xFFFFFF80, s24;
	s31 =	sadd.s32 $0x5000, s30  }
0x40: {  	[tilespmem:s31], [sflag:$0x1] =	stream.indirect.gather [hbm4b:s4+s14], $0x50, s1, s14, $0xb8;
	[tilespmem:$0x15040] =	vst v63  }
0x41: {  	s30 =	sadd.s32 $0x7710, s30  }
0x42: {  	[tilespmem:s30], [sflag:$0x1] =	stream.indirect.gather [hbm4b:s4+s14], $0x50, s24, s14, $0xb8;
	[tilespmem:$0x15040] =	vst v63  }
.Ltmp3:
0x43: {  	s31 =	sadd.s32 $0xFFFFFF80, s25;
	(pc) =	sbr.rel .LBB2_2-.Ltmp3, $4  }
0x44: {  	[spmem:s2] =	stream.indirect.scatter.add.f32 [tilespmem:s29], [sflag:$0x2], $0x50, s31, s14, $0xb8;
	[tilespmem:$0x15040] =	vst v63  }
0x45: {  	_ = 	snop  }
0x46: {  	[spmem:s2] =	stream.indirect.scatter.add.f32 [tilespmem:s28], [sflag:$0x2], $0x50, s25, s14, $0xb8;
	[tilespmem:$0x15040] =	vst v63  }
0x47: {  	s26 =	sadd.s32 $0x1, s26;
	s24 =	sadd.s32 $0x100, s24;
	s25 =	sadd.s32 $0x100, s25  }
.LBB2_5:
0x48: {  	_ =	sfence.sel $0x180000  }
0x49: {  	[bflag:$0x0] =	sbarrier.arrive $0xFFFF  }
0x4a: {  	_ =	strace $0x90000047  }
0x4b: {  	[bflag:$0x2] =	sbarrier.arrive $0xFFFF  }
0x4c: {  	p0 =	sne.s32 s0, $0x0;
	s0 =	rddreg [dreg:$0x2]  }
0x4d: {  	s0 =	sadd.s32 @!p0 $0x100000, s0  }
0x4e: {  	[sflag:s0] =	ssyncadd.tile.s32 @!p0 $0x1;
	_ =	shalt  }
.Lfunc_end2:
_tile_overlayer_lowered:
.L_overlay_start_2:
0x4f: {  	(tag) =	ssettag $0x2  }
0x50: {  	s0 =	rddreg [dreg:$0x0];
	s2 =	stileid.u32  }
0x51: {  	s1 =	rddreg [dreg:$0x1];
	p0 =	sne.s32 s2, $0x0  }
0x52: {  	s3 =	rddreg [dreg:$0x2];
	[bflag:$0x3] =	sbarrier.arrive $0xFFFF;
	s2 =	simm.s32 @!p0 $0x1C03  }
0x53: {  	[timem:s3], [sflag:s2] =	dma.local @!p0 [hbm:s0], s1  }
0x54: {  	s0 =	simm.s32 @!p0 $0x3  }
0x55: {  	_ =	swait.ge @!p0 [sflag:s0], s1  }
0x56: {  	s1 =	ssub.s32 @!p0 $0x0, s1;
	[sflag:s0] =	ssyncset.done @!p0 $0x0  }
0x57: {  	[sflag:s0] =	ssyncadd.s32 @!p0 s1  }
0x58: {  	[bflag:$0x3] =	sbarrier.arrive $0xFFFF  }
0x59: {  	_ =	shalt  }

// kernel: kernel.14.cloned.1.call-start
scs
__scs_entry_jumppad:
0x0: {  	(pc) =	sbr.rel $0x88, $3  }
0x1: {  	(tag) =	ssettag $0x0;
	lr =	simm.s32 $0x1  }
0x2: {  	[smem:$0x3F88] =	sst lr;
	_ =	strace $0xD0000000  }
0x3: {  	_ = 	snop  }
0x4: {  	_ = 	snop  }
0x5: {  	_ = 	snop  }
0x6: {  	_ = 	snop  }
0x7: {  	_ = 	snop  }
__scs_overlays_trampoline_lowered:
0x8: {  	[smem:$0x3F97] =	sst s0  }
0x9: {  	[smem:$0x3F98] =	sst s1  }
0xa: {  	[smem:$0x3F99] =	sst s2  }
0xb: {  	[smem:$0x3F9A] =	sst s3  }
0xc: {  	[smem:$0x3F9B] =	sst s4  }
0xd: {  	[smem:$0x3F9C] =	sst s5  }
0xe: {  	[smem:$0x3F9D] =	sst s6  }
0xf: {  	[smem:$0x3F9E] =	sst s7  }
0x10: {  	[smem:$0x3F9F] =	sst s8  }
0x11: {  	[smem:$0x3FA0] =	sst s9;
	s0 =	simm.s32 @!p0 $0x0  }
0x12: {  	s1 =	sld [smem:$0x3F86];
	s0 =	simm.s32 @p0 $0x1  }
0x13: {  	[smem:$0x3FA1] =	sst s0;
	s0 =	simm.s32 @!p1 $0x0  }
0x14: {  	s2 =	sld [smem:$0x3F85];
	s0 =	simm.s32 @p1 $0x1  }
0x15: {  	[smem:$0x3FA2] =	sst s0;
	s0 =	simm.s32 @!p2 $0x0  }
0x16: {  	s3 =	sld [smem:$0x3FDB];
	s0 =	simm.s32 @p2 $0x1  }
0x17: {  	s4 =	simm.s32 $0x1BF5;
	[smem:$0x3FA4] =	sst s0  }
0x18: {  	s0 =	sld [smem:$0x3F87];
	_ =	swait.ge [sflag:s4], $0x0  }
0x19: {  	s7 =	sld [smem:$0x3F88]  }
0x1a: {  	s8 =	sadd.s32 $0xFFFFE003, lr  }
0x1b: {  	s9 =	sadd.s32 $0xFFFFFEF7, lr;
	s5 =	simm.s32 $0xFFFFFFFF;
	p2 =	slt.u32 s8, $0xFFFFF086  }
0x1c: {  	p1 =	slt.u32 s9, $0xF7A;
	s5 =	simm.s32 @!p2 $0x0  }
0x1d: {  	s5 =	simm.s32 @p1 $0x1;
	p0 =	seq.s32 s7, s2  }
0x1e: {  	s7 =	smul.u32 @!p0 $0xF7A, s2;
	p2 =	seq.s32 @!p0 s5, $0x0  }
0x1f: {  	s9 =	smul.u32 $0xF7A, s1;
	s8 =	simm.s32 @!p0 $0x1BF5;
	p2 =	por !p2, p0  }
0x20: {  	[sflag:s8] =	ssyncset.s32 @!p0 $0xFFFFF086;
	s6 =	sadd.s32 @!p0 s3, s7;
	s7 =	simm.s32 @!p0 $0x108  }
0x21: {  	s3 =	sadd.s32 s3, s9;
	s6 =	sadd.s32 @!p0 $0x88, s6;
	s7 =	simm.s32 @p2 $0x1082  }
0x22: {  	[simem:s7], [sflag:s8] =	dma.local @!p0 [hbm:s6], $0xF7A  }
0x23: {  	s9 =	sor.u32 $0xD0000000, s2;
	s6 =	simm.s32 $0x108;
	_ =	swait.ge @!p0 [sflag:s8], $0x0  }
0x24: {  	s3 =	sadd.s32 $0x88, s3;
	s6 =	simm.s32 @!p1 $0x1082;
	[sflag:s4] =	ssyncset.s32 $0xFFFFF086  }
0x25: {  	[simem:s6], [sflag:s4] =	dma.local [hbm:s3], $0xF7A  }
0x26: {  	[smem:$0x3F88] =	sst s1;
	(tag) =	ssettag s2;
	_ =	strace s9  }
0x27: {  	s1 =	sld [smem:$0x3F98]  }
0x28: {  	s2 =	sld [smem:$0x3F99]  }
0x29: {  	s4 =	sld [smem:$0x3F9B]  }
0x2a: {  	p0 =	seq.s32 s5, $0x0;
	s5 =	sld [smem:$0x3F9C]  }
0x2b: {  	s6 =	sld [smem:$0x3F9D]  }
0x2c: {  	s7 =	sld [smem:$0x3F9E]  }
0x2d: {  	s3 =	simm.s32 $0x108;
	s8 =	sld [smem:$0x3F9F]  }
0x2e: {  	s3 =	simm.s32 @!p0 $0x1082;
	s9 =	sld [smem:$0x3FA0]  }
0x2f: {  	lr =	sadd.s32 s0, s3;
	s0 =	sld [smem:$0x3F97]  }
0x30: {  	s3 =	sld [smem:$0x3F9A]  }
0x31: {  	[smem:$0x3FA3] =	sst s10  }
0x32: {  	s10 =	sld [smem:$0x3FA1];
	_ =	sdelay $0x3  }
0x33: {  	p0 =	seq.s32 s10, $0x1;
	s10 =	sld [smem:$0x3FA3];
	_ =	sdelay $0x3  }
0x34: {  	[smem:$0x3FA3] =	sst s10  }
0x35: {  	s10 =	sld [smem:$0x3FA2];
	_ =	sdelay $0x3  }
0x36: {  	p1 =	seq.s32 s10, $0x1;
	s10 =	sld [smem:$0x3FA3];
	_ =	sdelay $0x3  }
0x37: {  	[smem:$0x3FA3] =	sst s10  }
0x38: {  	s10 =	sld [smem:$0x3FA4]  }
0x39: {  	_ = 	snop;
	(pc) =	sbr.ind lr, $3  }
0x3a: {  	_ = 	snop  }
0x3b: {  	_ = 	snop  }
0x3c: {  	p2 =	seq.s32 s10, $0x1;
	s10 =	sld [smem:$0x3FA3]  }
0x3d: {  	_ =	shalt  }
0x3e: {  	_ =	shalt  }
0x3f: {  	_ =	shalt  }
0x40: {  	_ =	shalt  }
0x41: {  	_ =	shalt  }
0x42: {  	_ =	shalt  }
0x43: {  	_ =	shalt  }
0x44: {  	_ =	shalt  }
0x45: {  	_ =	shalt  }
0x46: {  	_ =	shalt  }
0x47: {  	_ =	shalt  }
0x48: {  	_ =	shalt  }
0x49: {  	_ =	shalt  }
0x4a: {  	_ =	shalt  }
0x4b: {  	_ =	shalt  }
0x4c: {  	_ =	shalt  }
0x4d: {  	_ =	shalt  }
0x4e: {  	_ =	shalt  }
0x4f: {  	_ =	shalt  }
0x50: {  	_ =	shalt  }
0x51: {  	_ =	shalt  }
0x52: {  	_ =	shalt  }
0x53: {  	_ =	shalt  }
0x54: {  	_ =	shalt  }
0x55: {  	_ =	shalt  }
0x56: {  	_ =	shalt  }
0x57: {  	_ =	shalt  }
0x58: {  	_ =	shalt  }
0x59: {  	_ =	shalt  }
0x5a: {  	_ =	shalt  }
0x5b: {  	_ =	shalt  }
0x5c: {  	_ =	shalt  }
0x5d: {  	_ =	shalt  }
0x5e: {  	_ =	shalt  }
0x5f: {  	_ =	shalt  }
0x60: {  	_ =	shalt  }
0x61: {  	_ =	shalt  }
0x62: {  	_ =	shalt  }
0x63: {  	_ =	shalt  }
0x64: {  	_ =	shalt  }
0x65: {  	_ =	shalt  }
0x66: {  	_ =	shalt  }
0x67: {  	_ =	shalt  }
0x68: {  	_ =	shalt  }
0x69: {  	_ =	shalt  }
0x6a: {  	_ =	shalt  }
0x6b: {  	_ =	shalt  }
0x6c: {  	_ =	shalt  }
0x6d: {  	_ =	shalt  }
0x6e: {  	_ =	shalt  }
0x6f: {  	_ =	shalt  }
0x70: {  	_ =	shalt  }
0x71: {  	_ =	shalt  }
0x72: {  	_ =	shalt  }
0x73: {  	_ =	shalt  }
0x74: {  	_ =	shalt  }
0x75: {  	_ =	shalt  }
0x76: {  	_ =	shalt  }
0x77: {  	_ =	shalt  }
0x78: {  	_ =	shalt  }
0x79: {  	_ =	shalt  }
0x7a: {  	_ =	shalt  }
0x7b: {  	_ =	shalt  }
0x7c: {  	_ =	shalt  }
0x7d: {  	_ =	shalt  }
0x7e: {  	_ =	shalt  }
0x7f: {  	_ =	shalt  }
0x80: {  	_ =	shalt  }
0x81: {  	_ =	shalt  }
0x82: {  	_ =	shalt  }
0x83: {  	_ =	shalt  }
0x84: {  	_ =	shalt  }
0x85: {  	_ =	shalt  }
0x86: {  	_ =	shalt  }
0x87: {  	_ =	shalt  }
.Lfunc_end0:
.L_simem_size_0:
called_computation.1_lowered:
.L_overlay_start_0:
0x88: {  	s2 =	sld [smem:$0x3FD9]  }
0x89: {  	s3 =	sld [smem:$0x3FFE];
	_ =	sdelay $0x1  }
0x8a: {  	s1 =	srdreg.scid  }
0x8b: {  	s0 =	sand.u32 $0x1, s1  }
0x8c: {  	s17 =	sshll.u32 s0, $0xA;
	s2 =	sadd.s32 s3, s2  }
0x8d: {  	s2 =	sadd.s32 s2, s17  }
0x8e: {  	[smem:$0x3FAF] =	sst s2  }
0x8f: {  	_ = 	snop  }
0x90: {  	s2 =	sld [smem:$0x3FD0];
	(tm) =	ssettm $0x1  }
0x91: {  	s18 =	sld [smem:$0x3FFB];
	_ =	sdelay $0x3  }
0x92: {  	_ =	strace s18  }
0x93: {  	s3 =	sld [smem:$0x3FFC];
	_ =	sdelay $0x3  }
0x94: {  	_ =	strace s3  }
0x95: {  	s3 =	sld [smem:$0x3FFD];
	_ =	sdelay $0x3  }
0x96: {  	_ =	strace s3  }
0x97: {  	_ =	strace $0x8FFFFFFF  }
0x98: {  	s19 =	sld [smem:$0x3FDB];
	_ =	sdelay $0x1  }
0x99: {  	s4 =	simm.s32 $_scs_section_size  }
0x9a: {  	s5 =	simm.s32 $_size__tile_overlayer_lowered;
	s6 =	simm.s32 $_tile_overlayer_lowered  }
0x9b: {  	s22 =	simm.s32 $0x1BFF;
	s21 =	sshll.u32 s6, $0x1;
	s3 =	sadd.s32 s4, s19  }
0x9c: {  	s7 =	simm.s32 $0x0;
	s20 =	sshll.u32 s5, $0x1;
	s5 =	sadd.s32 s21, s3  }
0x9d: {  	[timem:s7], [sflag:s22] =	dma.local [hbm:s5], s20  }
0x9e: {  	_ =	swait.ge [sflag:s22], s20  }
0x9f: {  	s4 =	ssub.s32 $0x0, s20;
	[sflag:s22] =	ssyncset.done $0x0  }
0xa0: {  	[sflag:s22] =	ssyncadd.s32 s4;
	_ =	sdelay $0x1  }
0xa1: {  	s23 =	simm.s32 $0x1B8B  }
0xa2: {  	_ =	swait.ge [sflag:s23], $0x1  }
0xa3: {  	[sflag:s23] =	ssyncset.done $0x0  }
0xa4: {  	s25 =	simm.s32 $0x1B8E;
	s24 =	sld [smem:$0x3FFE];
	[sflag:s23] =	ssyncadd.s32 $0xFFFFFFFF  }
0xa5: {  	s26 =	simm.s32 $execute0_lowered;
	[smem:$0x3FD2] =	sst s25  }
0xa6: {  	s5 =	sshll.u32 s26, $0x1;
	_ =	strace $0x80000049;
	[dreg:$0x1] =	wrdreg $0xFFFFFFFF  }
0xa7: {  	s28 =	simm.s32 $_size_execute0_lowered;
	s3 =	sadd.s32 s3, s5;
	[dreg:$0x0] =	wrdreg $0x0  }
0xa8: {  	s5 =	sshll.u32 s28, $0x1;
	[dreg:$0x2] =	wrdreg s3  }
0xa9: {  	[dreg:$0x3] =	wrdreg s5  }
0xaa: {  	[dreg:$0x4] =	wrdreg $0xC0  }
0xab: {  	_ =	task [dreg:s7], $0x5FFFF  }
0xac: {  	[dreg:$0x1] =	wrdreg $0xFFFFFFFF  }
0xad: {  	[dreg:$0x0] =	wrdreg $0x60  }
0xae: {  	[dreg:$0x2] =	wrdreg s2  }
0xaf: {  	[dreg:$0x3] =	wrdreg s24  }
0xb0: {  	[dreg:$0x4] =	wrdreg $0xEC400  }
0xb1: {  	[dreg:$0x5] =	wrdreg $0x9  }
0xb2: {  	_ =	task.clear_ibuf [dreg:s7], $0x6FFFF;
	_ =	strace $0x90000049  }
0xb3: {  	s29 =	simm.s32 $0x9;
	_ =	strace $0x8000004B  }
0xb4: {  	_ =	swait.ge [sflag:s29], $0x1  }
0xb5: {  	[sflag:s29] =	ssyncadd.s32 $0xFFFFFFFF  }
0xb6: {  	_ =	strace $0x9000004B  }
0xb7: {  	_ =	sfence  }
0xb8: {  	s30 =	sld [smem:$0x0];
	_ =	sdelay $0x2  }
0xb9: {  	s31 =	sshll.u32 s1, $0xD;
	s1 =	sshrl.u32 s1, $0x2  }
0xba: {  	s3 =	sand.u32 $0x4000, s31;
	s1 =	sadd.s32 s1, s30  }
0xbb: {  	s0 =	sor.u32 s3, s0;
	s1 =	sshll.u32 s1, $0x11  }
0xbc: {  	s0 =	sor.u32 s1, s0  }
0xbd: {  	s0 =	sadd.s32 $0x8F2B, s0  }
0xbe: {  	[sflag:s0] =	ssyncadd.remote.s32 $0x1  }
0xbf: {  	_ =	sfence.sel $0xFFFF  }
0xc0: {  	[dreg:$0x0] =	wrdreg $0xFFFFFFFF;
	(pc) =	sbr.abs _section_cstart, $3  }
0xc1: {  	[dreg:$0x1] =	wrdreg $0xFFFFFFFF  }
0xc2: {  	_ =	task.clear_ibuf [dreg:s7], $0x2FFFF;
	_ =	strace $0x9FFFFFFF  }
0xc3: {  	(tm) =	ssettm $0x7FFFFFFF  }
tec
execute0_lowered:
.L_overlay_start_1:
0x0: {  	(tag) =	ssettag $0x1  }
0x1: {  	s1 =	rddreg [dreg:$0x0]  }
0x2: {  	s2 =	srdreg.scid;
	s6 =	rddreg [dreg:$0x1]  }
0x3: {  	s0 =	stileid.u32;
	s3 =	rddreg [dreg:$0x2];
	s4 =	simm.s32 $0x0  }
0x4: {  	s14 =	simm.s32 $0x7D;
	s15 =	simm.s32 $0x5000;
	s16 =	simm.s32 $0x80  }
0x5: {  	s17 =	simm.s32 $0x7710;
	s18 =	simm.s32 $0x4F00;
	s19 =	simm.s32 $0x4F80  }
0x6: {  	s20 =	simm.s32 $0x2;
	s22 =	simm.s32 $0x3;
	s23 =	simm.s32 $0x0  }
0x7: {  	s5 =	sand.u32 $0x1, s2;
	s29 =	sshll.u32 s0, $0x1;
	s8 =	smul.u32 $0xC800, s0  }
0x8: {  	[smem:$0x7FF] =	sst s4;
	s21 =	sshll.u32 s0, $0x6;
	s2 =	sor.u32 s5, s29  }
0x9: {  	s9 =	smul.u32 $0xC8000, s5;
	_ =	strace $0x8000004A;
	s5 =	ssub.s32 $0x2, s5  }
0xa: {  	s7 =	smul.u32 $0x500, s2;
	s31 =	sshrl.u32 s8, $0x3;
	s11 =	sshrl.u32 s5, $0x1  }
0xb: {  	s13 =	sadd.s32 s8, s3;
	s30 =	sadd.s32 s8, s9;
	s9 =	sadd.s32 s31, s6  }
.Ltmp0:
0xc: {  	s10 =	sadd.s32 s7, s6;
	s7 =	sshrl.u32 s30, $0x3;
	(pc) =	sbr.rel .LBB2_1-.Ltmp0, $4  }
0xd: {  	s11 =	ssub.s32 s5, s11;
	s5 =	sadd.s32 $0x3E000, s9;
	s12 =	sadd.s32 s7, s6  }
0xe: {  	s6 =	sor.u32 $0x1C01, s21;
	s7 =	sadd.s32 $0x61000, s10;
	s8 =	sadd.s32 $0x57000, s10  }
0xf: {  	s10 =	smax.u32 s11, $0x1;
	s11 =	sshrl.u32 s13, $0x3;
	s13 =	simm.s32 $0x1  }
0x10: {  	s21 =	sor.u32 $0x1C03, s21;
	s9 =	sadd.s32 $0x6B000, s12;
	s12 =	simm.s32 $0x2800  }
.LBB2_4:
0x11: {  	[spmem:s3] =	stream.indirect.scatter.add.f32 [tilespmem:s29], [sflag:$0x2], $0x50, s18, s14, $0xb8;
	[tilespmem:$0x1B440] =	vst v63  }
0x12: {  	_ = 	snop  }
0x13: {  	[spmem:s3] =	stream.indirect.scatter.add.f32 [tilespmem:s28], [sflag:$0x2], $0x50, s19, s14, $0xb8;
	[tilespmem:$0x1B440] =	vst v63  }
0x14: {  	_ =	swait.ge [sflag:s20], $0x2710  }
0x15: {  	[sflag:s20] =	ssyncset.done $0x0  }
0x16: {  	[sflag:s20] =	ssyncadd.s32 $0xFFFFD8F0  }
0x17: {  	_ =	swait.ge [sflag:s20], $0x2710  }
0x18: {  	s23 =	sadd.s32 $0x1, s23;
	[sflag:s20] =	ssyncset.done $0x0  }
0x19: {  	p0 =	sne.s32 s23, s10;
	[sflag:s20] =	ssyncadd.s32 $0xFFFFD8F0  }
.Ltmp1:
0x1a: {  	[bflag:$0x0] =	sbarrier.arrive $0xFFFF;
	(pc) =	sbr.rel @!p0 .LBB2_5-.Ltmp1, $4  }
0x1b: {  	[hbm:s9], [sflag:s21] =	dma.local [spmem:s11], $0x1900  }
0x1c: {  	_ =	swait.ge [sflag:s22], $0x1900  }
0x1d: {  	[sflag:s22] =	ssyncset.done $0x0  }
0x1e: {  	[sflag:s22] =	ssyncadd.s32 $0xFFFFE700  }
.LBB2_1:
0x1f: {  	[spmem:s11], [sflag:s6] =	dma.local [hbm:s5], $0x1900  }
0x20: {  	[tilespmem:s4], [sflag:$0x1] =	stream.linear.gather [hbm4b:s7+s4], $0x2800, $0x38;
	[tilespmem:$0x1B440] =	vst v63  }
0x21: {  	_ = 	snop  }
0x22: {  	[tilespmem:s12], [sflag:$0x1] =	stream.linear.gather [hbm4b:s8+s4], $0x2800, $0x38;
	[tilespmem:$0x1B440] =	vst v63  }
0x23: {  	_ =	swait.ge [sflag:s13], $0x1900  }
0x24: {  	[sflag:s13] =	ssyncset.done $0x0  }
0x25: {  	[sflag:s13] =	ssyncadd.s32 $0xFFFFE700  }
0x26: {  	_ =	swait.ge [sflag:s13], $0x2800  }
0x27: {  	[sflag:s13] =	ssyncset.done $0x0  }
0x28: {  	[sflag:s13] =	ssyncadd.s32 $0xFFFFD800  }
0x29: {  	_ =	swait.ge [sflag:s13], $0x2800  }
0x2a: {  	[sflag:s13] =	ssyncset.done $0x0  }
0x2b: {  	[sflag:s13] =	ssyncadd.s32 $0xFFFFD800  }
0x2c: {  	[bflag:$0x0] =	sbarrier.arrive $0xFFFF  }
0x2d: {  	[tilespmem:s15], [sflag:$0x1] =	stream.indirect.gather [hbm4b:s1+s14], $0x50, s4, s14, $0xb8;
	[tilespmem:$0x1B440] =	vst v63  }
0x2e: {  	s24 =	simm.s32 $0x180;
	s25 =	simm.s32 $0x2880;
	s26 =	simm.s32 $0x0  }
0x2f: {  	[tilespmem:s17], [sflag:$0x1] =	stream.indirect.gather [hbm4b:s1+s14], $0x50, s16, s14, $0xb8;
	[tilespmem:$0x1B440] =	vst v63  }
.LBB2_2:
0x30: {  	_ =	swait.ge [sflag:s13], $0x2710  }
0x31: {  	[sflag:s13] =	ssyncset.done $0x0  }
0x32: {  	[sflag:s13] =	ssyncadd.s32 $0xFFFFD8F0  }
0x33: {  	_ =	swait.ge [sflag:s13], $0x2710  }
0x34: {  	p0 =	seq.s32 s26, $0x0;
	[sflag:s13] =	ssyncset.done $0x0  }
0x35: {  	s31 =	simm.s32 @!p0 $0x2;
	p1 =	seq.s32 @!p0 s26, $0x27;
	[sflag:s13] =	ssyncadd.s32 $0xFFFFD8F0  }
0x36: {  	p1 =	por p0, !p1;
	_ =	swait.ge @!p0 [sflag:s31], $0x2710  }
.Ltmp2:
0x37: {  	s30 =	sand.u32 $0x1, s26;
	[sflag:s31] =	ssyncset.done @!p0 $0x0;
	(pc) =	sbr.rel @!p1 .LBB2_4-.Ltmp2, $4  }
0x38: {  	s28 =	smul.u32 $0x13880, s30;
	[sflag:s31] =	ssyncadd.s32 @!p0 $0xFFFFD8F0  }
0x39: {  	_ =	swait.ge @!p0 [sflag:s31], $0x2710  }
0x3a: {  	s28 =	sshrl.u32 s28, $0x2;
	[sflag:s31] =	ssyncset.done @!p0 $0x0  }
0x3b: {  	s29 =	sadd.s32 $0x5000, s28;
	s28 =	sadd.s32 $0x7710, s28;
	[sflag:s31] =	ssyncadd.s32 @!p0 $0xFFFFD8F0  }
0x3c: {  	s30 =	sxor.u32 $0x1, s30  }
0x3d: {  	s30 =	smul.u32 $0x13880, s30;
	_ =	sdelay $0x1  }
0x3e: {  	s30 =	sshrl.u32 s30, $0x2  }
0x3f: {  	s2 =	sadd.s32 $0xFFFFFF80, s24;
	s31 =	sadd.s32 $0x5000, s30  }
0x40: {  	[tilespmem:s31], [sflag:$0x1] =	stream.indirect.gather [hbm4b:s1+s14], $0x50, s2, s14, $0xb8;
	[tilespmem:$0x1B440] =	vst v63  }
0x41: {  	s30 =	sadd.s32 $0x7710, s30  }
0x42: {  	[tilespmem:s30], [sflag:$0x1] =	stream.indirect.gather [hbm4b:s1+s14], $0x50, s24, s14, $0xb8;
	[tilespmem:$0x1B440] =	vst v63  }
.Ltmp3:
0x43: {  	s31 =	sadd.s32 $0xFFFFFF80, s25;
	(pc) =	sbr.rel .LBB2_2-.Ltmp3, $4  }
0x44: {  	[spmem:s3] =	stream.indirect.scatter.add.f32 [tilespmem:s29], [sflag:$0x2], $0x50, s31, s14, $0xb8;
	[tilespmem:$0x1B440] =	vst v63  }
0x45: {  	_ = 	snop  }
0x46: {  	[spmem:s3] =	stream.indirect.scatter.add.f32 [tilespmem:s28], [sflag:$0x2], $0x50, s25, s14, $0xb8;
	[tilespmem:$0x1B440] =	vst v63  }
0x47: {  	s26 =	sadd.s32 $0x1, s26;
	s24 =	sadd.s32 $0x100, s24;
	s25 =	sadd.s32 $0x100, s25  }
.LBB2_5:
0x48: {  	_ =	sfence.sel $0x180000  }
0x49: {  	[bflag:$0x0] =	sbarrier.arrive $0xFFFF  }
0x4a: {  	_ =	strace $0x9000004A  }
0x4b: {  	[bflag:$0x2] =	sbarrier.arrive $0xFFFF  }
0x4c: {  	p0 =	sne.s32 s0, $0x0;
	s0 =	rddreg [dreg:$0x3]  }
0x4d: {  	s0 =	sadd.s32 @!p0 $0x100000, s0  }
0x4e: {  	[sflag:s0] =	ssyncadd.tile.s32 @!p0 $0x1;
	_ =	shalt  }
.Lfunc_end2:
_tile_overlayer_lowered:
.L_overlay_start_2:
0x4f: {  	(tag) =	ssettag $0x2  }
0x50: {  	s0 =	rddreg [dreg:$0x0];
	s2 =	stileid.u32  }
0x51: {  	s1 =	rddreg [dreg:$0x1];
	p0 =	sne.s32 s2, $0x0  }
0x52: {  	s3 =	rddreg [dreg:$0x2];
	[bflag:$0x3] =	sbarrier.arrive $0xFFFF;
	s2 =	simm.s32 @!p0 $0x1C03  }
0x53: {  	[timem:s3], [sflag:s2] =	dma.local @!p0 [hbm:s0], s1  }
0x54: {  	s0 =	simm.s32 @!p0 $0x3  }
0x55: {  	_ =	swait.ge @!p0 [sflag:s0], s1  }
0x56: {  	s1 =	ssub.s32 @!p0 $0x0, s1;
	[sflag:s0] =	ssyncset.done @!p0 $0x0  }
0x57: {  	[sflag:s0] =	ssyncadd.s32 @!p0 s1  }
0x58: {  	[bflag:$0x3] =	sbarrier.arrive $0xFFFF  }
0x59: {  	_ =	shalt  }

// kernel: kernel.17.cloned.1.call-start
scs
__scs_entry_jumppad:
0x0: {  	(pc) =	sbr.rel $0x88, $3  }
0x1: {  	(tag) =	ssettag $0x0;
	lr =	simm.s32 $0x1  }
0x2: {  	[smem:$0x3F88] =	sst lr;
	_ =	strace $0xD0000000  }
0x3: {  	_ = 	snop  }
0x4: {  	_ = 	snop  }
0x5: {  	_ = 	snop  }
0x6: {  	_ = 	snop  }
0x7: {  	_ = 	snop  }
__scs_overlays_trampoline_lowered:
0x8: {  	[smem:$0x3F97] =	sst s0  }
0x9: {  	[smem:$0x3F98] =	sst s1  }
0xa: {  	[smem:$0x3F99] =	sst s2  }
0xb: {  	[smem:$0x3F9A] =	sst s3  }
0xc: {  	[smem:$0x3F9B] =	sst s4  }
0xd: {  	[smem:$0x3F9C] =	sst s5  }
0xe: {  	[smem:$0x3F9D] =	sst s6  }
0xf: {  	[smem:$0x3F9E] =	sst s7  }
0x10: {  	[smem:$0x3F9F] =	sst s8  }
0x11: {  	[smem:$0x3FA0] =	sst s9;
	s0 =	simm.s32 @!p0 $0x0  }
0x12: {  	s1 =	sld [smem:$0x3F86];
	s0 =	simm.s32 @p0 $0x1  }
0x13: {  	[smem:$0x3FA1] =	sst s0;
	s0 =	simm.s32 @!p1 $0x0  }
0x14: {  	s2 =	sld [smem:$0x3F85];
	s0 =	simm.s32 @p1 $0x1  }
0x15: {  	[smem:$0x3FA2] =	sst s0;
	s0 =	simm.s32 @!p2 $0x0  }
0x16: {  	s3 =	sld [smem:$0x3FDB];
	s0 =	simm.s32 @p2 $0x1  }
0x17: {  	s4 =	simm.s32 $0x1BF5;
	[smem:$0x3FA4] =	sst s0  }
0x18: {  	s0 =	sld [smem:$0x3F87];
	_ =	swait.ge [sflag:s4], $0x0  }
0x19: {  	s7 =	sld [smem:$0x3F88]  }
0x1a: {  	s8 =	sadd.s32 $0xFFFFE003, lr  }
0x1b: {  	s9 =	sadd.s32 $0xFFFFFEF7, lr;
	s5 =	simm.s32 $0xFFFFFFFF;
	p2 =	slt.u32 s8, $0xFFFFF086  }
0x1c: {  	p1 =	slt.u32 s9, $0xF7A;
	s5 =	simm.s32 @!p2 $0x0  }
0x1d: {  	s5 =	simm.s32 @p1 $0x1;
	p0 =	seq.s32 s7, s2  }
0x1e: {  	s7 =	smul.u32 @!p0 $0xF7A, s2;
	p2 =	seq.s32 @!p0 s5, $0x0  }
0x1f: {  	s9 =	smul.u32 $0xF7A, s1;
	s8 =	simm.s32 @!p0 $0x1BF5;
	p2 =	por !p2, p0  }
0x20: {  	[sflag:s8] =	ssyncset.s32 @!p0 $0xFFFFF086;
	s6 =	sadd.s32 @!p0 s3, s7;
	s7 =	simm.s32 @!p0 $0x108  }
0x21: {  	s3 =	sadd.s32 s3, s9;
	s6 =	sadd.s32 @!p0 $0x88, s6;
	s7 =	simm.s32 @p2 $0x1082  }
0x22: {  	[simem:s7], [sflag:s8] =	dma.local @!p0 [hbm:s6], $0xF7A  }
0x23: {  	s9 =	sor.u32 $0xD0000000, s2;
	s6 =	simm.s32 $0x108;
	_ =	swait.ge @!p0 [sflag:s8], $0x0  }
0x24: {  	s3 =	sadd.s32 $0x88, s3;
	s6 =	simm.s32 @!p1 $0x1082;
	[sflag:s4] =	ssyncset.s32 $0xFFFFF086  }
0x25: {  	[simem:s6], [sflag:s4] =	dma.local [hbm:s3], $0xF7A  }
0x26: {  	[smem:$0x3F88] =	sst s1;
	(tag) =	ssettag s2;
	_ =	strace s9  }
0x27: {  	s1 =	sld [smem:$0x3F98]  }
0x28: {  	s2 =	sld [smem:$0x3F99]  }
0x29: {  	s4 =	sld [smem:$0x3F9B]  }
0x2a: {  	p0 =	seq.s32 s5, $0x0;
	s5 =	sld [smem:$0x3F9C]  }
0x2b: {  	s6 =	sld [smem:$0x3F9D]  }
0x2c: {  	s7 =	sld [smem:$0x3F9E]  }
0x2d: {  	s3 =	simm.s32 $0x108;
	s8 =	sld [smem:$0x3F9F]  }
0x2e: {  	s3 =	simm.s32 @!p0 $0x1082;
	s9 =	sld [smem:$0x3FA0]  }
0x2f: {  	lr =	sadd.s32 s0, s3;
	s0 =	sld [smem:$0x3F97]  }
0x30: {  	s3 =	sld [smem:$0x3F9A]  }
0x31: {  	[smem:$0x3FA3] =	sst s10  }
0x32: {  	s10 =	sld [smem:$0x3FA1];
	_ =	sdelay $0x3  }
0x33: {  	p0 =	seq.s32 s10, $0x1;
	s10 =	sld [smem:$0x3FA3];
	_ =	sdelay $0x3  }
0x34: {  	[smem:$0x3FA3] =	sst s10  }
0x35: {  	s10 =	sld [smem:$0x3FA2];
	_ =	sdelay $0x3  }
0x36: {  	p1 =	seq.s32 s10, $0x1;
	s10 =	sld [smem:$0x3FA3];
	_ =	sdelay $0x3  }
0x37: {  	[smem:$0x3FA3] =	sst s10  }
0x38: {  	s10 =	sld [smem:$0x3FA4]  }
0x39: {  	_ = 	snop;
	(pc) =	sbr.ind lr, $3  }
0x3a: {  	_ = 	snop  }
0x3b: {  	_ = 	snop  }
0x3c: {  	p2 =	seq.s32 s10, $0x1;
	s10 =	sld [smem:$0x3FA3]  }
0x3d: {  	_ =	shalt  }
0x3e: {  	_ =	shalt  }
0x3f: {  	_ =	shalt  }
0x40: {  	_ =	shalt  }
0x41: {  	_ =	shalt  }
0x42: {  	_ =	shalt  }
0x43: {  	_ =	shalt  }
0x44: {  	_ =	shalt  }
0x45: {  	_ =	shalt  }
0x46: {  	_ =	shalt  }
0x47: {  	_ =	shalt  }
0x48: {  	_ =	shalt  }
0x49: {  	_ =	shalt  }
0x4a: {  	_ =	shalt  }
0x4b: {  	_ =	shalt  }
0x4c: {  	_ =	shalt  }
0x4d: {  	_ =	shalt  }
0x4e: {  	_ =	shalt  }
0x4f: {  	_ =	shalt  }
0x50: {  	_ =	shalt  }
0x51: {  	_ =	shalt  }
0x52: {  	_ =	shalt  }
0x53: {  	_ =	shalt  }
0x54: {  	_ =	shalt  }
0x55: {  	_ =	shalt  }
0x56: {  	_ =	shalt  }
0x57: {  	_ =	shalt  }
0x58: {  	_ =	shalt  }
0x59: {  	_ =	shalt  }
0x5a: {  	_ =	shalt  }
0x5b: {  	_ =	shalt  }
0x5c: {  	_ =	shalt  }
0x5d: {  	_ =	shalt  }
0x5e: {  	_ =	shalt  }
0x5f: {  	_ =	shalt  }
0x60: {  	_ =	shalt  }
0x61: {  	_ =	shalt  }
0x62: {  	_ =	shalt  }
0x63: {  	_ =	shalt  }
0x64: {  	_ =	shalt  }
0x65: {  	_ =	shalt  }
0x66: {  	_ =	shalt  }
0x67: {  	_ =	shalt  }
0x68: {  	_ =	shalt  }
0x69: {  	_ =	shalt  }
0x6a: {  	_ =	shalt  }
0x6b: {  	_ =	shalt  }
0x6c: {  	_ =	shalt  }
0x6d: {  	_ =	shalt  }
0x6e: {  	_ =	shalt  }
0x6f: {  	_ =	shalt  }
0x70: {  	_ =	shalt  }
0x71: {  	_ =	shalt  }
0x72: {  	_ =	shalt  }
0x73: {  	_ =	shalt  }
0x74: {  	_ =	shalt  }
0x75: {  	_ =	shalt  }
0x76: {  	_ =	shalt  }
0x77: {  	_ =	shalt  }
0x78: {  	_ =	shalt  }
0x79: {  	_ =	shalt  }
0x7a: {  	_ =	shalt  }
0x7b: {  	_ =	shalt  }
0x7c: {  	_ =	shalt  }
0x7d: {  	_ =	shalt  }
0x7e: {  	_ =	shalt  }
0x7f: {  	_ =	shalt  }
0x80: {  	_ =	shalt  }
0x81: {  	_ =	shalt  }
0x82: {  	_ =	shalt  }
0x83: {  	_ =	shalt  }
0x84: {  	_ =	shalt  }
0x85: {  	_ =	shalt  }
0x86: {  	_ =	shalt  }
0x87: {  	_ =	shalt  }
.Lfunc_end0:
.L_simem_size_0:
called_computation.2_lowered:
.L_overlay_start_0:
0x88: {  	s2 =	sld [smem:$0x3FD9]  }
0x89: {  	s3 =	sld [smem:$0x3FFE];
	_ =	sdelay $0x1  }
0x8a: {  	s1 =	srdreg.scid  }
0x8b: {  	s0 =	sand.u32 $0x1, s1  }
0x8c: {  	s16 =	sshll.u32 s0, $0xA;
	s2 =	sadd.s32 s3, s2  }
0x8d: {  	s2 =	sadd.s32 s2, s16  }
0x8e: {  	[smem:$0x3FAF] =	sst s2  }
0x8f: {  	_ = 	snop  }
0x90: {  	(tm) =	ssettm $0x1  }
0x91: {  	s17 =	sld [smem:$0x3FFB];
	_ =	sdelay $0x3  }
0x92: {  	_ =	strace s17  }
0x93: {  	s2 =	sld [smem:$0x3FFC];
	_ =	sdelay $0x3  }
0x94: {  	_ =	strace s2  }
0x95: {  	s2 =	sld [smem:$0x3FFD];
	_ =	sdelay $0x3  }
0x96: {  	_ =	strace s2  }
0x97: {  	_ =	strace $0x8FFFFFFF  }
0x98: {  	s18 =	sld [smem:$0x3FDB];
	_ =	sdelay $0x1  }
0x99: {  	s19 =	simm.s32 $_scs_section_size  }
0x9a: {  	s4 =	simm.s32 $_size__tile_overlayer_lowered;
	s5 =	simm.s32 $_tile_overlayer_lowered  }
0x9b: {  	s22 =	simm.s32 $0x1BFF;
	s21 =	sshll.u32 s5, $0x1;
	s2 =	sadd.s32 s19, s18  }
0x9c: {  	s6 =	simm.s32 $0x0;
	s20 =	sshll.u32 s4, $0x1;
	s4 =	sadd.s32 s21, s2  }
0x9d: {  	[timem:s6], [sflag:s22] =	dma.local [hbm:s4], s20  }
0x9e: {  	_ =	swait.ge [sflag:s22], s20  }
0x9f: {  	s3 =	ssub.s32 $0x0, s20;
	[sflag:s22] =	ssyncset.done $0x0  }
0xa0: {  	[sflag:s22] =	ssyncadd.s32 s3;
	_ =	sdelay $0x1  }
0xa1: {  	s23 =	simm.s32 $0x1B8B  }
0xa2: {  	_ =	swait.ge [sflag:s23], $0x1  }
0xa3: {  	[sflag:s23] =	ssyncset.done $0x0  }
0xa4: {  	s25 =	simm.s32 $0x1B8E;
	s24 =	sld [smem:$0x3FFE];
	[sflag:s23] =	ssyncadd.s32 $0xFFFFFFFF  }
0xa5: {  	s26 =	simm.s32 $execute0_lowered;
	[smem:$0x3FD2] =	sst s25  }
0xa6: {  	s4 =	sshll.u32 s26, $0x1;
	_ =	strace $0x8000004C;
	[dreg:$0x1] =	wrdreg $0xFFFFFFFF  }
0xa7: {  	s28 =	simm.s32 $_size_execute0_lowered;
	s2 =	sadd.s32 s2, s4;
	[dreg:$0x0] =	wrdreg $0x0  }
0xa8: {  	s4 =	sshll.u32 s28, $0x1;
	[dreg:$0x2] =	wrdreg s2  }
0xa9: {  	[dreg:$0x3] =	wrdreg s4  }
0xaa: {  	[dreg:$0x4] =	wrdreg $0xC0  }
0xab: {  	_ =	task [dreg:s6], $0x5FFFF  }
0xac: {  	[dreg:$0x1] =	wrdreg $0xFFFFFFFF  }
0xad: {  	[dreg:$0x0] =	wrdreg $0x60  }
0xae: {  	[dreg:$0x2] =	wrdreg s24  }
0xaf: {  	[dreg:$0x3] =	wrdreg $0xEC400  }
0xb0: {  	[dreg:$0x4] =	wrdreg $0x9  }
0xb1: {  	_ =	task.clear_ibuf [dreg:s6], $0x5FFFF;
	_ =	strace $0x9000004C  }
0xb2: {  	s29 =	simm.s32 $0x9;
	_ =	strace $0x8000004E  }
0xb3: {  	_ =	swait.ge [sflag:s29], $0x1  }
0xb4: {  	[sflag:s29] =	ssyncadd.s32 $0xFFFFFFFF  }
0xb5: {  	_ =	strace $0x9000004E  }
0xb6: {  	_ =	sfence  }
0xb7: {  	s30 =	sld [smem:$0x0];
	_ =	sdelay $0x2  }
0xb8: {  	s31 =	sshll.u32 s1, $0xD;
	s1 =	sshrl.u32 s1, $0x2  }
0xb9: {  	s3 =	sand.u32 $0x4000, s31;
	s1 =	sadd.s32 s1, s30  }
0xba: {  	s0 =	sor.u32 s3, s0;
	s1 =	sshll.u32 s1, $0x11  }
0xbb: {  	s0 =	sor.u32 s1, s0  }
0xbc: {  	s0 =	sadd.s32 $0x8F2B, s0  }
0xbd: {  	[sflag:s0] =	ssyncadd.remote.s32 $0x1  }
0xbe: {  	_ =	sfence.sel $0xFFFF  }
0xbf: {  	[dreg:$0x0] =	wrdreg $0xFFFFFFFF;
	(pc) =	sbr.abs _section_cstart, $3  }
0xc0: {  	[dreg:$0x1] =	wrdreg $0xFFFFFFFF  }
0xc1: {  	_ =	task.clear_ibuf [dreg:s6], $0x2FFFF;
	_ =	strace $0x9FFFFFFF  }
0xc2: {  	(tm) =	ssettm $0x7FFFFFFF  }
0xc3: {  	_ =	shalt  }
tec
execute0_lowered:
.L_overlay_start_1:
0x0: {  	(tag) =	ssettag $0x1  }
0x1: {  	s1 =	srdreg.scid  }
0x2: {  	s0 =	stileid.u32;
	s6 =	rddreg [dreg:$0x0]  }
0x3: {  	s2 =	rddreg [dreg:$0x1];
	s3 =	simm.s32 $0x0;
	s14 =	simm.s32 $0x7D  }
0x4: {  	s15 =	simm.s32 $0x5000;
	s16 =	simm.s32 $0x80;
	s17 =	simm.s32 $0x7710  }
0x5: {  	s18 =	simm.s32 $0x4F00;
	s19 =	simm.s32 $0x4F80;
	s20 =	simm.s32 $0x2  }
0x6: {  	s22 =	simm.s32 $0x3;
	s23 =	simm.s32 $0x0;
	s5 =	sand.u32 $0x1, s1  }
0x7: {  	s29 =	sshll.u32 s0, $0x1;
	s8 =	smul.u32 $0x6400, s0;
	[smem:$0x7FF] =	sst s3  }
0x8: {  	s4 =	sadd.s32 $0x19000, s6;
	s21 =	sshll.u32 s0, $0x6;
	s1 =	sor.u32 s5, s29  }
0x9: {  	s9 =	smul.u32 $0x64000, s5;
	_ =	strace $0x8000004D;
	s5 =	ssub.s32 $0x2, s5  }
0xa: {  	s7 =	smul.u32 $0x500, s1;
	s31 =	sshrl.u32 s8, $0x3;
	s11 =	sshrl.u32 s5, $0x1  }
0xb: {  	s13 =	sadd.s32 s8, s2;
	s30 =	sadd.s32 s8, s9;
	s9 =	sadd.s32 s31, s6  }
.Ltmp0:
0xc: {  	s10 =	sadd.s32 s7, s6;
	s7 =	sshrl.u32 s30, $0x3;
	(pc) =	sbr.rel .LBB2_1-.Ltmp0, $4  }
0xd: {  	s11 =	ssub.s32 s5, s11;
	s5 =	sadd.s32 $0x31800, s9;
	s12 =	sadd.s32 s7, s6  }
0xe: {  	s6 =	sor.u32 $0x1C01, s21;
	s7 =	sadd.s32 $0xF000, s10;
	s8 =	sadd.s32 $0x5000, s10  }
0xf: {  	s10 =	smax.u32 s11, $0x1;
	s11 =	sshrl.u32 s13, $0x3;
	s13 =	simm.s32 $0x1  }
0x10: {  	s21 =	sor.u32 $0x1C03, s21;
	s9 =	sadd.s32 $0xB9200, s12;
	s12 =	simm.s32 $0x2800  }
.LBB2_4:
0x11: {  	[spmem:s2] =	stream.indirect.scatter.add.f32 [tilespmem:s29], [sflag:$0x2], $0x50, s18, s14, $0xb8;
	[tilespmem:$0x15040] =	vst v63  }
0x12: {  	_ = 	snop  }
0x13: {  	[spmem:s2] =	stream.indirect.scatter.add.f32 [tilespmem:s28], [sflag:$0x2], $0x50, s19, s14, $0xb8;
	[tilespmem:$0x15040] =	vst v63  }
0x14: {  	_ =	swait.ge [sflag:s20], $0x2710  }
0x15: {  	[sflag:s20] =	ssyncset.done $0x0  }
0x16: {  	[sflag:s20] =	ssyncadd.s32 $0xFFFFD8F0  }
0x17: {  	_ =	swait.ge [sflag:s20], $0x2710  }
0x18: {  	s23 =	sadd.s32 $0x1, s23;
	[sflag:s20] =	ssyncset.done $0x0  }
0x19: {  	p0 =	sne.s32 s23, s10;
	[sflag:s20] =	ssyncadd.s32 $0xFFFFD8F0  }
.Ltmp1:
0x1a: {  	[bflag:$0x0] =	sbarrier.arrive $0xFFFF;
	(pc) =	sbr.rel @!p0 .LBB2_5-.Ltmp1, $4  }
0x1b: {  	[hbm:s9], [sflag:s21] =	dma.local [spmem:s11], $0xC80  }
0x1c: {  	_ =	swait.ge [sflag:s22], $0xC80  }
0x1d: {  	[sflag:s22] =	ssyncset.done $0x0  }
0x1e: {  	[sflag:s22] =	ssyncadd.s32 $0xFFFFF380  }
.LBB2_1:
0x1f: {  	[spmem:s11], [sflag:s6] =	dma.local [hbm:s5], $0xC80  }
0x20: {  	[tilespmem:s3], [sflag:$0x1] =	stream.linear.gather [hbm4b:s7+s3], $0x2800, $0x38;
	[tilespmem:$0x15040] =	vst v63  }
0x21: {  	_ = 	snop  }
0x22: {  	[tilespmem:s12], [sflag:$0x1] =	stream.linear.gather [hbm4b:s8+s3], $0x2800, $0x38;
	[tilespmem:$0x15040] =	vst v63  }
0x23: {  	_ =	swait.ge [sflag:s13], $0xC80  }
0x24: {  	[sflag:s13] =	ssyncset.done $0x0  }
0x25: {  	[sflag:s13] =	ssyncadd.s32 $0xFFFFF380  }
0x26: {  	_ =	swait.ge [sflag:s13], $0x2800  }
0x27: {  	[sflag:s13] =	ssyncset.done $0x0  }
0x28: {  	[sflag:s13] =	ssyncadd.s32 $0xFFFFD800  }
0x29: {  	_ =	swait.ge [sflag:s13], $0x2800  }
0x2a: {  	[sflag:s13] =	ssyncset.done $0x0  }
0x2b: {  	[sflag:s13] =	ssyncadd.s32 $0xFFFFD800  }
0x2c: {  	[bflag:$0x0] =	sbarrier.arrive $0xFFFF  }
0x2d: {  	[tilespmem:s15], [sflag:$0x1] =	stream.indirect.gather [hbm4b:s4+s14], $0x50, s3, s14, $0xb8;
	[tilespmem:$0x15040] =	vst v63  }
0x2e: {  	s24 =	simm.s32 $0x180;
	s25 =	simm.s32 $0x2880;
	s26 =	simm.s32 $0x0  }
0x2f: {  	[tilespmem:s17], [sflag:$0x1] =	stream.indirect.gather [hbm4b:s4+s14], $0x50, s16, s14, $0xb8;
	[tilespmem:$0x15040] =	vst v63  }
.LBB2_2:
0x30: {  	_ =	swait.ge [sflag:s13], $0x2710  }
0x31: {  	[sflag:s13] =	ssyncset.done $0x0  }
0x32: {  	[sflag:s13] =	ssyncadd.s32 $0xFFFFD8F0  }
0x33: {  	_ =	swait.ge [sflag:s13], $0x2710  }
0x34: {  	p0 =	seq.s32 s26, $0x0;
	[sflag:s13] =	ssyncset.done $0x0  }
0x35: {  	s31 =	simm.s32 @!p0 $0x2;
	p1 =	seq.s32 @!p0 s26, $0x27;
	[sflag:s13] =	ssyncadd.s32 $0xFFFFD8F0  }
0x36: {  	p1 =	por p0, !p1;
	_ =	swait.ge @!p0 [sflag:s31], $0x2710  }
.Ltmp2:
0x37: {  	s30 =	sand.u32 $0x1, s26;
	[sflag:s31] =	ssyncset.done @!p0 $0x0;
	(pc) =	sbr.rel @!p1 .LBB2_4-.Ltmp2, $4  }
0x38: {  	s28 =	smul.u32 $0x13880, s30;
	[sflag:s31] =	ssyncadd.s32 @!p0 $0xFFFFD8F0  }
0x39: {  	_ =	swait.ge @!p0 [sflag:s31], $0x2710  }
0x3a: {  	s28 =	sshrl.u32 s28, $0x2;
	[sflag:s31] =	ssyncset.done @!p0 $0x0  }
0x3b: {  	s29 =	sadd.s32 $0x5000, s28;
	s28 =	sadd.s32 $0x7710, s28;
	[sflag:s31] =	ssyncadd.s32 @!p0 $0xFFFFD8F0  }
0x3c: {  	s30 =	sxor.u32 $0x1, s30  }
0x3d: {  	s30 =	smul.u32 $0x13880, s30;
	_ =	sdelay $0x1  }
0x3e: {  	s30 =	sshrl.u32 s30, $0x2  }
0x3f: {  	s1 =	sadd.s32 $0xFFFFFF80, s24;
	s31 =	sadd.s32 $0x5000, s30  }
0x40: {  	[tilespmem:s31], [sflag:$0x1] =	stream.indirect.gather [hbm4b:s4+s14], $0x50, s1, s14, $0xb8;
	[tilespmem:$0x15040] =	vst v63  }
0x41: {  	s30 =	sadd.s32 $0x7710, s30  }
0x42: {  	[tilespmem:s30], [sflag:$0x1] =	stream.indirect.gather [hbm4b:s4+s14], $0x50, s24, s14, $0xb8;
	[tilespmem:$0x15040] =	vst v63  }
.Ltmp3:
0x43: {  	s31 =	sadd.s32 $0xFFFFFF80, s25;
	(pc) =	sbr.rel .LBB2_2-.Ltmp3, $4  }
0x44: {  	[spmem:s2] =	stream.indirect.scatter.add.f32 [tilespmem:s29], [sflag:$0x2], $0x50, s31, s14, $0xb8;
	[tilespmem:$0x15040] =	vst v63  }
0x45: {  	_ = 	snop  }
0x46: {  	[spmem:s2] =	stream.indirect.scatter.add.f32 [tilespmem:s28], [sflag:$0x2], $0x50, s25, s14, $0xb8;
	[tilespmem:$0x15040] =	vst v63  }
0x47: {  	s26 =	sadd.s32 $0x1, s26;
	s24 =	sadd.s32 $0x100, s24;
	s25 =	sadd.s32 $0x100, s25  }
.LBB2_5:
0x48: {  	_ =	sfence.sel $0x180000  }
0x49: {  	[bflag:$0x0] =	sbarrier.arrive $0xFFFF  }
0x4a: {  	_ =	strace $0x9000004D  }
0x4b: {  	[bflag:$0x2] =	sbarrier.arrive $0xFFFF  }
0x4c: {  	p0 =	sne.s32 s0, $0x0;
	s0 =	rddreg [dreg:$0x2]  }
0x4d: {  	s0 =	sadd.s32 @!p0 $0x100000, s0  }
0x4e: {  	[sflag:s0] =	ssyncadd.tile.s32 @!p0 $0x1;
	_ =	shalt  }
.Lfunc_end2:
_tile_overlayer_lowered:
.L_overlay_start_2:
0x4f: {  	(tag) =	ssettag $0x2  }
0x50: {  	s0 =	rddreg [dreg:$0x0];
	s2 =	stileid.u32  }
0x51: {  	s1 =	rddreg [dreg:$0x1];
	p0 =	sne.s32 s2, $0x0  }
0x52: {  	s3 =	rddreg [dreg:$0x2];
	[bflag:$0x3] =	sbarrier.arrive $0xFFFF;
	s2 =	simm.s32 @!p0 $0x1C03  }
0x53: {  	[timem:s3], [sflag:s2] =	dma.local @!p0 [hbm:s0], s1  }
0x54: {  	s0 =	simm.s32 @!p0 $0x3  }
0x55: {  	_ =	swait.ge @!p0 [sflag:s0], s1  }
0x56: {  	s1 =	ssub.s32 @!p0 $0x0, s1;
	[sflag:s0] =	ssyncset.done @!p0 $0x0  }
0x57: {  	[sflag:s0] =	ssyncadd.s32 @!p0 s1  }
0x58: {  	[bflag:$0x3] =	sbarrier.arrive $0xFFFF  }
0x59: {  	_ =	shalt  }

// kernel: kernel.20.cloned.1.call-start
scs
__scs_entry_jumppad:
0x0: {  	(pc) =	sbr.rel $0x88, $3  }
0x1: {  	(tag) =	ssettag $0x0;
	lr =	simm.s32 $0x1  }
0x2: {  	[smem:$0x3F88] =	sst lr;
	_ =	strace $0xD0000000  }
0x3: {  	_ = 	snop  }
0x4: {  	_ = 	snop  }
0x5: {  	_ = 	snop  }
0x6: {  	_ = 	snop  }
0x7: {  	_ = 	snop  }
__scs_overlays_trampoline_lowered:
0x8: {  	[smem:$0x3F97] =	sst s0  }
0x9: {  	[smem:$0x3F98] =	sst s1  }
0xa: {  	[smem:$0x3F99] =	sst s2  }
0xb: {  	[smem:$0x3F9A] =	sst s3  }
0xc: {  	[smem:$0x3F9B] =	sst s4  }
0xd: {  	[smem:$0x3F9C] =	sst s5  }
0xe: {  	[smem:$0x3F9D] =	sst s6  }
0xf: {  	[smem:$0x3F9E] =	sst s7  }
0x10: {  	[smem:$0x3F9F] =	sst s8  }
0x11: {  	[smem:$0x3FA0] =	sst s9;
	s0 =	simm.s32 @!p0 $0x0  }
0x12: {  	s1 =	sld [smem:$0x3F86];
	s0 =	simm.s32 @p0 $0x1  }
0x13: {  	[smem:$0x3FA1] =	sst s0;
	s0 =	simm.s32 @!p1 $0x0  }
0x14: {  	s2 =	sld [smem:$0x3F85];
	s0 =	simm.s32 @p1 $0x1  }
0x15: {  	[smem:$0x3FA2] =	sst s0;
	s0 =	simm.s32 @!p2 $0x0  }
0x16: {  	s3 =	sld [smem:$0x3FDB];
	s0 =	simm.s32 @p2 $0x1  }
0x17: {  	s4 =	simm.s32 $0x1BF5;
	[smem:$0x3FA4] =	sst s0  }
0x18: {  	s0 =	sld [smem:$0x3F87];
	_ =	swait.ge [sflag:s4], $0x0  }
0x19: {  	s7 =	sld [smem:$0x3F88]  }
0x1a: {  	s8 =	sadd.s32 $0xFFFFE003, lr  }
0x1b: {  	s9 =	sadd.s32 $0xFFFFFEF7, lr;
	s5 =	simm.s32 $0xFFFFFFFF;
	p2 =	slt.u32 s8, $0xFFFFF086  }
0x1c: {  	p1 =	slt.u32 s9, $0xF7A;
	s5 =	simm.s32 @!p2 $0x0  }
0x1d: {  	s5 =	simm.s32 @p1 $0x1;
	p0 =	seq.s32 s7, s2  }
0x1e: {  	s7 =	smul.u32 @!p0 $0xF7A, s2;
	p2 =	seq.s32 @!p0 s5, $0x0  }
0x1f: {  	s9 =	smul.u32 $0xF7A, s1;
	s8 =	simm.s32 @!p0 $0x1BF5;
	p2 =	por !p2, p0  }
0x20: {  	[sflag:s8] =	ssyncset.s32 @!p0 $0xFFFFF086;
	s6 =	sadd.s32 @!p0 s3, s7;
	s7 =	simm.s32 @!p0 $0x108  }
0x21: {  	s3 =	sadd.s32 s3, s9;
	s6 =	sadd.s32 @!p0 $0x88, s6;
	s7 =	simm.s32 @p2 $0x1082  }
0x22: {  	[simem:s7], [sflag:s8] =	dma.local @!p0 [hbm:s6], $0xF7A  }
0x23: {  	s9 =	sor.u32 $0xD0000000, s2;
	s6 =	simm.s32 $0x108;
	_ =	swait.ge @!p0 [sflag:s8], $0x0  }
0x24: {  	s3 =	sadd.s32 $0x88, s3;
	s6 =	simm.s32 @!p1 $0x1082;
	[sflag:s4] =	ssyncset.s32 $0xFFFFF086  }
0x25: {  	[simem:s6], [sflag:s4] =	dma.local [hbm:s3], $0xF7A  }
0x26: {  	[smem:$0x3F88] =	sst s1;
	(tag) =	ssettag s2;
	_ =	strace s9  }
0x27: {  	s1 =	sld [smem:$0x3F98]  }
0x28: {  	s2 =	sld [smem:$0x3F99]  }
0x29: {  	s4 =	sld [smem:$0x3F9B]  }
0x2a: {  	p0 =	seq.s32 s5, $0x0;
	s5 =	sld [smem:$0x3F9C]  }
0x2b: {  	s6 =	sld [smem:$0x3F9D]  }
0x2c: {  	s7 =	sld [smem:$0x3F9E]  }
0x2d: {  	s3 =	simm.s32 $0x108;
	s8 =	sld [smem:$0x3F9F]  }
0x2e: {  	s3 =	simm.s32 @!p0 $0x1082;
	s9 =	sld [smem:$0x3FA0]  }
0x2f: {  	lr =	sadd.s32 s0, s3;
	s0 =	sld [smem:$0x3F97]  }
0x30: {  	s3 =	sld [smem:$0x3F9A]  }
0x31: {  	[smem:$0x3FA3] =	sst s10  }
0x32: {  	s10 =	sld [smem:$0x3FA1];
	_ =	sdelay $0x3  }
0x33: {  	p0 =	seq.s32 s10, $0x1;
	s10 =	sld [smem:$0x3FA3];
	_ =	sdelay $0x3  }
0x34: {  	[smem:$0x3FA3] =	sst s10  }
0x35: {  	s10 =	sld [smem:$0x3FA2];
	_ =	sdelay $0x3  }
0x36: {  	p1 =	seq.s32 s10, $0x1;
	s10 =	sld [smem:$0x3FA3];
	_ =	sdelay $0x3  }
0x37: {  	[smem:$0x3FA3] =	sst s10  }
0x38: {  	s10 =	sld [smem:$0x3FA4]  }
0x39: {  	_ = 	snop;
	(pc) =	sbr.ind lr, $3  }
0x3a: {  	_ = 	snop  }
0x3b: {  	_ = 	snop  }
0x3c: {  	p2 =	seq.s32 s10, $0x1;
	s10 =	sld [smem:$0x3FA3]  }
0x3d: {  	_ =	shalt  }
0x3e: {  	_ =	shalt  }
0x3f: {  	_ =	shalt  }
0x40: {  	_ =	shalt  }
0x41: {  	_ =	shalt  }
0x42: {  	_ =	shalt  }
0x43: {  	_ =	shalt  }
0x44: {  	_ =	shalt  }
0x45: {  	_ =	shalt  }
0x46: {  	_ =	shalt  }
0x47: {  	_ =	shalt  }
0x48: {  	_ =	shalt  }
0x49: {  	_ =	shalt  }
0x4a: {  	_ =	shalt  }
0x4b: {  	_ =	shalt  }
0x4c: {  	_ =	shalt  }
0x4d: {  	_ =	shalt  }
0x4e: {  	_ =	shalt  }
0x4f: {  	_ =	shalt  }
0x50: {  	_ =	shalt  }
0x51: {  	_ =	shalt  }
0x52: {  	_ =	shalt  }
0x53: {  	_ =	shalt  }
0x54: {  	_ =	shalt  }
0x55: {  	_ =	shalt  }
0x56: {  	_ =	shalt  }
0x57: {  	_ =	shalt  }
0x58: {  	_ =	shalt  }
0x59: {  	_ =	shalt  }
0x5a: {  	_ =	shalt  }
0x5b: {  	_ =	shalt  }
0x5c: {  	_ =	shalt  }
0x5d: {  	_ =	shalt  }
0x5e: {  	_ =	shalt  }
0x5f: {  	_ =	shalt  }
0x60: {  	_ =	shalt  }
0x61: {  	_ =	shalt  }
0x62: {  	_ =	shalt  }
0x63: {  	_ =	shalt  }
0x64: {  	_ =	shalt  }
0x65: {  	_ =	shalt  }
0x66: {  	_ =	shalt  }
0x67: {  	_ =	shalt  }
0x68: {  	_ =	shalt  }
0x69: {  	_ =	shalt  }
0x6a: {  	_ =	shalt  }
0x6b: {  	_ =	shalt  }
0x6c: {  	_ =	shalt  }
0x6d: {  	_ =	shalt  }
0x6e: {  	_ =	shalt  }
0x6f: {  	_ =	shalt  }
0x70: {  	_ =	shalt  }
0x71: {  	_ =	shalt  }
0x72: {  	_ =	shalt  }
0x73: {  	_ =	shalt  }
0x74: {  	_ =	shalt  }
0x75: {  	_ =	shalt  }
0x76: {  	_ =	shalt  }
0x77: {  	_ =	shalt  }
0x78: {  	_ =	shalt  }
0x79: {  	_ =	shalt  }
0x7a: {  	_ =	shalt  }
0x7b: {  	_ =	shalt  }
0x7c: {  	_ =	shalt  }
0x7d: {  	_ =	shalt  }
0x7e: {  	_ =	shalt  }
0x7f: {  	_ =	shalt  }
0x80: {  	_ =	shalt  }
0x81: {  	_ =	shalt  }
0x82: {  	_ =	shalt  }
0x83: {  	_ =	shalt  }
0x84: {  	_ =	shalt  }
0x85: {  	_ =	shalt  }
0x86: {  	_ =	shalt  }
0x87: {  	_ =	shalt  }
.Lfunc_end0:
.L_simem_size_0:
called_computation.3_lowered:
.L_overlay_start_0:
0x88: {  	s2 =	sld [smem:$0x3FD9]  }
0x89: {  	s3 =	sld [smem:$0x3FFE];
	_ =	sdelay $0x1  }
0x8a: {  	s1 =	srdreg.scid  }
0x8b: {  	s0 =	sand.u32 $0x1, s1  }
0x8c: {  	s17 =	sshll.u32 s0, $0xA;
	s2 =	sadd.s32 s3, s2  }
0x8d: {  	s2 =	sadd.s32 s2, s17  }
0x8e: {  	[smem:$0x3FAF] =	sst s2  }
0x8f: {  	_ = 	snop  }
0x90: {  	s2 =	sld [smem:$0x3FD0];
	(tm) =	ssettm $0x1  }
0x91: {  	s18 =	sld [smem:$0x3FFB];
	_ =	sdelay $0x3  }
0x92: {  	_ =	strace s18  }
0x93: {  	s3 =	sld [smem:$0x3FFC];
	_ =	sdelay $0x3  }
0x94: {  	_ =	strace s3  }
0x95: {  	s3 =	sld [smem:$0x3FFD];
	_ =	sdelay $0x3  }
0x96: {  	_ =	strace s3  }
0x97: {  	_ =	strace $0x8FFFFFFF  }
0x98: {  	s19 =	sld [smem:$0x3FDB];
	_ =	sdelay $0x1  }
0x99: {  	s4 =	simm.s32 $_scs_section_size  }
0x9a: {  	s5 =	simm.s32 $_size__tile_overlayer_lowered;
	s6 =	simm.s32 $_tile_overlayer_lowered  }
0x9b: {  	s22 =	simm.s32 $0x1BFF;
	s21 =	sshll.u32 s6, $0x1;
	s3 =	sadd.s32 s4, s19  }
0x9c: {  	s7 =	simm.s32 $0x0;
	s20 =	sshll.u32 s5, $0x1;
	s5 =	sadd.s32 s21, s3  }
0x9d: {  	[timem:s7], [sflag:s22] =	dma.local [hbm:s5], s20  }
0x9e: {  	_ =	swait.ge [sflag:s22], s20  }
0x9f: {  	s4 =	ssub.s32 $0x0, s20;
	[sflag:s22] =	ssyncset.done $0x0  }
0xa0: {  	[sflag:s22] =	ssyncadd.s32 s4;
	_ =	sdelay $0x1  }
0xa1: {  	s23 =	simm.s32 $0x1B8B  }
0xa2: {  	_ =	swait.ge [sflag:s23], $0x1  }
0xa3: {  	[sflag:s23] =	ssyncset.done $0x0  }
0xa4: {  	s25 =	simm.s32 $0x1B8E;
	s24 =	sld [smem:$0x3FFE];
	[sflag:s23] =	ssyncadd.s32 $0xFFFFFFFF  }
0xa5: {  	s26 =	simm.s32 $execute0_lowered;
	[smem:$0x3FD2] =	sst s25  }
0xa6: {  	s5 =	sshll.u32 s26, $0x1;
	_ =	strace $0x8000004F;
	[dreg:$0x1] =	wrdreg $0xFFFFFFFF  }
0xa7: {  	s28 =	simm.s32 $_size_execute0_lowered;
	s3 =	sadd.s32 s3, s5;
	[dreg:$0x0] =	wrdreg $0x0  }
0xa8: {  	s5 =	sshll.u32 s28, $0x1;
	[dreg:$0x2] =	wrdreg s3  }
0xa9: {  	[dreg:$0x3] =	wrdreg s5  }
0xaa: {  	[dreg:$0x4] =	wrdreg $0xC0  }
0xab: {  	_ =	task [dreg:s7], $0x5FFFF  }
0xac: {  	[dreg:$0x1] =	wrdreg $0xFFFFFFFF  }
0xad: {  	[dreg:$0x0] =	wrdreg $0x60  }
0xae: {  	[dreg:$0x2] =	wrdreg s2  }
0xaf: {  	[dreg:$0x3] =	wrdreg s24  }
0xb0: {  	[dreg:$0x4] =	wrdreg $0xEC400  }
0xb1: {  	[dreg:$0x5] =	wrdreg $0x9  }
0xb2: {  	_ =	task.clear_ibuf [dreg:s7], $0x6FFFF;
	_ =	strace $0x9000004F  }
0xb3: {  	s29 =	simm.s32 $0x9;
	_ =	strace $0x80000051  }
0xb4: {  	_ =	swait.ge [sflag:s29], $0x1  }
0xb5: {  	[sflag:s29] =	ssyncadd.s32 $0xFFFFFFFF  }
0xb6: {  	_ =	strace $0x90000051  }
0xb7: {  	_ =	sfence  }
0xb8: {  	s30 =	sld [smem:$0x0];
	_ =	sdelay $0x2  }
0xb9: {  	s31 =	sshll.u32 s1, $0xD;
	s1 =	sshrl.u32 s1, $0x2  }
0xba: {  	s3 =	sand.u32 $0x4000, s31;
	s1 =	sadd.s32 s1, s30  }
0xbb: {  	s0 =	sor.u32 s3, s0;
	s1 =	sshll.u32 s1, $0x11  }
0xbc: {  	s0 =	sor.u32 s1, s0  }
0xbd: {  	s0 =	sadd.s32 $0x8F2B, s0  }
0xbe: {  	[sflag:s0] =	ssyncadd.remote.s32 $0x1  }
0xbf: {  	_ =	sfence.sel $0xFFFF  }
0xc0: {  	[dreg:$0x0] =	wrdreg $0xFFFFFFFF;
	(pc) =	sbr.abs _section_cstart, $3  }
0xc1: {  	[dreg:$0x1] =	wrdreg $0xFFFFFFFF  }
0xc2: {  	_ =	task.clear_ibuf [dreg:s7], $0x2FFFF;
	_ =	strace $0x9FFFFFFF  }
0xc3: {  	(tm) =	ssettm $0x7FFFFFFF  }
tec
execute0_lowered:
.L_overlay_start_1:
0x0: {  	(tag) =	ssettag $0x1  }
0x1: {  	s1 =	rddreg [dreg:$0x0]  }
0x2: {  	s2 =	srdreg.scid;
	s6 =	rddreg [dreg:$0x1]  }
0x3: {  	s0 =	stileid.u32;
	s3 =	rddreg [dreg:$0x2];
	s4 =	simm.s32 $0x0  }
0x4: {  	s14 =	simm.s32 $0x7D;
	s15 =	simm.s32 $0x5000;
	s16 =	simm.s32 $0x80  }
0x5: {  	s17 =	simm.s32 $0x7710;
	s18 =	simm.s32 $0x4F00;
	s19 =	simm.s32 $0x4F80  }
0x6: {  	s20 =	simm.s32 $0x2;
	s22 =	simm.s32 $0x3;
	s23 =	simm.s32 $0x0  }
0x7: {  	s5 =	sand.u32 $0x1, s2;
	s29 =	sshll.u32 s0, $0x1;
	s8 =	smul.u32 $0xC800, s0  }
0x8: {  	[smem:$0x7FF] =	sst s4;
	s21 =	sshll.u32 s0, $0x6;
	s2 =	sor.u32 s5, s29  }
0x9: {  	s9 =	smul.u32 $0xC8000, s5;
	_ =	strace $0x80000050;
	s5 =	ssub.s32 $0x2, s5  }
0xa: {  	s7 =	smul.u32 $0x500, s2;
	s31 =	sshrl.u32 s8, $0x3;
	s11 =	sshrl.u32 s5, $0x1  }
0xb: {  	s13 =	sadd.s32 s8, s3;
	s30 =	sadd.s32 s8, s9;
	s9 =	sadd.s32 s31, s6  }
.Ltmp0:
0xc: {  	s10 =	sadd.s32 s7, s6;
	s7 =	sshrl.u32 s30, $0x3;
	(pc) =	sbr.rel .LBB2_1-.Ltmp0, $4  }
0xd: {  	s11 =	ssub.s32 s5, s11;
	s5 =	sadd.s32 $0x3E000, s9;
	s12 =	sadd.s32 s7, s6  }
0xe: {  	s6 =	sor.u32 $0x1C01, s21;
	s7 =	sadd.s32 $0x61000, s10;
	s8 =	sadd.s32 $0x57000, s10  }
0xf: {  	s10 =	smax.u32 s11, $0x1;
	s11 =	sshrl.u32 s13, $0x3;
	s13 =	simm.s32 $0x1  }
0x10: {  	s21 =	sor.u32 $0x1C03, s21;
	s9 =	sadd.s32 $0x5000, s12;
	s12 =	simm.s32 $0x2800  }
.LBB2_4:
0x11: {  	[spmem:s3] =	stream.indirect.scatter.add.f32 [tilespmem:s29], [sflag:$0x2], $0x50, s18, s14, $0xb8;
	[tilespmem:$0x1B440] =	vst v63  }
0x12: {  	_ = 	snop  }
0x13: {  	[spmem:s3] =	stream.indirect.scatter.add.f32 [tilespmem:s28], [sflag:$0x2], $0x50, s19, s14, $0xb8;
	[tilespmem:$0x1B440] =	vst v63  }
0x14: {  	_ =	swait.ge [sflag:s20], $0x2710  }
0x15: {  	[sflag:s20] =	ssyncset.done $0x0  }
0x16: {  	[sflag:s20] =	ssyncadd.s32 $0xFFFFD8F0  }
0x17: {  	_ =	swait.ge [sflag:s20], $0x2710  }
0x18: {  	s23 =	sadd.s32 $0x1, s23;
	[sflag:s20] =	ssyncset.done $0x0  }
0x19: {  	p0 =	sne.s32 s23, s10;
	[sflag:s20] =	ssyncadd.s32 $0xFFFFD8F0  }
.Ltmp1:
0x1a: {  	[bflag:$0x0] =	sbarrier.arrive $0xFFFF;
	(pc) =	sbr.rel @!p0 .LBB2_5-.Ltmp1, $4  }
0x1b: {  	[hbm:s9], [sflag:s21] =	dma.local [spmem:s11], $0x1900  }
0x1c: {  	_ =	swait.ge [sflag:s22], $0x1900  }
0x1d: {  	[sflag:s22] =	ssyncset.done $0x0  }
0x1e: {  	[sflag:s22] =	ssyncadd.s32 $0xFFFFE700  }
.LBB2_1:
0x1f: {  	[spmem:s11], [sflag:s6] =	dma.local [hbm:s5], $0x1900  }
0x20: {  	[tilespmem:s4], [sflag:$0x1] =	stream.linear.gather [hbm4b:s7+s4], $0x2800, $0x38;
	[tilespmem:$0x1B440] =	vst v63  }
0x21: {  	_ = 	snop  }
0x22: {  	[tilespmem:s12], [sflag:$0x1] =	stream.linear.gather [hbm4b:s8+s4], $0x2800, $0x38;
	[tilespmem:$0x1B440] =	vst v63  }
0x23: {  	_ =	swait.ge [sflag:s13], $0x1900  }
0x24: {  	[sflag:s13] =	ssyncset.done $0x0  }
0x25: {  	[sflag:s13] =	ssyncadd.s32 $0xFFFFE700  }
0x26: {  	_ =	swait.ge [sflag:s13], $0x2800  }
0x27: {  	[sflag:s13] =	ssyncset.done $0x0  }
0x28: {  	[sflag:s13] =	ssyncadd.s32 $0xFFFFD800  }
0x29: {  	_ =	swait.ge [sflag:s13], $0x2800  }
0x2a: {  	[sflag:s13] =	ssyncset.done $0x0  }
0x2b: {  	[sflag:s13] =	ssyncadd.s32 $0xFFFFD800  }
0x2c: {  	[bflag:$0x0] =	sbarrier.arrive $0xFFFF  }
0x2d: {  	[tilespmem:s15], [sflag:$0x1] =	stream.indirect.gather [hbm4b:s1+s14], $0x50, s4, s14, $0xb8;
	[tilespmem:$0x1B440] =	vst v63  }
0x2e: {  	s24 =	simm.s32 $0x180;
	s25 =	simm.s32 $0x2880;
	s26 =	simm.s32 $0x0  }
0x2f: {  	[tilespmem:s17], [sflag:$0x1] =	stream.indirect.gather [hbm4b:s1+s14], $0x50, s16, s14, $0xb8;
	[tilespmem:$0x1B440] =	vst v63  }
.LBB2_2:
0x30: {  	_ =	swait.ge [sflag:s13], $0x2710  }
0x31: {  	[sflag:s13] =	ssyncset.done $0x0  }
0x32: {  	[sflag:s13] =	ssyncadd.s32 $0xFFFFD8F0  }
0x33: {  	_ =	swait.ge [sflag:s13], $0x2710  }
0x34: {  	p0 =	seq.s32 s26, $0x0;
	[sflag:s13] =	ssyncset.done $0x0  }
0x35: {  	s31 =	simm.s32 @!p0 $0x2;
	p1 =	seq.s32 @!p0 s26, $0x27;
	[sflag:s13] =	ssyncadd.s32 $0xFFFFD8F0  }
0x36: {  	p1 =	por p0, !p1;
	_ =	swait.ge @!p0 [sflag:s31], $0x2710  }
.Ltmp2:
0x37: {  	s30 =	sand.u32 $0x1, s26;
	[sflag:s31] =	ssyncset.done @!p0 $0x0;
	(pc) =	sbr.rel @!p1 .LBB2_4-.Ltmp2, $4  }
0x38: {  	s28 =	smul.u32 $0x13880, s30;
	[sflag:s31] =	ssyncadd.s32 @!p0 $0xFFFFD8F0  }
0x39: {  	_ =	swait.ge @!p0 [sflag:s31], $0x2710  }
0x3a: {  	s28 =	sshrl.u32 s28, $0x2;
	[sflag:s31] =	ssyncset.done @!p0 $0x0  }
0x3b: {  	s29 =	sadd.s32 $0x5000, s28;
	s28 =	sadd.s32 $0x7710, s28;
	[sflag:s31] =	ssyncadd.s32 @!p0 $0xFFFFD8F0  }
0x3c: {  	s30 =	sxor.u32 $0x1, s30  }
0x3d: {  	s30 =	smul.u32 $0x13880, s30;
	_ =	sdelay $0x1  }
0x3e: {  	s30 =	sshrl.u32 s30, $0x2  }
0x3f: {  	s2 =	sadd.s32 $0xFFFFFF80, s24;
	s31 =	sadd.s32 $0x5000, s30  }
0x40: {  	[tilespmem:s31], [sflag:$0x1] =	stream.indirect.gather [hbm4b:s1+s14], $0x50, s2, s14, $0xb8;
	[tilespmem:$0x1B440] =	vst v63  }
0x41: {  	s30 =	sadd.s32 $0x7710, s30  }
0x42: {  	[tilespmem:s30], [sflag:$0x1] =	stream.indirect.gather [hbm4b:s1+s14], $0x50, s24, s14, $0xb8;
	[tilespmem:$0x1B440] =	vst v63  }
.Ltmp3:
0x43: {  	s31 =	sadd.s32 $0xFFFFFF80, s25;
	(pc) =	sbr.rel .LBB2_2-.Ltmp3, $4  }
0x44: {  	[spmem:s3] =	stream.indirect.scatter.add.f32 [tilespmem:s29], [sflag:$0x2], $0x50, s31, s14, $0xb8;
	[tilespmem:$0x1B440] =	vst v63  }
0x45: {  	_ = 	snop  }
0x46: {  	[spmem:s3] =	stream.indirect.scatter.add.f32 [tilespmem:s28], [sflag:$0x2], $0x50, s25, s14, $0xb8;
	[tilespmem:$0x1B440] =	vst v63  }
0x47: {  	s26 =	sadd.s32 $0x1, s26;
	s24 =	sadd.s32 $0x100, s24;
	s25 =	sadd.s32 $0x100, s25  }
.LBB2_5:
0x48: {  	_ =	sfence.sel $0x180000  }
0x49: {  	[bflag:$0x0] =	sbarrier.arrive $0xFFFF  }
0x4a: {  	_ =	strace $0x90000050  }
0x4b: {  	[bflag:$0x2] =	sbarrier.arrive $0xFFFF  }
0x4c: {  	p0 =	sne.s32 s0, $0x0;
	s0 =	rddreg [dreg:$0x3]  }
0x4d: {  	s0 =	sadd.s32 @!p0 $0x100000, s0  }
0x4e: {  	[sflag:s0] =	ssyncadd.tile.s32 @!p0 $0x1;
	_ =	shalt  }
.Lfunc_end2:
_tile_overlayer_lowered:
.L_overlay_start_2:
0x4f: {  	(tag) =	ssettag $0x2  }
0x50: {  	s0 =	rddreg [dreg:$0x0];
	s2 =	stileid.u32  }
0x51: {  	s1 =	rddreg [dreg:$0x1];
	p0 =	sne.s32 s2, $0x0  }
0x52: {  	s3 =	rddreg [dreg:$0x2];
	[bflag:$0x3] =	sbarrier.arrive $0xFFFF;
	s2 =	simm.s32 @!p0 $0x1C03  }
0x53: {  	[timem:s3], [sflag:s2] =	dma.local @!p0 [hbm:s0], s1  }
0x54: {  	s0 =	simm.s32 @!p0 $0x3  }
0x55: {  	_ =	swait.ge @!p0 [sflag:s0], s1  }
0x56: {  	s1 =	ssub.s32 @!p0 $0x0, s1;
	[sflag:s0] =	ssyncset.done @!p0 $0x0  }
0x57: {  	[sflag:s0] =	ssyncadd.s32 @!p0 s1  }
0x58: {  	[bflag:$0x3] =	sbarrier.arrive $0xFFFF  }
0x59: {  	_ =	shalt  }

</sc_bundles>
